<compile_context>
chip_gen: v7x
topology: tpu7x:2x2x1
jax: 0.10.2.dev20260603
libtpu: 0.0.44.dev20260713+nightly
codegen_flags: <defaults>
</compile_context>

<pallas_src>
import functools

import jax
import jax.numpy as jnp
from jax import lax
from jax.experimental import pallas as pl
from jax.experimental.pallas import tpu as pltpu
from jax.experimental.pallas import tpu_sc as plsc

_CH = 8
_NB = 8


def _sc_body(x_hbm, t_hbm, o_hbm, *refs, B, S, D, rows_per_w):
    xbufs = refs[0:_NB]
    tbufs = refs[_NB:_NB + 2]
    xlsems = refs[_NB + 2:2 * _NB + 2]
    xssems = refs[2 * _NB + 2:3 * _NB + 2]
    tsems = refs[3 * _NB + 2:3 * _NB + 4]

    wid = lax.axis_index("s") * 2 + lax.axis_index("c")
    row0 = wid * rows_per_w
    nch = rows_per_w // _CH
    nvec = D // 16

    def tslice(c):
        return t_hbm.at[pl.ds(row0 + c * _CH, _CH), :]

    def xslice(ref, c, b):
        return ref.at[b, pl.ds(row0 + c * _CH, _CH), :]

    pltpu.async_copy(tslice(0), tbufs[0], tsems[0])
    pltpu.async_copy(tslice(1), tbufs[1], tsems[1])

    @pl.loop(0, nch, step=2)
    def _chunks(c0):
        loads = []
        for p in range(2):
            for b in range(B):
                q = p * B + b

                @pl.when(c0 > 1)
                def _drain():
                    for h in range(2):
                        pltpu.make_async_copy(
                            xbufs[q].at[pl.ds(h * (_CH // 2), _CH // 2), :],
                            o_hbm.at[
                                b,
                                pl.ds(
                                    row0 + (c0 + p - 2) * _CH + h * (_CH // 2),
                                    _CH // 2,
                                ),
                                :,
                            ],
                            xssems[q],
                        ).wait()

                loads.append(
                    pltpu.async_copy(
                        xslice(x_hbm, c0 + p, b), xbufs[q], xlsems[q]
                    )
                )

        for p in range(2):
            c = c0 + p
            pltpu.make_async_copy(tslice(c), tbufs[p], tsems[p]).wait()

            for b in range(B):
                q = p * B + b
                loads[q].wait()
                xb, tb = xbufs[q], tbufs[p]
                half = (_CH // 2) * nvec

                for h in range(2):

                    @plsc.parallel_loop(h * half, (h + 1) * half, unroll=8)
                    def _vadd(v):
                        r = v >> 6
                        sl = pl.ds((v & (nvec - 1)) * 16, 16)
                        xb[r, sl] = xb[r, sl] + tb[r, sl]

                    pltpu.async_copy(
                        xbufs[q].at[pl.ds(h * (_CH // 2), _CH // 2), :],
                        o_hbm.at[
                            b,
                            pl.ds(row0 + c * _CH + h * (_CH // 2), _CH // 2),
                            :,
                        ],
                        xssems[q],
                    )

            @pl.when(c + 2 < nch)
            def _refill():
                pltpu.async_copy(tslice(c + 2), tbufs[p], tsems[p])

    for p in range(2):
        for b in range(B):
            q = p * B + b
            for h in range(2):
                pltpu.make_async_copy(
                    xbufs[q].at[pl.ds(h * (_CH // 2), _CH // 2), :],
                    o_hbm.at[
                        b,
                        pl.ds(
                            row0 + (nch - 2 + p) * _CH + h * (_CH // 2),
                            _CH // 2,
                        ),
                        :,
                    ],
                    xssems[q],
                ).wait()


def kernel(x, table):
    B, S, D = x.shape
    nw = 32
    rows_per_w = S // nw
    mesh = plsc.VectorSubcoreMesh(core_axis_name="c", subcore_axis_name="s")

    scratch = [pltpu.VMEM((_CH, D), jnp.float32) for _ in range(_NB + 2)]
    scratch.extend(pltpu.SemaphoreType.DMA for _ in range(2 * _NB + 2))

    k = functools.partial(
        pl.kernel,
        mesh=mesh,
        out_type=jax.ShapeDtypeStruct((B, S, D), jnp.float32),
        scratch_types=scratch,
    )(functools.partial(_sc_body, B=B, S=S, D=D, rows_per_w=rows_per_w))

    return k(x, table)

# --- scband reference (transcript-rebuilt; emitter-appended) ---
"""Pipeline reference for scband-learned-position-embeddings-57672820851089 (READ-ONLY COPY).

The authoritative reference and input builder live on the scoring server;
editing this copy changes nothing except your own understanding.
"""

import jax, jax.numpy as jnp
import numpy as np

D_MODEL = 1024
MAX_LEN = 373248
BATCH = 4
SEQ_LEN = 8192

def setup_inputs(seed: int = 0) -> dict:
    key = jax.random.key(seed)
    k_x, k_tab = jax.random.split(key)
    x = jax.random.normal(k_x, (BATCH, SEQ_LEN, D_MODEL), dtype=jnp.float32)
    # nn.Embedding default init: N(0, 1)
    table = jax.random.normal(k_tab, (MAX_LEN, D_MODEL), dtype=jnp.float32)
    return {"x": x, "table": table}

def reference(x, table):
    # positions = arange(0, x.size(1))
    positions = jnp.arange(x.shape[1], dtype=jnp.int32)
    # embedding lookup: gather rows of the table
    position_embeddings = jnp.take(table, positions, axis=0)  # [S, d_model]
    # x += position_embeddings (broadcast over batch)
    return x + position_embeddings[None, :, :]

if __name__ == "__main__":
    import jax
    _d = setup_inputs()
    print(jax.jit(kernel)(*tuple(_d.values())))

</pallas_src>

<mosaic_0001>
#map = affine_map<(d0, d1) -> (0, 0, 0)>
#map1 = affine_map<(d0, d1) -> (0, 0)>
module attributes {stable_mosaic.version = 14 : i64} {
  func.func @_sc_body(%arg0: i32, %arg1: i32, %arg2: memref<4x8192x1024xf32, #tpu.memory_space<hbm>>, %arg3: memref<373248x1024xf32, #tpu.memory_space<hbm>>, %arg4: memref<4x8192x1024xf32, #tpu.memory_space<hbm>>, %arg5: memref<8x1024xf32, #tpu.memory_space<vmem>>, %arg6: memref<8x1024xf32, #tpu.memory_space<vmem>>, %arg7: memref<8x1024xf32, #tpu.memory_space<vmem>>, %arg8: memref<8x1024xf32, #tpu.memory_space<vmem>>, %arg9: memref<8x1024xf32, #tpu.memory_space<vmem>>, %arg10: memref<8x1024xf32, #tpu.memory_space<vmem>>, %arg11: memref<8x1024xf32, #tpu.memory_space<vmem>>, %arg12: memref<8x1024xf32, #tpu.memory_space<vmem>>, %arg13: memref<8x1024xf32, #tpu.memory_space<vmem>>, %arg14: memref<8x1024xf32, #tpu.memory_space<vmem>>, %arg15: memref<!tpu.dma_semaphore, #tpu.memory_space<semaphore_mem>>, %arg16: memref<!tpu.dma_semaphore, #tpu.memory_space<semaphore_mem>>, %arg17: memref<!tpu.dma_semaphore, #tpu.memory_space<semaphore_mem>>, %arg18: memref<!tpu.dma_semaphore, #tpu.memory_space<semaphore_mem>>, %arg19: memref<!tpu.dma_semaphore, #tpu.memory_space<semaphore_mem>>, %arg20: memref<!tpu.dma_semaphore, #tpu.memory_space<semaphore_mem>>, %arg21: memref<!tpu.dma_semaphore, #tpu.memory_space<semaphore_mem>>, %arg22: memref<!tpu.dma_semaphore, #tpu.memory_space<semaphore_mem>>, %arg23: memref<!tpu.dma_semaphore, #tpu.memory_space<semaphore_mem>>, %arg24: memref<!tpu.dma_semaphore, #tpu.memory_space<semaphore_mem>>, %arg25: memref<!tpu.dma_semaphore, #tpu.memory_space<semaphore_mem>>, %arg26: memref<!tpu.dma_semaphore, #tpu.memory_space<semaphore_mem>>, %arg27: memref<!tpu.dma_semaphore, #tpu.memory_space<semaphore_mem>>, %arg28: memref<!tpu.dma_semaphore, #tpu.memory_space<semaphore_mem>>, %arg29: memref<!tpu.dma_semaphore, #tpu.memory_space<semaphore_mem>>, %arg30: memref<!tpu.dma_semaphore, #tpu.memory_space<semaphore_mem>>, %arg31: memref<!tpu.dma_semaphore, #tpu.memory_space<semaphore_mem>>, %arg32: memref<!tpu.dma_semaphore, #tpu.memory_space<semaphore_mem>>) attributes {dimension_semantics = [#tpu.dimension_semantics<core_parallel>, #tpu.dimension_semantics<subcore_parallel>], iteration_bounds = array<i64: 2, 16>, scalar_prefetch = 0 : i64, scratch_operands = 28 : i64, tpu.core_type = #tpu.core_type<sc_vector_subcore>, window_params = [{transform_indices = #map}, {transform_indices = #map1}, {transform_indices = #map}]} {
    %mul3A = arith.constant 2 : i32
    %mul3A_0 = arith.muli %arg1, %mul3A : i32
    %add3A = arith.addi %mul3A_0, %arg0 : i32
    %mul3A_1 = arith.constant 256 : i32
    %mul3A_2 = arith.muli %add3A, %mul3A_1 : i32
    %add3A_3 = arith.constant 0 : i32
    %add3A_4 = arith.addi %mul3A_2, %add3A_3 : i32
    %dma_start3A = arith.constant 0 : i32
    %dma_start3A_5 = tpu.memref_slice %arg3[%add3A_4, %dma_start3A] : memref<373248x1024xf32, #tpu.memory_space<hbm>> -> memref<8x1024xf32, #tpu.memory_space<hbm>>
    %dma_start3A_6 = arith.constant 0 : i32
    %dma_start3A_7 = tpu.memref_slice %arg3[%add3A_4, %dma_start3A_6] : memref<373248x1024xf32, #tpu.memory_space<hbm>> -> memref<8x1024xf32, #tpu.memory_space<hbm>>
    tpu.enqueue_dma source(%dma_start3A_7 : memref<8x1024xf32, #tpu.memory_space<hbm>>) target(%arg13 : memref<8x1024xf32, #tpu.memory_space<vmem>>) target_semaphore(%arg31 : memref<!tpu.dma_semaphore, #tpu.memory_space<semaphore_mem>>)
    %add3A_8 = arith.constant 8 : i32
    %add3A_9 = arith.addi %mul3A_2, %add3A_8 : i32
    %dma_start3A_10 = arith.constant 0 : i32
    %dma_start3A_11 = tpu.memref_slice %arg3[%add3A_9, %dma_start3A_10] : memref<373248x1024xf32, #tpu.memory_space<hbm>> -> memref<8x1024xf32, #tpu.memory_space<hbm>>
    %dma_start3A_12 = arith.constant 0 : i32
    %dma_start3A_13 = tpu.memref_slice %arg3[%add3A_9, %dma_start3A_12] : memref<373248x1024xf32, #tpu.memory_space<hbm>> -> memref<8x1024xf32, #tpu.memory_space<hbm>>
    tpu.enqueue_dma source(%dma_start3A_13 : memref<8x1024xf32, #tpu.memory_space<hbm>>) target(%arg14 : memref<8x1024xf32, #tpu.memory_space<vmem>>) target_semaphore(%arg32 : memref<!tpu.dma_semaphore, #tpu.memory_space<semaphore_mem>>)
    %scan3A = arith.constant 0 : i32
    %scan3A_14 = arith.constant 16 : i32
    %scan3A_15 = arith.addi %scan3A, %scan3A_14 : i32
    %scan3A_16 = arith.constant 1 : i32
    scf.for %scan3A_289 = %scan3A to %scan3A_15 step %scan3A_16  : i32 {
      %mul3A_290 = arith.constant 2 : i32
      %mul3A_291 = arith.muli %scan3A_289, %mul3A_290 : i32
      %add3A_292 = arith.constant 0 : i32
      %add3A_293 = arith.addi %add3A_292, %mul3A_291 : i32
      %gt3A = arith.constant 1 : i32
      %gt3A_294 = arith.cmpi sgt, %add3A_293, %gt3A : i32
      %convert_element_type3A = arith.extui %gt3A_294 : i1 to i32
      %cond3A = arith.constant 0 : i32
      %cond3A_295 = arith.cmpi ne, %convert_element_type3A, %cond3A : i32
      scf.if %cond3A_295 {
        %add3A_849 = arith.constant 0 : i32
        %add3A_850 = arith.addi %add3A_293, %add3A_849 : i32
        %sub3A = arith.constant 2 : i32
        %sub3A_851 = arith.subi %add3A_850, %sub3A : i32
        %mul3A_852 = arith.constant 8 : i32
        %mul3A_853 = arith.muli %sub3A_851, %mul3A_852 : i32
        %add3A_854 = arith.addi %mul3A_2, %mul3A_853 : i32
        %add3A_855 = arith.constant 0 : i32
        %add3A_856 = arith.addi %add3A_854, %add3A_855 : i32
        %dma_wait3A_857 = arith.constant 0 : i32
        %dma_wait3A_858 = arith.constant 0 : i32
        %dma_wait3A_859 = arith.constant 0 : i32
        %dma_wait3A_860 = tpu.memref_slice %arg5[%dma_wait3A_858, %dma_wait3A_859] : memref<8x1024xf32, #tpu.memory_space<vmem>> -> memref<4x1024xf32, #tpu.memory_space<vmem>>
        %dma_wait3A_861 = arith.constant 0 : i32
        %dma_wait3A_862 = tpu.memref_slice %arg4[%dma_wait3A_857, %add3A_856, %dma_wait3A_861] : memref<4x8192x1024xf32, #tpu.memory_space<hbm>> -> memref<1x4x1024xf32, #tpu.memory_space<hbm>>
        %dma_wait3A_863 = tpu.memref_squeeze %dma_wait3A_862 : memref<1x4x1024xf32, #tpu.memory_space<hbm>> -> memref<4x1024xf32, #tpu.memory_space<hbm>>
        %dma_wait3A_864 = arith.constant 0 : i32
        %dma_wait3A_865 = tpu.memref_slice %arg4[%dma_wait3A_857, %add3A_856, %dma_wait3A_864] : memref<4x8192x1024xf32, #tpu.memory_space<hbm>> -> memref<1x4x1024xf32, #tpu.memory_space<hbm>>
        %dma_wait3A_866 = tpu.memref_squeeze %dma_wait3A_865 : memref<1x4x1024xf32, #tpu.memory_space<hbm>> -> memref<4x1024xf32, #tpu.memory_space<hbm>>
        %dma_wait3A_867 = arith.constant 0 : i32
        %dma_wait3A_868 = arith.constant 0 : i32
        %dma_wait3A_869 = tpu.memref_slice %arg5[%dma_wait3A_867, %dma_wait3A_868] : memref<8x1024xf32, #tpu.memory_space<vmem>> -> memref<4x1024xf32, #tpu.memory_space<vmem>>
        tpu.wait_dma2 semaphore(%arg23 : memref<!tpu.dma_semaphore, #tpu.memory_space<semaphore_mem>>) src(%dma_wait3A_869 : memref<4x1024xf32, #tpu.memory_space<vmem>>) dst(%dma_wait3A_866 : memref<4x1024xf32, #tpu.memory_space<hbm>>)
        %add3A_870 = arith.constant 0 : i32
        %add3A_871 = arith.addi %add3A_293, %add3A_870 : i32
        %sub3A_872 = arith.constant 2 : i32
        %sub3A_873 = arith.subi %add3A_871, %sub3A_872 : i32
        %mul3A_874 = arith.constant 8 : i32
        %mul3A_875 = arith.muli %sub3A_873, %mul3A_874 : i32
        %add3A_876 = arith.addi %mul3A_2, %mul3A_875 : i32
        %add3A_877 = arith.constant 4 : i32
        %add3A_878 = arith.addi %add3A_876, %add3A_877 : i32
        %dma_wait3A_879 = arith.constant 0 : i32
        %dma_wait3A_880 = arith.constant 4 : i32
        %dma_wait3A_881 = arith.constant 0 : i32
        %dma_wait3A_882 = tpu.memref_slice %arg5[%dma_wait3A_880, %dma_wait3A_881] : memref<8x1024xf32, #tpu.memory_space<vmem>> -> memref<4x1024xf32, #tpu.memory_space<vmem>>
        %dma_wait3A_883 = arith.constant 0 : i32
        %dma_wait3A_884 = tpu.memref_slice %arg4[%dma_wait3A_879, %add3A_878, %dma_wait3A_883] : memref<4x8192x1024xf32, #tpu.memory_space<hbm>> -> memref<1x4x1024xf32, #tpu.memory_space<hbm>>
        %dma_wait3A_885 = tpu.memref_squeeze %dma_wait3A_884 : memref<1x4x1024xf32, #tpu.memory_space<hbm>> -> memref<4x1024xf32, #tpu.memory_space<hbm>>
        %dma_wait3A_886 = arith.constant 0 : i32
        %dma_wait3A_887 = tpu.memref_slice %arg4[%dma_wait3A_879, %add3A_878, %dma_wait3A_886] : memref<4x8192x1024xf32, #tpu.memory_space<hbm>> -> memref<1x4x1024xf32, #tpu.memory_space<hbm>>
        %dma_wait3A_888 = tpu.memref_squeeze %dma_wait3A_887 : memref<1x4x1024xf32, #tpu.memory_space<hbm>> -> memref<4x1024xf32, #tpu.memory_space<hbm>>
        %dma_wait3A_889 = arith.constant 4 : i32
        %dma_wait3A_890 = arith.constant 0 : i32
        %dma_wait3A_891 = tpu.memref_slice %arg5[%dma_wait3A_889, %dma_wait3A_890] : memref<8x1024xf32, #tpu.memory_space<vmem>> -> memref<4x1024xf32, #tpu.memory_space<vmem>>
        tpu.wait_dma2 semaphore(%arg23 : memref<!tpu.dma_semaphore, #tpu.memory_space<semaphore_mem>>) src(%dma_wait3A_891 : memref<4x1024xf32, #tpu.memory_space<vmem>>) dst(%dma_wait3A_888 : memref<4x1024xf32, #tpu.memory_space<hbm>>)
      } else {
      }
      %add3A_296 = arith.constant 0 : i32
      %add3A_297 = arith.addi %add3A_293, %add3A_296 : i32
      %mul3A_298 = arith.constant 8 : i32
      %mul3A_299 = arith.muli %add3A_297, %mul3A_298 : i32
      %add3A_300 = arith.addi %mul3A_2, %mul3A_299 : i32
      %dma_start3A_301 = arith.constant 0 : i32
      %dma_start3A_302 = arith.constant 0 : i32
      %dma_start3A_303 = tpu.memref_slice %arg2[%dma_start3A_301, %add3A_300, %dma_start3A_302] : memref<4x8192x1024xf32, #tpu.memory_space<hbm>> -> memref<1x8x1024xf32, #tpu.memory_space<hbm>>
      %dma_start3A_304 = tpu.memref_squeeze %dma_start3A_303 : memref<1x8x1024xf32, #tpu.memory_space<hbm>> -> memref<8x1024xf32, #tpu.memory_space<hbm>>
      %dma_start3A_305 = arith.constant 0 : i32
      %dma_start3A_306 = tpu.memref_slice %arg2[%dma_start3A_301, %add3A_300, %dma_start3A_305] : memref<4x8192x1024xf32, #tpu.memory_space<hbm>> -> memref<1x8x1024xf32, #tpu.memory_space<hbm>>
      %dma_start3A_307 = tpu.memref_squeeze %dma_start3A_306 : memref<1x8x1024xf32, #tpu.memory_space<hbm>> -> memref<8x1024xf32, #tpu.memory_space<hbm>>
      tpu.enqueue_dma source(%dma_start3A_307 : memref<8x1024xf32, #tpu.memory_space<hbm>>) target(%arg5 : memref<8x1024xf32, #tpu.memory_space<vmem>>) target_semaphore(%arg15 : memref<!tpu.dma_semaphore, #tpu.memory_space<semaphore_mem>>)
      %gt3A_308 = arith.constant 1 : i32
      %gt3A_309 = arith.cmpi sgt, %add3A_293, %gt3A_308 : i32
      %convert_element_type3A_310 = arith.extui %gt3A_309 : i1 to i32
      %cond3A_311 = arith.constant 0 : i32
      %cond3A_312 = arith.cmpi ne, %convert_element_type3A_310, %cond3A_311 : i32
      scf.if %cond3A_312 {
        %add3A_849 = arith.constant 0 : i32
        %add3A_850 = arith.addi %add3A_293, %add3A_849 : i32
        %sub3A = arith.constant 2 : i32
        %sub3A_851 = arith.subi %add3A_850, %sub3A : i32
        %mul3A_852 = arith.constant 8 : i32
        %mul3A_853 = arith.muli %sub3A_851, %mul3A_852 : i32
        %add3A_854 = arith.addi %mul3A_2, %mul3A_853 : i32
        %add3A_855 = arith.constant 0 : i32
        %add3A_856 = arith.addi %add3A_854, %add3A_855 : i32
        %dma_wait3A_857 = arith.constant 1 : i32
        %dma_wait3A_858 = arith.constant 0 : i32
        %dma_wait3A_859 = arith.constant 0 : i32
        %dma_wait3A_860 = tpu.memref_slice %arg6[%dma_wait3A_858, %dma_wait3A_859] : memref<8x1024xf32, #tpu.memory_space<vmem>> -> memref<4x1024xf32, #tpu.memory_space<vmem>>
        %dma_wait3A_861 = arith.constant 0 : i32
        %dma_wait3A_862 = tpu.memref_slice %arg4[%dma_wait3A_857, %add3A_856, %dma_wait3A_861] : memref<4x8192x1024xf32, #tpu.memory_space<hbm>> -> memref<1x4x1024xf32, #tpu.memory_space<hbm>>
        %dma_wait3A_863 = tpu.memref_squeeze %dma_wait3A_862 : memref<1x4x1024xf32, #tpu.memory_space<hbm>> -> memref<4x1024xf32, #tpu.memory_space<hbm>>
        %dma_wait3A_864 = arith.constant 0 : i32
        %dma_wait3A_865 = tpu.memref_slice %arg4[%dma_wait3A_857, %add3A_856, %dma_wait3A_864] : memref<4x8192x1024xf32, #tpu.memory_space<hbm>> -> memref<1x4x1024xf32, #tpu.memory_space<hbm>>
        %dma_wait3A_866 = tpu.memref_squeeze %dma_wait3A_865 : memref<1x4x1024xf32, #tpu.memory_space<hbm>> -> memref<4x1024xf32, #tpu.memory_space<hbm>>
        %dma_wait3A_867 = arith.constant 0 : i32
        %dma_wait3A_868 = arith.constant 0 : i32
        %dma_wait3A_869 = tpu.memref_slice %arg6[%dma_wait3A_867, %dma_wait3A_868] : memref<8x1024xf32, #tpu.memory_space<vmem>> -> memref<4x1024xf32, #tpu.memory_space<vmem>>
        tpu.wait_dma2 semaphore(%arg24 : memref<!tpu.dma_semaphore, #tpu.memory_space<semaphore_mem>>) src(%dma_wait3A_869 : memref<4x1024xf32, #tpu.memory_space<vmem>>) dst(%dma_wait3A_866 : memref<4x1024xf32, #tpu.memory_space<hbm>>)
        %add3A_870 = arith.constant 0 : i32
        %add3A_871 = arith.addi %add3A_293, %add3A_870 : i32
        %sub3A_872 = arith.constant 2 : i32
        %sub3A_873 = arith.subi %add3A_871, %sub3A_872 : i32
        %mul3A_874 = arith.constant 8 : i32
        %mul3A_875 = arith.muli %sub3A_873, %mul3A_874 : i32
        %add3A_876 = arith.addi %mul3A_2, %mul3A_875 : i32
        %add3A_877 = arith.constant 4 : i32
        %add3A_878 = arith.addi %add3A_876, %add3A_877 : i32
        %dma_wait3A_879 = arith.constant 1 : i32
        %dma_wait3A_880 = arith.constant 4 : i32
        %dma_wait3A_881 = arith.constant 0 : i32
        %dma_wait3A_882 = tpu.memref_slice %arg6[%dma_wait3A_880, %dma_wait3A_881] : memref<8x1024xf32, #tpu.memory_space<vmem>> -> memref<4x1024xf32, #tpu.memory_space<vmem>>
        %dma_wait3A_883 = arith.constant 0 : i32
        %dma_wait3A_884 = tpu.memref_slice %arg4[%dma_wait3A_879, %add3A_878, %dma_wait3A_883] : memref<4x8192x1024xf32, #tpu.memory_space<hbm>> -> memref<1x4x1024xf32, #tpu.memory_space<hbm>>
        %dma_wait3A_885 = tpu.memref_squeeze %dma_wait3A_884 : memref<1x4x1024xf32, #tpu.memory_space<hbm>> -> memref<4x1024xf32, #tpu.memory_space<hbm>>
        %dma_wait3A_886 = arith.constant 0 : i32
        %dma_wait3A_887 = tpu.memref_slice %arg4[%dma_wait3A_879, %add3A_878, %dma_wait3A_886] : memref<4x8192x1024xf32, #tpu.memory_space<hbm>> -> memref<1x4x1024xf32, #tpu.memory_space<hbm>>
        %dma_wait3A_888 = tpu.memref_squeeze %dma_wait3A_887 : memref<1x4x1024xf32, #tpu.memory_space<hbm>> -> memref<4x1024xf32, #tpu.memory_space<hbm>>
        %dma_wait3A_889 = arith.constant 4 : i32
        %dma_wait3A_890 = arith.constant 0 : i32
        %dma_wait3A_891 = tpu.memref_slice %arg6[%dma_wait3A_889, %dma_wait3A_890] : memref<8x1024xf32, #tpu.memory_space<vmem>> -> memref<4x1024xf32, #tpu.memory_space<vmem>>
        tpu.wait_dma2 semaphore(%arg24 : memref<!tpu.dma_semaphore, #tpu.memory_space<semaphore_mem>>) src(%dma_wait3A_891 : memref<4x1024xf32, #tpu.memory_space<vmem>>) dst(%dma_wait3A_888 : memref<4x1024xf32, #tpu.memory_space<hbm>>)
      } else {
      }
      %add3A_313 = arith.constant 0 : i32
      %add3A_314 = arith.addi %add3A_293, %add3A_313 : i32
      %mul3A_315 = arith.constant 8 : i32
      %mul3A_316 = arith.muli %add3A_314, %mul3A_315 : i32
      %add3A_317 = arith.addi %mul3A_2, %mul3A_316 : i32
      %dma_start3A_318 = arith.constant 1 : i32
      %dma_start3A_319 = arith.constant 0 : i32
      %dma_start3A_320 = tpu.memref_slice %arg2[%dma_start3A_318, %add3A_317, %dma_start3A_319] : memref<4x8192x1024xf32, #tpu.memory_space<hbm>> -> memref<1x8x1024xf32, #tpu.memory_space<hbm>>
      %dma_start3A_321 = tpu.memref_squeeze %dma_start3A_320 : memref<1x8x1024xf32, #tpu.memory_space<hbm>> -> memref<8x1024xf32, #tpu.memory_space<hbm>>
      %dma_start3A_322 = arith.constant 0 : i32
      %dma_start3A_323 = tpu.memref_slice %arg2[%dma_start3A_318, %add3A_317, %dma_start3A_322] : memref<4x8192x1024xf32, #tpu.memory_space<hbm>> -> memref<1x8x1024xf32, #tpu.memory_space<hbm>>
      %dma_start3A_324 = tpu.memref_squeeze %dma_start3A_323 : memref<1x8x1024xf32, #tpu.memory_space<hbm>> -> memref<8x1024xf32, #tpu.memory_space<hbm>>
      tpu.enqueue_dma source(%dma_start3A_324 : memref<8x1024xf32, #tpu.memory_space<hbm>>) target(%arg6 : memref<8x1024xf32, #tpu.memory_space<vmem>>) target_semaphore(%arg16 : memref<!tpu.dma_semaphore, #tpu.memory_space<semaphore_mem>>)
      %gt3A_325 = arith.constant 1 : i32
      %gt3A_326 = arith.cmpi sgt, %add3A_293, %gt3A_325 : i32
      %convert_element_type3A_327 = arith.extui %gt3A_326 : i1 to i32
      %cond3A_328 = arith.constant 0 : i32
      %cond3A_329 = arith.cmpi ne, %convert_element_type3A_327, %cond3A_328 : i32
      scf.if %cond3A_329 {
        %add3A_849 = arith.constant 0 : i32
        %add3A_850 = arith.addi %add3A_293, %add3A_849 : i32
        %sub3A = arith.constant 2 : i32
        %sub3A_851 = arith.subi %add3A_850, %sub3A : i32
        %mul3A_852 = arith.constant 8 : i32
        %mul3A_853 = arith.muli %sub3A_851, %mul3A_852 : i32
        %add3A_854 = arith.addi %mul3A_2, %mul3A_853 : i32
        %add3A_855 = arith.constant 0 : i32
        %add3A_856 = arith.addi %add3A_854, %add3A_855 : i32
        %dma_wait3A_857 = arith.constant 2 : i32
        %dma_wait3A_858 = arith.constant 0 : i32
        %dma_wait3A_859 = arith.constant 0 : i32
        %dma_wait3A_860 = tpu.memref_slice %arg7[%dma_wait3A_858, %dma_wait3A_859] : memref<8x1024xf32, #tpu.memory_space<vmem>> -> memref<4x1024xf32, #tpu.memory_space<vmem>>
        %dma_wait3A_861 = arith.constant 0 : i32
        %dma_wait3A_862 = tpu.memref_slice %arg4[%dma_wait3A_857, %add3A_856, %dma_wait3A_861] : memref<4x8192x1024xf32, #tpu.memory_space<hbm>> -> memref<1x4x1024xf32, #tpu.memory_space<hbm>>
        %dma_wait3A_863 = tpu.memref_squeeze %dma_wait3A_862 : memref<1x4x1024xf32, #tpu.memory_space<hbm>> -> memref<4x1024xf32, #tpu.memory_space<hbm>>
        %dma_wait3A_864 = arith.constant 0 : i32
        %dma_wait3A_865 = tpu.memref_slice %arg4[%dma_wait3A_857, %add3A_856, %dma_wait3A_864] : memref<4x8192x1024xf32, #tpu.memory_space<hbm>> -> memref<1x4x1024xf32, #tpu.memory_space<hbm>>
        %dma_wait3A_866 = tpu.memref_squeeze %dma_wait3A_865 : memref<1x4x1024xf32, #tpu.memory_space<hbm>> -> memref<4x1024xf32, #tpu.memory_space<hbm>>
        %dma_wait3A_867 = arith.constant 0 : i32
        %dma_wait3A_868 = arith.constant 0 : i32
        %dma_wait3A_869 = tpu.memref_slice %arg7[%dma_wait3A_867, %dma_wait3A_868] : memref<8x1024xf32, #tpu.memory_space<vmem>> -> memref<4x1024xf32, #tpu.memory_space<vmem>>
        tpu.wait_dma2 semaphore(%arg25 : memref<!tpu.dma_semaphore, #tpu.memory_space<semaphore_mem>>) src(%dma_wait3A_869 : memref<4x1024xf32, #tpu.memory_space<vmem>>) dst(%dma_wait3A_866 : memref<4x1024xf32, #tpu.memory_space<hbm>>)
        %add3A_870 = arith.constant 0 : i32
        %add3A_871 = arith.addi %add3A_293, %add3A_870 : i32
        %sub3A_872 = arith.constant 2 : i32
        %sub3A_873 = arith.subi %add3A_871, %sub3A_872 : i32
        %mul3A_874 = arith.constant 8 : i32
        %mul3A_875 = arith.muli %sub3A_873, %mul3A_874 : i32
        %add3A_876 = arith.addi %mul3A_2, %mul3A_875 : i32
        %add3A_877 = arith.constant 4 : i32
        %add3A_878 = arith.addi %add3A_876, %add3A_877 : i32
        %dma_wait3A_879 = arith.constant 2 : i32
        %dma_wait3A_880 = arith.constant 4 : i32
        %dma_wait3A_881 = arith.constant 0 : i32
        %dma_wait3A_882 = tpu.memref_slice %arg7[%dma_wait3A_880, %dma_wait3A_881] : memref<8x1024xf32, #tpu.memory_space<vmem>> -> memref<4x1024xf32, #tpu.memory_space<vmem>>
        %dma_wait3A_883 = arith.constant 0 : i32
        %dma_wait3A_884 = tpu.memref_slice %arg4[%dma_wait3A_879, %add3A_878, %dma_wait3A_883] : memref<4x8192x1024xf32, #tpu.memory_space<hbm>> -> memref<1x4x1024xf32, #tpu.memory_space<hbm>>
        %dma_wait3A_885 = tpu.memref_squeeze %dma_wait3A_884 : memref<1x4x1024xf32, #tpu.memory_space<hbm>> -> memref<4x1024xf32, #tpu.memory_space<hbm>>
        %dma_wait3A_886 = arith.constant 0 : i32
        %dma_wait3A_887 = tpu.memref_slice %arg4[%dma_wait3A_879, %add3A_878, %dma_wait3A_886] : memref<4x8192x1024xf32, #tpu.memory_space<hbm>> -> memref<1x4x1024xf32, #tpu.memory_space<hbm>>
        %dma_wait3A_888 = tpu.memref_squeeze %dma_wait3A_887 : memref<1x4x1024xf32, #tpu.memory_space<hbm>> -> memref<4x1024xf32, #tpu.memory_space<hbm>>
        %dma_wait3A_889 = arith.constant 4 : i32
        %dma_wait3A_890 = arith.constant 0 : i32
        %dma_wait3A_891 = tpu.memref_slice %arg7[%dma_wait3A_889, %dma_wait3A_890] : memref<8x1024xf32, #tpu.memory_space<vmem>> -> memref<4x1024xf32, #tpu.memory_space<vmem>>
        tpu.wait_dma2 semaphore(%arg25 : memref<!tpu.dma_semaphore, #tpu.memory_space<semaphore_mem>>) src(%dma_wait3A_891 : memref<4x1024xf32, #tpu.memory_space<vmem>>) dst(%dma_wait3A_888 : memref<4x1024xf32, #tpu.memory_space<hbm>>)
      } else {
      }
      %add3A_330 = arith.constant 0 : i32
      %add3A_331 = arith.addi %add3A_293, %add3A_330 : i32
      %mul3A_332 = arith.constant 8 : i32
      %mul3A_333 = arith.muli %add3A_331, %mul3A_332 : i32
      %add3A_334 = arith.addi %mul3A_2, %mul3A_333 : i32
      %dma_start3A_335 = arith.constant 2 : i32
      %dma_start3A_336 = arith.constant 0 : i32
      %dma_start3A_337 = tpu.memref_slice %arg2[%dma_start3A_335, %add3A_334, %dma_start3A_336] : memref<4x8192x1024xf32, #tpu.memory_space<hbm>> -> memref<1x8x1024xf32, #tpu.memory_space<hbm>>
      %dma_start3A_338 = tpu.memref_squeeze %dma_start3A_337 : memref<1x8x1024xf32, #tpu.memory_space<hbm>> -> memref<8x1024xf32, #tpu.memory_space<hbm>>
      %dma_start3A_339 = arith.constant 0 : i32
      %dma_start3A_340 = tpu.memref_slice %arg2[%dma_start3A_335, %add3A_334, %dma_start3A_339] : memref<4x8192x1024xf32, #tpu.memory_space<hbm>> -> memref<1x8x1024xf32, #tpu.memory_space<hbm>>
      %dma_start3A_341 = tpu.memref_squeeze %dma_start3A_340 : memref<1x8x1024xf32, #tpu.memory_space<hbm>> -> memref<8x1024xf32, #tpu.memory_space<hbm>>
      tpu.enqueue_dma source(%dma_start3A_341 : memref<8x1024xf32, #tpu.memory_space<hbm>>) target(%arg7 : memref<8x1024xf32, #tpu.memory_space<vmem>>) target_semaphore(%arg17 : memref<!tpu.dma_semaphore, #tpu.memory_space<semaphore_mem>>)
      %gt3A_342 = arith.constant 1 : i32
      %gt3A_343 = arith.cmpi sgt, %add3A_293, %gt3A_342 : i32
      %convert_element_type3A_344 = arith.extui %gt3A_343 : i1 to i32
      %cond3A_345 = arith.constant 0 : i32
      %cond3A_346 = arith.cmpi ne, %convert_element_type3A_344, %cond3A_345 : i32
      scf.if %cond3A_346 {
        %add3A_849 = arith.constant 0 : i32
        %add3A_850 = arith.addi %add3A_293, %add3A_849 : i32
        %sub3A = arith.constant 2 : i32
        %sub3A_851 = arith.subi %add3A_850, %sub3A : i32
        %mul3A_852 = arith.constant 8 : i32
        %mul3A_853 = arith.muli %sub3A_851, %mul3A_852 : i32
        %add3A_854 = arith.addi %mul3A_2, %mul3A_853 : i32
        %add3A_855 = arith.constant 0 : i32
        %add3A_856 = arith.addi %add3A_854, %add3A_855 : i32
        %dma_wait3A_857 = arith.constant 3 : i32
        %dma_wait3A_858 = arith.constant 0 : i32
        %dma_wait3A_859 = arith.constant 0 : i32
        %dma_wait3A_860 = tpu.memref_slice %arg8[%dma_wait3A_858, %dma_wait3A_859] : memref<8x1024xf32, #tpu.memory_space<vmem>> -> memref<4x1024xf32, #tpu.memory_space<vmem>>
        %dma_wait3A_861 = arith.constant 0 : i32
        %dma_wait3A_862 = tpu.memref_slice %arg4[%dma_wait3A_857, %add3A_856, %dma_wait3A_861] : memref<4x8192x1024xf32, #tpu.memory_space<hbm>> -> memref<1x4x1024xf32, #tpu.memory_space<hbm>>
        %dma_wait3A_863 = tpu.memref_squeeze %dma_wait3A_862 : memref<1x4x1024xf32, #tpu.memory_space<hbm>> -> memref<4x1024xf32, #tpu.memory_space<hbm>>
        %dma_wait3A_864 = arith.constant 0 : i32
        %dma_wait3A_865 = tpu.memref_slice %arg4[%dma_wait3A_857, %add3A_856, %dma_wait3A_864] : memref<4x8192x1024xf32, #tpu.memory_space<hbm>> -> memref<1x4x1024xf32, #tpu.memory_space<hbm>>
        %dma_wait3A_866 = tpu.memref_squeeze %dma_wait3A_865 : memref<1x4x1024xf32, #tpu.memory_space<hbm>> -> memref<4x1024xf32, #tpu.memory_space<hbm>>
        %dma_wait3A_867 = arith.constant 0 : i32
        %dma_wait3A_868 = arith.constant 0 : i32
        %dma_wait3A_869 = tpu.memref_slice %arg8[%dma_wait3A_867, %dma_wait3A_868] : memref<8x1024xf32, #tpu.memory_space<vmem>> -> memref<4x1024xf32, #tpu.memory_space<vmem>>
        tpu.wait_dma2 semaphore(%arg26 : memref<!tpu.dma_semaphore, #tpu.memory_space<semaphore_mem>>) src(%dma_wait3A_869 : memref<4x1024xf32, #tpu.memory_space<vmem>>) dst(%dma_wait3A_866 : memref<4x1024xf32, #tpu.memory_space<hbm>>)
        %add3A_870 = arith.constant 0 : i32
        %add3A_871 = arith.addi %add3A_293, %add3A_870 : i32
        %sub3A_872 = arith.constant 2 : i32
        %sub3A_873 = arith.subi %add3A_871, %sub3A_872 : i32
        %mul3A_874 = arith.constant 8 : i32
        %mul3A_875 = arith.muli %sub3A_873, %mul3A_874 : i32
        %add3A_876 = arith.addi %mul3A_2, %mul3A_875 : i32
        %add3A_877 = arith.constant 4 : i32
        %add3A_878 = arith.addi %add3A_876, %add3A_877 : i32
        %dma_wait3A_879 = arith.constant 3 : i32
        %dma_wait3A_880 = arith.constant 4 : i32
        %dma_wait3A_881 = arith.constant 0 : i32
        %dma_wait3A_882 = tpu.memref_slice %arg8[%dma_wait3A_880, %dma_wait3A_881] : memref<8x1024xf32, #tpu.memory_space<vmem>> -> memref<4x1024xf32, #tpu.memory_space<vmem>>
        %dma_wait3A_883 = arith.constant 0 : i32
        %dma_wait3A_884 = tpu.memref_slice %arg4[%dma_wait3A_879, %add3A_878, %dma_wait3A_883] : memref<4x8192x1024xf32, #tpu.memory_space<hbm>> -> memref<1x4x1024xf32, #tpu.memory_space<hbm>>
        %dma_wait3A_885 = tpu.memref_squeeze %dma_wait3A_884 : memref<1x4x1024xf32, #tpu.memory_space<hbm>> -> memref<4x1024xf32, #tpu.memory_space<hbm>>
        %dma_wait3A_886 = arith.constant 0 : i32
        %dma_wait3A_887 = tpu.memref_slice %arg4[%dma_wait3A_879, %add3A_878, %dma_wait3A_886] : memref<4x8192x1024xf32, #tpu.memory_space<hbm>> -> memref<1x4x1024xf32, #tpu.memory_space<hbm>>
        %dma_wait3A_888 = tpu.memref_squeeze %dma_wait3A_887 : memref<1x4x1024xf32, #tpu.memory_space<hbm>> -> memref<4x1024xf32, #tpu.memory_space<hbm>>
        %dma_wait3A_889 = arith.constant 4 : i32
        %dma_wait3A_890 = arith.constant 0 : i32
        %dma_wait3A_891 = tpu.memref_slice %arg8[%dma_wait3A_889, %dma_wait3A_890] : memref<8x1024xf32, #tpu.memory_space<vmem>> -> memref<4x1024xf32, #tpu.memory_space<vmem>>
        tpu.wait_dma2 semaphore(%arg26 : memref<!tpu.dma_semaphore, #tpu.memory_space<semaphore_mem>>) src(%dma_wait3A_891 : memref<4x1024xf32, #tpu.memory_space<vmem>>) dst(%dma_wait3A_888 : memref<4x1024xf32, #tpu.memory_space<hbm>>)
      } else {
      }
      %add3A_347 = arith.constant 0 : i32
      %add3A_348 = arith.addi %add3A_293, %add3A_347 : i32
      %mul3A_349 = arith.constant 8 : i32
      %mul3A_350 = arith.muli %add3A_348, %mul3A_349 : i32
      %add3A_351 = arith.addi %mul3A_2, %mul3A_350 : i32
      %dma_start3A_352 = arith.constant 3 : i32
      %dma_start3A_353 = arith.constant 0 : i32
      %dma_start3A_354 = tpu.memref_slice %arg2[%dma_start3A_352, %add3A_351, %dma_start3A_353] : memref<4x8192x1024xf32, #tpu.memory_space<hbm>> -> memref<1x8x1024xf32, #tpu.memory_space<hbm>>
      %dma_start3A_355 = tpu.memref_squeeze %dma_start3A_354 : memref<1x8x1024xf32, #tpu.memory_space<hbm>> -> memref<8x1024xf32, #tpu.memory_space<hbm>>
      %dma_start3A_356 = arith.constant 0 : i32
      %dma_start3A_357 = tpu.memref_slice %arg2[%dma_start3A_352, %add3A_351, %dma_start3A_356] : memref<4x8192x1024xf32, #tpu.memory_space<hbm>> -> memref<1x8x1024xf32, #tpu.memory_space<hbm>>
      %dma_start3A_358 = tpu.memref_squeeze %dma_start3A_357 : memref<1x8x1024xf32, #tpu.memory_space<hbm>> -> memref<8x1024xf32, #tpu.memory_space<hbm>>
      tpu.enqueue_dma source(%dma_start3A_358 : memref<8x1024xf32, #tpu.memory_space<hbm>>) target(%arg8 : memref<8x1024xf32, #tpu.memory_space<vmem>>) target_semaphore(%arg18 : memref<!tpu.dma_semaphore, #tpu.memory_space<semaphore_mem>>)
      %gt3A_359 = arith.constant 1 : i32
      %gt3A_360 = arith.cmpi sgt, %add3A_293, %gt3A_359 : i32
      %convert_element_type3A_361 = arith.extui %gt3A_360 : i1 to i32
      %cond3A_362 = arith.constant 0 : i32
      %cond3A_363 = arith.cmpi ne, %convert_element_type3A_361, %cond3A_362 : i32
      scf.if %cond3A_363 {
        %add3A_849 = arith.constant 1 : i32
        %add3A_850 = arith.addi %add3A_293, %add3A_849 : i32
        %sub3A = arith.constant 2 : i32
        %sub3A_851 = arith.subi %add3A_850, %sub3A : i32
        %mul3A_852 = arith.constant 8 : i32
        %mul3A_853 = arith.muli %sub3A_851, %mul3A_852 : i32
        %add3A_854 = arith.addi %mul3A_2, %mul3A_853 : i32
        %add3A_855 = arith.constant 0 : i32
        %add3A_856 = arith.addi %add3A_854, %add3A_855 : i32
        %dma_wait3A_857 = arith.constant 0 : i32
        %dma_wait3A_858 = arith.constant 0 : i32
        %dma_wait3A_859 = arith.constant 0 : i32
        %dma_wait3A_860 = tpu.memref_slice %arg9[%dma_wait3A_858, %dma_wait3A_859] : memref<8x1024xf32, #tpu.memory_space<vmem>> -> memref<4x1024xf32, #tpu.memory_space<vmem>>
        %dma_wait3A_861 = arith.constant 0 : i32
        %dma_wait3A_862 = tpu.memref_slice %arg4[%dma_wait3A_857, %add3A_856, %dma_wait3A_861] : memref<4x8192x1024xf32, #tpu.memory_space<hbm>> -> memref<1x4x1024xf32, #tpu.memory_space<hbm>>
        %dma_wait3A_863 = tpu.memref_squeeze %dma_wait3A_862 : memref<1x4x1024xf32, #tpu.memory_space<hbm>> -> memref<4x1024xf32, #tpu.memory_space<hbm>>
        %dma_wait3A_864 = arith.constant 0 : i32
        %dma_wait3A_865 = tpu.memref_slice %arg4[%dma_wait3A_857, %add3A_856, %dma_wait3A_864] : memref<4x8192x1024xf32, #tpu.memory_space<hbm>> -> memref<1x4x1024xf32, #tpu.memory_space<hbm>>
        %dma_wait3A_866 = tpu.memref_squeeze %dma_wait3A_865 : memref<1x4x1024xf32, #tpu.memory_space<hbm>> -> memref<4x1024xf32, #tpu.memory_space<hbm>>
        %dma_wait3A_867 = arith.constant 0 : i32
        %dma_wait3A_868 = arith.constant 0 : i32
        %dma_wait3A_869 = tpu.memref_slice %arg9[%dma_wait3A_867, %dma_wait3A_868] : memref<8x1024xf32, #tpu.memory_space<vmem>> -> memref<4x1024xf32, #tpu.memory_space<vmem>>
        tpu.wait_dma2 semaphore(%arg27 : memref<!tpu.dma_semaphore, #tpu.memory_space<semaphore_mem>>) src(%dma_wait3A_869 : memref<4x1024xf32, #tpu.memory_space<vmem>>) dst(%dma_wait3A_866 : memref<4x1024xf32, #tpu.memory_space<hbm>>)
        %add3A_870 = arith.constant 1 : i32
        %add3A_871 = arith.addi %add3A_293, %add3A_870 : i32
        %sub3A_872 = arith.constant 2 : i32
        %sub3A_873 = arith.subi %add3A_871, %sub3A_872 : i32
        %mul3A_874 = arith.constant 8 : i32
        %mul3A_875 = arith.muli %sub3A_873, %mul3A_874 : i32
        %add3A_876 = arith.addi %mul3A_2, %mul3A_875 : i32
        %add3A_877 = arith.constant 4 : i32
        %add3A_878 = arith.addi %add3A_876, %add3A_877 : i32
        %dma_wait3A_879 = arith.constant 0 : i32
        %dma_wait3A_880 = arith.constant 4 : i32
        %dma_wait3A_881 = arith.constant 0 : i32
        %dma_wait3A_882 = tpu.memref_slice %arg9[%dma_wait3A_880, %dma_wait3A_881] : memref<8x1024xf32, #tpu.memory_space<vmem>> -> memref<4x1024xf32, #tpu.memory_space<vmem>>
        %dma_wait3A_883 = arith.constant 0 : i32
        %dma_wait3A_884 = tpu.memref_slice %arg4[%dma_wait3A_879, %add3A_878, %dma_wait3A_883] : memref<4x8192x1024xf32, #tpu.memory_space<hbm>> -> memref<1x4x1024xf32, #tpu.memory_space<hbm>>
        %dma_wait3A_885 = tpu.memref_squeeze %dma_wait3A_884 : memref<1x4x1024xf32, #tpu.memory_space<hbm>> -> memref<4x1024xf32, #tpu.memory_space<hbm>>
        %dma_wait3A_886 = arith.constant 0 : i32
        %dma_wait3A_887 = tpu.memref_slice %arg4[%dma_wait3A_879, %add3A_878, %dma_wait3A_886] : memref<4x8192x1024xf32, #tpu.memory_space<hbm>> -> memref<1x4x1024xf32, #tpu.memory_space<hbm>>
        %dma_wait3A_888 = tpu.memref_squeeze %dma_wait3A_887 : memref<1x4x1024xf32, #tpu.memory_space<hbm>> -> memref<4x1024xf32, #tpu.memory_space<hbm>>
        %dma_wait3A_889 = arith.constant 4 : i32
        %dma_wait3A_890 = arith.constant 0 : i32
        %dma_wait3A_891 = tpu.memref_slice %arg9[%dma_wait3A_889, %dma_wait3A_890] : memref<8x1024xf32, #tpu.memory_space<vmem>> -> memref<4x1024xf32, #tpu.memory_space<vmem>>
        tpu.wait_dma2 semaphore(%arg27 : memref<!tpu.dma_semaphore, #tpu.memory_space<semaphore_mem>>) src(%dma_wait3A_891 : memref<4x1024xf32, #tpu.memory_space<vmem>>) dst(%dma_wait3A_888 : memref<4x1024xf32, #tpu.memory_space<hbm>>)
      } else {
      }
      %add3A_364 = arith.constant 1 : i32
      %add3A_365 = arith.addi %add3A_293, %add3A_364 : i32
      %mul3A_366 = arith.constant 8 : i32
      %mul3A_367 = arith.muli %add3A_365, %mul3A_366 : i32
      %add3A_368 = arith.addi %mul3A_2, %mul3A_367 : i32
      %dma_start3A_369 = arith.constant 0 : i32
      %dma_start3A_370 = arith.constant 0 : i32
      %dma_start3A_371 = tpu.memref_slice %arg2[%dma_start3A_369, %add3A_368, %dma_start3A_370] : memref<4x8192x1024xf32, #tpu.memory_space<hbm>> -> memref<1x8x1024xf32, #tpu.memory_space<hbm>>
      %dma_start3A_372 = tpu.memref_squeeze %dma_start3A_371 : memref<1x8x1024xf32, #tpu.memory_space<hbm>> -> memref<8x1024xf32, #tpu.memory_space<hbm>>
      %dma_start3A_373 = arith.constant 0 : i32
      %dma_start3A_374 = tpu.memref_slice %arg2[%dma_start3A_369, %add3A_368, %dma_start3A_373] : memref<4x8192x1024xf32, #tpu.memory_space<hbm>> -> memref<1x8x1024xf32, #tpu.memory_space<hbm>>
      %dma_start3A_375 = tpu.memref_squeeze %dma_start3A_374 : memref<1x8x1024xf32, #tpu.memory_space<hbm>> -> memref<8x1024xf32, #tpu.memory_space<hbm>>
      tpu.enqueue_dma source(%dma_start3A_375 : memref<8x1024xf32, #tpu.memory_space<hbm>>) target(%arg9 : memref<8x1024xf32, #tpu.memory_space<vmem>>) target_semaphore(%arg19 : memref<!tpu.dma_semaphore, #tpu.memory_space<semaphore_mem>>)
      %gt3A_376 = arith.constant 1 : i32
      %gt3A_377 = arith.cmpi sgt, %add3A_293, %gt3A_376 : i32
      %convert_element_type3A_378 = arith.extui %gt3A_377 : i1 to i32
      %cond3A_379 = arith.constant 0 : i32
      %cond3A_380 = arith.cmpi ne, %convert_element_type3A_378, %cond3A_379 : i32
      scf.if %cond3A_380 {
        %add3A_849 = arith.constant 1 : i32
        %add3A_850 = arith.addi %add3A_293, %add3A_849 : i32
        %sub3A = arith.constant 2 : i32
        %sub3A_851 = arith.subi %add3A_850, %sub3A : i32
        %mul3A_852 = arith.constant 8 : i32
        %mul3A_853 = arith.muli %sub3A_851, %mul3A_852 : i32
        %add3A_854 = arith.addi %mul3A_2, %mul3A_853 : i32
        %add3A_855 = arith.constant 0 : i32
        %add3A_856 = arith.addi %add3A_854, %add3A_855 : i32
        %dma_wait3A_857 = arith.constant 1 : i32
        %dma_wait3A_858 = arith.constant 0 : i32
        %dma_wait3A_859 = arith.constant 0 : i32
        %dma_wait3A_860 = tpu.memref_slice %arg10[%dma_wait3A_858, %dma_wait3A_859] : memref<8x1024xf32, #tpu.memory_space<vmem>> -> memref<4x1024xf32, #tpu.memory_space<vmem>>
        %dma_wait3A_861 = arith.constant 0 : i32
        %dma_wait3A_862 = tpu.memref_slice %arg4[%dma_wait3A_857, %add3A_856, %dma_wait3A_861] : memref<4x8192x1024xf32, #tpu.memory_space<hbm>> -> memref<1x4x1024xf32, #tpu.memory_space<hbm>>
        %dma_wait3A_863 = tpu.memref_squeeze %dma_wait3A_862 : memref<1x4x1024xf32, #tpu.memory_space<hbm>> -> memref<4x1024xf32, #tpu.memory_space<hbm>>
        %dma_wait3A_864 = arith.constant 0 : i32
        %dma_wait3A_865 = tpu.memref_slice %arg4[%dma_wait3A_857, %add3A_856, %dma_wait3A_864] : memref<4x8192x1024xf32, #tpu.memory_space<hbm>> -> memref<1x4x1024xf32, #tpu.memory_space<hbm>>
        %dma_wait3A_866 = tpu.memref_squeeze %dma_wait3A_865 : memref<1x4x1024xf32, #tpu.memory_space<hbm>> -> memref<4x1024xf32, #tpu.memory_space<hbm>>
        %dma_wait3A_867 = arith.constant 0 : i32
        %dma_wait3A_868 = arith.constant 0 : i32
        %dma_wait3A_869 = tpu.memref_slice %arg10[%dma_wait3A_867, %dma_wait3A_868] : memref<8x1024xf32, #tpu.memory_space<vmem>> -> memref<4x1024xf32, #tpu.memory_space<vmem>>
        tpu.wait_dma2 semaphore(%arg28 : memref<!tpu.dma_semaphore, #tpu.memory_space<semaphore_mem>>) src(%dma_wait3A_869 : memref<4x1024xf32, #tpu.memory_space<vmem>>) dst(%dma_wait3A_866 : memref<4x1024xf32, #tpu.memory_space<hbm>>)
        %add3A_870 = arith.constant 1 : i32
        %add3A_871 = arith.addi %add3A_293, %add3A_870 : i32
        %sub3A_872 = arith.constant 2 : i32
        %sub3A_873 = arith.subi %add3A_871, %sub3A_872 : i32
        %mul3A_874 = arith.constant 8 : i32
        %mul3A_875 = arith.muli %sub3A_873, %mul3A_874 : i32
        %add3A_876 = arith.addi %mul3A_2, %mul3A_875 : i32
        %add3A_877 = arith.constant 4 : i32
        %add3A_878 = arith.addi %add3A_876, %add3A_877 : i32
        %dma_wait3A_879 = arith.constant 1 : i32
        %dma_wait3A_880 = arith.constant 4 : i32
        %dma_wait3A_881 = arith.constant 0 : i32
        %dma_wait3A_882 = tpu.memref_slice %arg10[%dma_wait3A_880, %dma_wait3A_881] : memref<8x1024xf32, #tpu.memory_space<vmem>> -> memref<4x1024xf32, #tpu.memory_space<vmem>>
        %dma_wait3A_883 = arith.constant 0 : i32
        %dma_wait3A_884 = tpu.memref_slice %arg4[%dma_wait3A_879, %add3A_878, %dma_wait3A_883] : memref<4x8192x1024xf32, #tpu.memory_space<hbm>> -> memref<1x4x1024xf32, #tpu.memory_space<hbm>>
        %dma_wait3A_885 = tpu.memref_squeeze %dma_wait3A_884 : memref<1x4x1024xf32, #tpu.memory_space<hbm>> -> memref<4x1024xf32, #tpu.memory_space<hbm>>
        %dma_wait3A_886 = arith.constant 0 : i32
        %dma_wait3A_887 = tpu.memref_slice %arg4[%dma_wait3A_879, %add3A_878, %dma_wait3A_886] : memref<4x8192x1024xf32, #tpu.memory_space<hbm>> -> memref<1x4x1024xf32, #tpu.memory_space<hbm>>
        %dma_wait3A_888 = tpu.memref_squeeze %dma_wait3A_887 : memref<1x4x1024xf32, #tpu.memory_space<hbm>> -> memref<4x1024xf32, #tpu.memory_space<hbm>>
        %dma_wait3A_889 = arith.constant 4 : i32
        %dma_wait3A_890 = arith.constant 0 : i32
        %dma_wait3A_891 = tpu.memref_slice %arg10[%dma_wait3A_889, %dma_wait3A_890] : memref<8x1024xf32, #tpu.memory_space<vmem>> -> memref<4x1024xf32, #tpu.memory_space<vmem>>
        tpu.wait_dma2 semaphore(%arg28 : memref<!tpu.dma_semaphore, #tpu.memory_space<semaphore_mem>>) src(%dma_wait3A_891 : memref<4x1024xf32, #tpu.memory_space<vmem>>) dst(%dma_wait3A_888 : memref<4x1024xf32, #tpu.memory_space<hbm>>)
      } else {
      }
      %add3A_381 = arith.constant 1 : i32
      %add3A_382 = arith.addi %add3A_293, %add3A_381 : i32
      %mul3A_383 = arith.constant 8 : i32
      %mul3A_384 = arith.muli %add3A_382, %mul3A_383 : i32
      %add3A_385 = arith.addi %mul3A_2, %mul3A_384 : i32
      %dma_start3A_386 = arith.constant 1 : i32
      %dma_start3A_387 = arith.constant 0 : i32
      %dma_start3A_388 = tpu.memref_slice %arg2[%dma_start3A_386, %add3A_385, %dma_start3A_387] : memref<4x8192x1024xf32, #tpu.memory_space<hbm>> -> memref<1x8x1024xf32, #tpu.memory_space<hbm>>
      %dma_start3A_389 = tpu.memref_squeeze %dma_start3A_388 : memref<1x8x1024xf32, #tpu.memory_space<hbm>> -> memref<8x1024xf32, #tpu.memory_space<hbm>>
      %dma_start3A_390 = arith.constant 0 : i32
      %dma_start3A_391 = tpu.memref_slice %arg2[%dma_start3A_386, %add3A_385, %dma_start3A_390] : memref<4x8192x1024xf32, #tpu.memory_space<hbm>> -> memref<1x8x1024xf32, #tpu.memory_space<hbm>>
      %dma_start3A_392 = tpu.memref_squeeze %dma_start3A_391 : memref<1x8x1024xf32, #tpu.memory_space<hbm>> -> memref<8x1024xf32, #tpu.memory_space<hbm>>
      tpu.enqueue_dma source(%dma_start3A_392 : memref<8x1024xf32, #tpu.memory_space<hbm>>) target(%arg10 : memref<8x1024xf32, #tpu.memory_space<vmem>>) target_semaphore(%arg20 : memref<!tpu.dma_semaphore, #tpu.memory_space<semaphore_mem>>)
      %gt3A_393 = arith.constant 1 : i32
      %gt3A_394 = arith.cmpi sgt, %add3A_293, %gt3A_393 : i32
      %convert_element_type3A_395 = arith.extui %gt3A_394 : i1 to i32
      %cond3A_396 = arith.constant 0 : i32
      %cond3A_397 = arith.cmpi ne, %convert_element_type3A_395, %cond3A_396 : i32
      scf.if %cond3A_397 {
        %add3A_849 = arith.constant 1 : i32
        %add3A_850 = arith.addi %add3A_293, %add3A_849 : i32
        %sub3A = arith.constant 2 : i32
        %sub3A_851 = arith.subi %add3A_850, %sub3A : i32
        %mul3A_852 = arith.constant 8 : i32
        %mul3A_853 = arith.muli %sub3A_851, %mul3A_852 : i32
        %add3A_854 = arith.addi %mul3A_2, %mul3A_853 : i32
        %add3A_855 = arith.constant 0 : i32
        %add3A_856 = arith.addi %add3A_854, %add3A_855 : i32
        %dma_wait3A_857 = arith.constant 2 : i32
        %dma_wait3A_858 = arith.constant 0 : i32
        %dma_wait3A_859 = arith.constant 0 : i32
        %dma_wait3A_860 = tpu.memref_slice %arg11[%dma_wait3A_858, %dma_wait3A_859] : memref<8x1024xf32, #tpu.memory_space<vmem>> -> memref<4x1024xf32, #tpu.memory_space<vmem>>
        %dma_wait3A_861 = arith.constant 0 : i32
        %dma_wait3A_862 = tpu.memref_slice %arg4[%dma_wait3A_857, %add3A_856, %dma_wait3A_861] : memref<4x8192x1024xf32, #tpu.memory_space<hbm>> -> memref<1x4x1024xf32, #tpu.memory_space<hbm>>
        %dma_wait3A_863 = tpu.memref_squeeze %dma_wait3A_862 : memref<1x4x1024xf32, #tpu.memory_space<hbm>> -> memref<4x1024xf32, #tpu.memory_space<hbm>>
        %dma_wait3A_864 = arith.constant 0 : i32
        %dma_wait3A_865 = tpu.memref_slice %arg4[%dma_wait3A_857, %add3A_856, %dma_wait3A_864] : memref<4x8192x1024xf32, #tpu.memory_space<hbm>> -> memref<1x4x1024xf32, #tpu.memory_space<hbm>>
        %dma_wait3A_866 = tpu.memref_squeeze %dma_wait3A_865 : memref<1x4x1024xf32, #tpu.memory_space<hbm>> -> memref<4x1024xf32, #tpu.memory_space<hbm>>
        %dma_wait3A_867 = arith.constant 0 : i32
        %dma_wait3A_868 = arith.constant 0 : i32
        %dma_wait3A_869 = tpu.memref_slice %arg11[%dma_wait3A_867, %dma_wait3A_868] : memref<8x1024xf32, #tpu.memory_space<vmem>> -> memref<4x1024xf32, #tpu.memory_space<vmem>>
        tpu.wait_dma2 semaphore(%arg29 : memref<!tpu.dma_semaphore, #tpu.memory_space<semaphore_mem>>) src(%dma_wait3A_869 : memref<4x1024xf32, #tpu.memory_space<vmem>>) dst(%dma_wait3A_866 : memref<4x1024xf32, #tpu.memory_space<hbm>>)
        %add3A_870 = arith.constant 1 : i32
        %add3A_871 = arith.addi %add3A_293, %add3A_870 : i32
        %sub3A_872 = arith.constant 2 : i32
        %sub3A_873 = arith.subi %add3A_871, %sub3A_872 : i32
        %mul3A_874 = arith.constant 8 : i32
        %mul3A_875 = arith.muli %sub3A_873, %mul3A_874 : i32
        %add3A_876 = arith.addi %mul3A_2, %mul3A_875 : i32
        %add3A_877 = arith.constant 4 : i32
        %add3A_878 = arith.addi %add3A_876, %add3A_877 : i32
        %dma_wait3A_879 = arith.constant 2 : i32
        %dma_wait3A_880 = arith.constant 4 : i32
        %dma_wait3A_881 = arith.constant 0 : i32
        %dma_wait3A_882 = tpu.memref_slice %arg11[%dma_wait3A_880, %dma_wait3A_881] : memref<8x1024xf32, #tpu.memory_space<vmem>> -> memref<4x1024xf32, #tpu.memory_space<vmem>>
        %dma_wait3A_883 = arith.constant 0 : i32
        %dma_wait3A_884 = tpu.memref_slice %arg4[%dma_wait3A_879, %add3A_878, %dma_wait3A_883] : memref<4x8192x1024xf32, #tpu.memory_space<hbm>> -> memref<1x4x1024xf32, #tpu.memory_space<hbm>>
        %dma_wait3A_885 = tpu.memref_squeeze %dma_wait3A_884 : memref<1x4x1024xf32, #tpu.memory_space<hbm>> -> memref<4x1024xf32, #tpu.memory_space<hbm>>
        %dma_wait3A_886 = arith.constant 0 : i32
        %dma_wait3A_887 = tpu.memref_slice %arg4[%dma_wait3A_879, %add3A_878, %dma_wait3A_886] : memref<4x8192x1024xf32, #tpu.memory_space<hbm>> -> memref<1x4x1024xf32, #tpu.memory_space<hbm>>
        %dma_wait3A_888 = tpu.memref_squeeze %dma_wait3A_887 : memref<1x4x1024xf32, #tpu.memory_space<hbm>> -> memref<4x1024xf32, #tpu.memory_space<hbm>>
        %dma_wait3A_889 = arith.constant 4 : i32
        %dma_wait3A_890 = arith.constant 0 : i32
        %dma_wait3A_891 = tpu.memref_slice %arg11[%dma_wait3A_889, %dma_wait3A_890] : memref<8x1024xf32, #tpu.memory_space<vmem>> -> memref<4x1024xf32, #tpu.memory_space<vmem>>
        tpu.wait_dma2 semaphore(%arg29 : memref<!tpu.dma_semaphore, #tpu.memory_space<semaphore_mem>>) src(%dma_wait3A_891 : memref<4x1024xf32, #tpu.memory_space<vmem>>) dst(%dma_wait3A_888 : memref<4x1024xf32, #tpu.memory_space<hbm>>)
      } else {
      }
      %add3A_398 = arith.constant 1 : i32
      %add3A_399 = arith.addi %add3A_293, %add3A_398 : i32
      %mul3A_400 = arith.constant 8 : i32
      %mul3A_401 = arith.muli %add3A_399, %mul3A_400 : i32
      %add3A_402 = arith.addi %mul3A_2, %mul3A_401 : i32
      %dma_start3A_403 = arith.constant 2 : i32
      %dma_start3A_404 = arith.constant 0 : i32
      %dma_start3A_405 = tpu.memref_slice %arg2[%dma_start3A_403, %add3A_402, %dma_start3A_404] : memref<4x8192x1024xf32, #tpu.memory_space<hbm>> -> memref<1x8x1024xf32, #tpu.memory_space<hbm>>
      %dma_start3A_406 = tpu.memref_squeeze %dma_start3A_405 : memref<1x8x1024xf32, #tpu.memory_space<hbm>> -> memref<8x1024xf32, #tpu.memory_space<hbm>>
      %dma_start3A_407 = arith.constant 0 : i32
      %dma_start3A_408 = tpu.memref_slice %arg2[%dma_start3A_403, %add3A_402, %dma_start3A_407] : memref<4x8192x1024xf32, #tpu.memory_space<hbm>> -> memref<1x8x1024xf32, #tpu.memory_space<hbm>>
      %dma_start3A_409 = tpu.memref_squeeze %dma_start3A_408 : memref<1x8x1024xf32, #tpu.memory_space<hbm>> -> memref<8x1024xf32, #tpu.memory_space<hbm>>
      tpu.enqueue_dma source(%dma_start3A_409 : memref<8x1024xf32, #tpu.memory_space<hbm>>) target(%arg11 : memref<8x1024xf32, #tpu.memory_space<vmem>>) target_semaphore(%arg21 : memref<!tpu.dma_semaphore, #tpu.memory_space<semaphore_mem>>)
      %gt3A_410 = arith.constant 1 : i32
      %gt3A_411 = arith.cmpi sgt, %add3A_293, %gt3A_410 : i32
      %convert_element_type3A_412 = arith.extui %gt3A_411 : i1 to i32
      %cond3A_413 = arith.constant 0 : i32
      %cond3A_414 = arith.cmpi ne, %convert_element_type3A_412, %cond3A_413 : i32
      scf.if %cond3A_414 {
        %add3A_849 = arith.constant 1 : i32
        %add3A_850 = arith.addi %add3A_293, %add3A_849 : i32
        %sub3A = arith.constant 2 : i32
        %sub3A_851 = arith.subi %add3A_850, %sub3A : i32
        %mul3A_852 = arith.constant 8 : i32
        %mul3A_853 = arith.muli %sub3A_851, %mul3A_852 : i32
        %add3A_854 = arith.addi %mul3A_2, %mul3A_853 : i32
        %add3A_855 = arith.constant 0 : i32
        %add3A_856 = arith.addi %add3A_854, %add3A_855 : i32
        %dma_wait3A_857 = arith.constant 3 : i32
        %dma_wait3A_858 = arith.constant 0 : i32
        %dma_wait3A_859 = arith.constant 0 : i32
        %dma_wait3A_860 = tpu.memref_slice %arg12[%dma_wait3A_858, %dma_wait3A_859] : memref<8x1024xf32, #tpu.memory_space<vmem>> -> memref<4x1024xf32, #tpu.memory_space<vmem>>
        %dma_wait3A_861 = arith.constant 0 : i32
        %dma_wait3A_862 = tpu.memref_slice %arg4[%dma_wait3A_857, %add3A_856, %dma_wait3A_861] : memref<4x8192x1024xf32, #tpu.memory_space<hbm>> -> memref<1x4x1024xf32, #tpu.memory_space<hbm>>
        %dma_wait3A_863 = tpu.memref_squeeze %dma_wait3A_862 : memref<1x4x1024xf32, #tpu.memory_space<hbm>> -> memref<4x1024xf32, #tpu.memory_space<hbm>>
        %dma_wait3A_864 = arith.constant 0 : i32
        %dma_wait3A_865 = tpu.memref_slice %arg4[%dma_wait3A_857, %add3A_856, %dma_wait3A_864] : memref<4x8192x1024xf32, #tpu.memory_space<hbm>> -> memref<1x4x1024xf32, #tpu.memory_space<hbm>>
        %dma_wait3A_866 = tpu.memref_squeeze %dma_wait3A_865 : memref<1x4x1024xf32, #tpu.memory_space<hbm>> -> memref<4x1024xf32, #tpu.memory_space<hbm>>
        %dma_wait3A_867 = arith.constant 0 : i32
        %dma_wait3A_868 = arith.constant 0 : i32
        %dma_wait3A_869 = tpu.memref_slice %arg12[%dma_wait3A_867, %dma_wait3A_868] : memref<8x1024xf32, #tpu.memory_space<vmem>> -> memref<4x1024xf32, #tpu.memory_space<vmem>>
        tpu.wait_dma2 semaphore(%arg30 : memref<!tpu.dma_semaphore, #tpu.memory_space<semaphore_mem>>) src(%dma_wait3A_869 : memref<4x1024xf32, #tpu.memory_space<vmem>>) dst(%dma_wait3A_866 : memref<4x1024xf32, #tpu.memory_space<hbm>>)
        %add3A_870 = arith.constant 1 : i32
        %add3A_871 = arith.addi %add3A_293, %add3A_870 : i32
        %sub3A_872 = arith.constant 2 : i32
        %sub3A_873 = arith.subi %add3A_871, %sub3A_872 : i32
        %mul3A_874 = arith.constant 8 : i32
        %mul3A_875 = arith.muli %sub3A_873, %mul3A_874 : i32
        %add3A_876 = arith.addi %mul3A_2, %mul3A_875 : i32
        %add3A_877 = arith.constant 4 : i32
        %add3A_878 = arith.addi %add3A_876, %add3A_877 : i32
        %dma_wait3A_879 = arith.constant 3 : i32
        %dma_wait3A_880 = arith.constant 4 : i32
        %dma_wait3A_881 = arith.constant 0 : i32
        %dma_wait3A_882 = tpu.memref_slice %arg12[%dma_wait3A_880, %dma_wait3A_881] : memref<8x1024xf32, #tpu.memory_space<vmem>> -> memref<4x1024xf32, #tpu.memory_space<vmem>>
        %dma_wait3A_883 = arith.constant 0 : i32
        %dma_wait3A_884 = tpu.memref_slice %arg4[%dma_wait3A_879, %add3A_878, %dma_wait3A_883] : memref<4x8192x1024xf32, #tpu.memory_space<hbm>> -> memref<1x4x1024xf32, #tpu.memory_space<hbm>>
        %dma_wait3A_885 = tpu.memref_squeeze %dma_wait3A_884 : memref<1x4x1024xf32, #tpu.memory_space<hbm>> -> memref<4x1024xf32, #tpu.memory_space<hbm>>
        %dma_wait3A_886 = arith.constant 0 : i32
        %dma_wait3A_887 = tpu.memref_slice %arg4[%dma_wait3A_879, %add3A_878, %dma_wait3A_886] : memref<4x8192x1024xf32, #tpu.memory_space<hbm>> -> memref<1x4x1024xf32, #tpu.memory_space<hbm>>
        %dma_wait3A_888 = tpu.memref_squeeze %dma_wait3A_887 : memref<1x4x1024xf32, #tpu.memory_space<hbm>> -> memref<4x1024xf32, #tpu.memory_space<hbm>>
        %dma_wait3A_889 = arith.constant 4 : i32
        %dma_wait3A_890 = arith.constant 0 : i32
        %dma_wait3A_891 = tpu.memref_slice %arg12[%dma_wait3A_889, %dma_wait3A_890] : memref<8x1024xf32, #tpu.memory_space<vmem>> -> memref<4x1024xf32, #tpu.memory_space<vmem>>
        tpu.wait_dma2 semaphore(%arg30 : memref<!tpu.dma_semaphore, #tpu.memory_space<semaphore_mem>>) src(%dma_wait3A_891 : memref<4x1024xf32, #tpu.memory_space<vmem>>) dst(%dma_wait3A_888 : memref<4x1024xf32, #tpu.memory_space<hbm>>)
      } else {
      }
      %add3A_415 = arith.constant 1 : i32
      %add3A_416 = arith.addi %add3A_293, %add3A_415 : i32
      %mul3A_417 = arith.constant 8 : i32
      %mul3A_418 = arith.muli %add3A_416, %mul3A_417 : i32
      %add3A_419 = arith.addi %mul3A_2, %mul3A_418 : i32
      %dma_start3A_420 = arith.constant 3 : i32
      %dma_start3A_421 = arith.constant 0 : i32
      %dma_start3A_422 = tpu.memref_slice %arg2[%dma_start3A_420, %add3A_419, %dma_start3A_421] : memref<4x8192x1024xf32, #tpu.memory_space<hbm>> -> memref<1x8x1024xf32, #tpu.memory_space<hbm>>
      %dma_start3A_423 = tpu.memref_squeeze %dma_start3A_422 : memref<1x8x1024xf32, #tpu.memory_space<hbm>> -> memref<8x1024xf32, #tpu.memory_space<hbm>>
      %dma_start3A_424 = arith.constant 0 : i32
      %dma_start3A_425 = tpu.memref_slice %arg2[%dma_start3A_420, %add3A_419, %dma_start3A_424] : memref<4x8192x1024xf32, #tpu.memory_space<hbm>> -> memref<1x8x1024xf32, #tpu.memory_space<hbm>>
      %dma_start3A_426 = tpu.memref_squeeze %dma_start3A_425 : memref<1x8x1024xf32, #tpu.memory_space<hbm>> -> memref<8x1024xf32, #tpu.memory_space<hbm>>
      tpu.enqueue_dma source(%dma_start3A_426 : memref<8x1024xf32, #tpu.memory_space<hbm>>) target(%arg12 : memref<8x1024xf32, #tpu.memory_space<vmem>>) target_semaphore(%arg22 : memref<!tpu.dma_semaphore, #tpu.memory_space<semaphore_mem>>)
      %add3A_427 = arith.constant 0 : i32
      %add3A_428 = arith.addi %add3A_293, %add3A_427 : i32
      %mul3A_429 = arith.constant 8 : i32
      %mul3A_430 = arith.muli %add3A_428, %mul3A_429 : i32
      %add3A_431 = arith.addi %mul3A_2, %mul3A_430 : i32
      %dma_wait3A_432 = arith.constant 0 : i32
      %dma_wait3A_433 = tpu.memref_slice %arg3[%add3A_431, %dma_wait3A_432] : memref<373248x1024xf32, #tpu.memory_space<hbm>> -> memref<8x1024xf32, #tpu.memory_space<hbm>>
      %dma_wait3A_434 = arith.constant 0 : i32
      %dma_wait3A_435 = tpu.memref_slice %arg3[%add3A_431, %dma_wait3A_434] : memref<373248x1024xf32, #tpu.memory_space<hbm>> -> memref<8x1024xf32, #tpu.memory_space<hbm>>
      tpu.wait_dma2 semaphore(%arg31 : memref<!tpu.dma_semaphore, #tpu.memory_space<semaphore_mem>>) src(%dma_wait3A_435 : memref<8x1024xf32, #tpu.memory_space<hbm>>) dst(%arg13 : memref<8x1024xf32, #tpu.memory_space<vmem>>)
      %dma_wait3A_436 = arith.constant 0 : i32
      %dma_wait3A_437 = arith.constant 0 : i32
      %dma_wait3A_438 = tpu.memref_slice %arg2[%dma_wait3A_436, %add3A_300, %dma_wait3A_437] : memref<4x8192x1024xf32, #tpu.memory_space<hbm>> -> memref<1x8x1024xf32, #tpu.memory_space<hbm>>
      %dma_wait3A_439 = tpu.memref_squeeze %dma_wait3A_438 : memref<1x8x1024xf32, #tpu.memory_space<hbm>> -> memref<8x1024xf32, #tpu.memory_space<hbm>>
      %dma_wait3A_440 = arith.constant 0 : i32
      %dma_wait3A_441 = tpu.memref_slice %arg2[%dma_wait3A_436, %add3A_300, %dma_wait3A_440] : memref<4x8192x1024xf32, #tpu.memory_space<hbm>> -> memref<1x8x1024xf32, #tpu.memory_space<hbm>>
      %dma_wait3A_442 = tpu.memref_squeeze %dma_wait3A_441 : memref<1x8x1024xf32, #tpu.memory_space<hbm>> -> memref<8x1024xf32, #tpu.memory_space<hbm>>
      tpu.wait_dma2 semaphore(%arg15 : memref<!tpu.dma_semaphore, #tpu.memory_space<semaphore_mem>>) src(%dma_wait3A_442 : memref<8x1024xf32, #tpu.memory_space<hbm>>) dst(%arg5 : memref<8x1024xf32, #tpu.memory_space<vmem>>)
      %parallel_loop3A = arith.constant 0 : i32
      %parallel_loop3A_443 = arith.constant 256 : i32
      %parallel_loop3A_444 = arith.constant 1 : i32
      scf.for %parallel_loop3A_849 = %parallel_loop3A to %parallel_loop3A_443 step %parallel_loop3A_444  : i32 {
        %parallel_loop3A_850 = arith.constant 6 : i32
        %parallel_loop3A_851 = arith.shrsi %parallel_loop3A_849, %parallel_loop3A_850 : i32
        %parallel_loop3A_852 = arith.constant 63 : i32
        %parallel_loop3A_853 = arith.andi %parallel_loop3A_849, %parallel_loop3A_852 : i32
        %parallel_loop3A_854 = arith.constant 16 : i32
        %parallel_loop3A_855 = arith.muli %parallel_loop3A_853, %parallel_loop3A_854 : i32
        %parallel_loop3A_856 = arith.index_cast %parallel_loop3A_851 : i32 to index
        %parallel_loop3A_857 = arith.index_cast %parallel_loop3A_855 : i32 to index
        %parallel_loop3A_858 = tpu.vector_load %arg5[%parallel_loop3A_856, %parallel_loop3A_857] {strides = array<i32>} : memref<8x1024xf32, #tpu.memory_space<vmem>>, vector<1x16xf32>,
        %parallel_loop3A_859 = vector.shape_cast %parallel_loop3A_858 : vector<1x16xf32> to vector<16xf32>
        %parallel_loop3A_860 = arith.index_cast %parallel_loop3A_851 : i32 to index
        %parallel_loop3A_861 = arith.index_cast %parallel_loop3A_855 : i32 to index
        %parallel_loop3A_862 = tpu.vector_load %arg13[%parallel_loop3A_860, %parallel_loop3A_861] {strides = array<i32>} : memref<8x1024xf32, #tpu.memory_space<vmem>>, vector<1x16xf32>,
        %parallel_loop3A_863 = vector.shape_cast %parallel_loop3A_862 : vector<1x16xf32> to vector<16xf32>
        %parallel_loop3A_864 = arith.addf %parallel_loop3A_859, %parallel_loop3A_863 : vector<16xf32>
        %parallel_loop3A_865 = arith.index_cast %parallel_loop3A_851 : i32 to index
        %parallel_loop3A_866 = arith.index_cast %parallel_loop3A_855 : i32 to index
        %parallel_loop3A_867 = tpu.vector_load %arg5[%parallel_loop3A_865, %parallel_loop3A_866] {strides = array<i32>} : memref<8x1024xf32, #tpu.memory_space<vmem>>, vector<1x16xf32>,
        %parallel_loop3A_868 = vector.shape_cast %parallel_loop3A_867 : vector<1x16xf32> to vector<16xf32>
        %parallel_loop3A_869 = vector.shape_cast %parallel_loop3A_864 : vector<16xf32> to vector<1x16xf32>
        tpu.vector_store %arg5[%parallel_loop3A_865, %parallel_loop3A_866], %parallel_loop3A_869 {strides = array<i32>} : memref<8x1024xf32, #tpu.memory_space<vmem>>, vector<1x16xf32>,
      } {sc.loop_unroll_factor = 8 : i64, sc.parallel_access}
      %mul3A_445 = arith.constant 8 : i32
      %mul3A_446 = arith.muli %add3A_428, %mul3A_445 : i32
      %add3A_447 = arith.addi %mul3A_2, %mul3A_446 : i32
      %add3A_448 = arith.constant 0 : i32
      %add3A_449 = arith.addi %add3A_447, %add3A_448 : i32
      %dma_start3A_450 = arith.constant 0 : i32
      %dma_start3A_451 = arith.constant 0 : i32
      %dma_start3A_452 = arith.constant 0 : i32
      %dma_start3A_453 = tpu.memref_slice %arg5[%dma_start3A_451, %dma_start3A_452] : memref<8x1024xf32, #tpu.memory_space<vmem>> -> memref<4x1024xf32, #tpu.memory_space<vmem>>
      %dma_start3A_454 = arith.constant 0 : i32
      %dma_start3A_455 = tpu.memref_slice %arg4[%dma_start3A_450, %add3A_449, %dma_start3A_454] : memref<4x8192x1024xf32, #tpu.memory_space<hbm>> -> memref<1x4x1024xf32, #tpu.memory_space<hbm>>
      %dma_start3A_456 = tpu.memref_squeeze %dma_start3A_455 : memref<1x4x1024xf32, #tpu.memory_space<hbm>> -> memref<4x1024xf32, #tpu.memory_space<hbm>>
      %dma_start3A_457 = arith.constant 0 : i32
      %dma_start3A_458 = tpu.memref_slice %arg4[%dma_start3A_450, %add3A_449, %dma_start3A_457] : memref<4x8192x1024xf32, #tpu.memory_space<hbm>> -> memref<1x4x1024xf32, #tpu.memory_space<hbm>>
      %dma_start3A_459 = tpu.memref_squeeze %dma_start3A_458 : memref<1x4x1024xf32, #tpu.memory_space<hbm>> -> memref<4x1024xf32, #tpu.memory_space<hbm>>
      %dma_start3A_460 = arith.constant 0 : i32
      %dma_start3A_461 = arith.constant 0 : i32
      %dma_start3A_462 = tpu.memref_slice %arg5[%dma_start3A_460, %dma_start3A_461] : memref<8x1024xf32, #tpu.memory_space<vmem>> -> memref<4x1024xf32, #tpu.memory_space<vmem>>
      tpu.enqueue_dma source(%dma_start3A_462 : memref<4x1024xf32, #tpu.memory_space<vmem>>) target(%dma_start3A_459 : memref<4x1024xf32, #tpu.memory_space<hbm>>) target_semaphore(%arg23 : memref<!tpu.dma_semaphore, #tpu.memory_space<semaphore_mem>>)
      %parallel_loop3A_463 = arith.constant 256 : i32
      %parallel_loop3A_464 = arith.constant 512 : i32
      %parallel_loop3A_465 = arith.constant 1 : i32
      scf.for %parallel_loop3A_849 = %parallel_loop3A_463 to %parallel_loop3A_464 step %parallel_loop3A_465  : i32 {
        %parallel_loop3A_850 = arith.constant 6 : i32
        %parallel_loop3A_851 = arith.shrsi %parallel_loop3A_849, %parallel_loop3A_850 : i32
        %parallel_loop3A_852 = arith.constant 63 : i32
        %parallel_loop3A_853 = arith.andi %parallel_loop3A_849, %parallel_loop3A_852 : i32
        %parallel_loop3A_854 = arith.constant 16 : i32
        %parallel_loop3A_855 = arith.muli %parallel_loop3A_853, %parallel_loop3A_854 : i32
        %parallel_loop3A_856 = arith.index_cast %parallel_loop3A_851 : i32 to index
        %parallel_loop3A_857 = arith.index_cast %parallel_loop3A_855 : i32 to index
        %parallel_loop3A_858 = tpu.vector_load %arg5[%parallel_loop3A_856, %parallel_loop3A_857] {strides = array<i32>} : memref<8x1024xf32, #tpu.memory_space<vmem>>, vector<1x16xf32>,
        %parallel_loop3A_859 = vector.shape_cast %parallel_loop3A_858 : vector<1x16xf32> to vector<16xf32>
        %parallel_loop3A_860 = arith.index_cast %parallel_loop3A_851 : i32 to index
        %parallel_loop3A_861 = arith.index_cast %parallel_loop3A_855 : i32 to index
        %parallel_loop3A_862 = tpu.vector_load %arg13[%parallel_loop3A_860, %parallel_loop3A_861] {strides = array<i32>} : memref<8x1024xf32, #tpu.memory_space<vmem>>, vector<1x16xf32>,
        %parallel_loop3A_863 = vector.shape_cast %parallel_loop3A_862 : vector<1x16xf32> to vector<16xf32>
        %parallel_loop3A_864 = arith.addf %parallel_loop3A_859, %parallel_loop3A_863 : vector<16xf32>
        %parallel_loop3A_865 = arith.index_cast %parallel_loop3A_851 : i32 to index
        %parallel_loop3A_866 = arith.index_cast %parallel_loop3A_855 : i32 to index
        %parallel_loop3A_867 = tpu.vector_load %arg5[%parallel_loop3A_865, %parallel_loop3A_866] {strides = array<i32>} : memref<8x1024xf32, #tpu.memory_space<vmem>>, vector<1x16xf32>,
        %parallel_loop3A_868 = vector.shape_cast %parallel_loop3A_867 : vector<1x16xf32> to vector<16xf32>
        %parallel_loop3A_869 = vector.shape_cast %parallel_loop3A_864 : vector<16xf32> to vector<1x16xf32>
        tpu.vector_store %arg5[%parallel_loop3A_865, %parallel_loop3A_866], %parallel_loop3A_869 {strides = array<i32>} : memref<8x1024xf32, #tpu.memory_space<vmem>>, vector<1x16xf32>,
      } {sc.loop_unroll_factor = 8 : i64, sc.parallel_access}
      %mul3A_466 = arith.constant 8 : i32
      %mul3A_467 = arith.muli %add3A_428, %mul3A_466 : i32
      %add3A_468 = arith.addi %mul3A_2, %mul3A_467 : i32
      %add3A_469 = arith.constant 4 : i32
      %add3A_470 = arith.addi %add3A_468, %add3A_469 : i32
      %dma_start3A_471 = arith.constant 0 : i32
      %dma_start3A_472 = arith.constant 4 : i32
      %dma_start3A_473 = arith.constant 0 : i32
      %dma_start3A_474 = tpu.memref_slice %arg5[%dma_start3A_472, %dma_start3A_473] : memref<8x1024xf32, #tpu.memory_space<vmem>> -> memref<4x1024xf32, #tpu.memory_space<vmem>>
      %dma_start3A_475 = arith.constant 0 : i32
      %dma_start3A_476 = tpu.memref_slice %arg4[%dma_start3A_471, %add3A_470, %dma_start3A_475] : memref<4x8192x1024xf32, #tpu.memory_space<hbm>> -> memref<1x4x1024xf32, #tpu.memory_space<hbm>>
      %dma_start3A_477 = tpu.memref_squeeze %dma_start3A_476 : memref<1x4x1024xf32, #tpu.memory_space<hbm>> -> memref<4x1024xf32, #tpu.memory_space<hbm>>
      %dma_start3A_478 = arith.constant 0 : i32
      %dma_start3A_479 = tpu.memref_slice %arg4[%dma_start3A_471, %add3A_470, %dma_start3A_478] : memref<4x8192x1024xf32, #tpu.memory_space<hbm>> -> memref<1x4x1024xf32, #tpu.memory_space<hbm>>
      %dma_start3A_480 = tpu.memref_squeeze %dma_start3A_479 : memref<1x4x1024xf32, #tpu.memory_space<hbm>> -> memref<4x1024xf32, #tpu.memory_space<hbm>>
      %dma_start3A_481 = arith.constant 4 : i32
      %dma_start3A_482 = arith.constant 0 : i32
      %dma_start3A_483 = tpu.memref_slice %arg5[%dma_start3A_481, %dma_start3A_482] : memref<8x1024xf32, #tpu.memory_space<vmem>> -> memref<4x1024xf32, #tpu.memory_space<vmem>>
      tpu.enqueue_dma source(%dma_start3A_483 : memref<4x1024xf32, #tpu.memory_space<vmem>>) target(%dma_start3A_480 : memref<4x1024xf32, #tpu.memory_space<hbm>>) target_semaphore(%arg23 : memref<!tpu.dma_semaphore, #tpu.memory_space<semaphore_mem>>)
      %dma_wait3A_484 = arith.constant 1 : i32
      %dma_wait3A_485 = arith.constant 0 : i32
      %dma_wait3A_486 = tpu.memref_slice %arg2[%dma_wait3A_484, %add3A_317, %dma_wait3A_485] : memref<4x8192x1024xf32, #tpu.memory_space<hbm>> -> memref<1x8x1024xf32, #tpu.memory_space<hbm>>
      %dma_wait3A_487 = tpu.memref_squeeze %dma_wait3A_486 : memref<1x8x1024xf32, #tpu.memory_space<hbm>> -> memref<8x1024xf32, #tpu.memory_space<hbm>>
      %dma_wait3A_488 = arith.constant 0 : i32
      %dma_wait3A_489 = tpu.memref_slice %arg2[%dma_wait3A_484, %add3A_317, %dma_wait3A_488] : memref<4x8192x1024xf32, #tpu.memory_space<hbm>> -> memref<1x8x1024xf32, #tpu.memory_space<hbm>>
      %dma_wait3A_490 = tpu.memref_squeeze %dma_wait3A_489 : memref<1x8x1024xf32, #tpu.memory_space<hbm>> -> memref<8x1024xf32, #tpu.memory_space<hbm>>
      tpu.wait_dma2 semaphore(%arg16 : memref<!tpu.dma_semaphore, #tpu.memory_space<semaphore_mem>>) src(%dma_wait3A_490 : memref<8x1024xf32, #tpu.memory_space<hbm>>) dst(%arg6 : memref<8x1024xf32, #tpu.memory_space<vmem>>)
      %parallel_loop3A_491 = arith.constant 0 : i32
      %parallel_loop3A_492 = arith.constant 256 : i32
      %parallel_loop3A_493 = arith.constant 1 : i32
      scf.for %parallel_loop3A_849 = %parallel_loop3A_491 to %parallel_loop3A_492 step %parallel_loop3A_493  : i32 {
        %parallel_loop3A_850 = arith.constant 6 : i32
        %parallel_loop3A_851 = arith.shrsi %parallel_loop3A_849, %parallel_loop3A_850 : i32
        %parallel_loop3A_852 = arith.constant 63 : i32
        %parallel_loop3A_853 = arith.andi %parallel_loop3A_849, %parallel_loop3A_852 : i32
        %parallel_loop3A_854 = arith.constant 16 : i32
        %parallel_loop3A_855 = arith.muli %parallel_loop3A_853, %parallel_loop3A_854 : i32
        %parallel_loop3A_856 = arith.index_cast %parallel_loop3A_851 : i32 to index
        %parallel_loop3A_857 = arith.index_cast %parallel_loop3A_855 : i32 to index
        %parallel_loop3A_858 = tpu.vector_load %arg6[%parallel_loop3A_856, %parallel_loop3A_857] {strides = array<i32>} : memref<8x1024xf32, #tpu.memory_space<vmem>>, vector<1x16xf32>,
        %parallel_loop3A_859 = vector.shape_cast %parallel_loop3A_858 : vector<1x16xf32> to vector<16xf32>
        %parallel_loop3A_860 = arith.index_cast %parallel_loop3A_851 : i32 to index
        %parallel_loop3A_861 = arith.index_cast %parallel_loop3A_855 : i32 to index
        %parallel_loop3A_862 = tpu.vector_load %arg13[%parallel_loop3A_860, %parallel_loop3A_861] {strides = array<i32>} : memref<8x1024xf32, #tpu.memory_space<vmem>>, vector<1x16xf32>,
        %parallel_loop3A_863 = vector.shape_cast %parallel_loop3A_862 : vector<1x16xf32> to vector<16xf32>
        %parallel_loop3A_864 = arith.addf %parallel_loop3A_859, %parallel_loop3A_863 : vector<16xf32>
        %parallel_loop3A_865 = arith.index_cast %parallel_loop3A_851 : i32 to index
        %parallel_loop3A_866 = arith.index_cast %parallel_loop3A_855 : i32 to index
        %parallel_loop3A_867 = tpu.vector_load %arg6[%parallel_loop3A_865, %parallel_loop3A_866] {strides = array<i32>} : memref<8x1024xf32, #tpu.memory_space<vmem>>, vector<1x16xf32>,
        %parallel_loop3A_868 = vector.shape_cast %parallel_loop3A_867 : vector<1x16xf32> to vector<16xf32>
        %parallel_loop3A_869 = vector.shape_cast %parallel_loop3A_864 : vector<16xf32> to vector<1x16xf32>
        tpu.vector_store %arg6[%parallel_loop3A_865, %parallel_loop3A_866], %parallel_loop3A_869 {strides = array<i32>} : memref<8x1024xf32, #tpu.memory_space<vmem>>, vector<1x16xf32>,
      } {sc.loop_unroll_factor = 8 : i64, sc.parallel_access}
      %mul3A_494 = arith.constant 8 : i32
      %mul3A_495 = arith.muli %add3A_428, %mul3A_494 : i32
      %add3A_496 = arith.addi %mul3A_2, %mul3A_495 : i32
      %add3A_497 = arith.constant 0 : i32
      %add3A_498 = arith.addi %add3A_496, %add3A_497 : i32
      %dma_start3A_499 = arith.constant 1 : i32
      %dma_start3A_500 = arith.constant 0 : i32
      %dma_start3A_501 = arith.constant 0 : i32
      %dma_start3A_502 = tpu.memref_slice %arg6[%dma_start3A_500, %dma_start3A_501] : memref<8x1024xf32, #tpu.memory_space<vmem>> -> memref<4x1024xf32, #tpu.memory_space<vmem>>
      %dma_start3A_503 = arith.constant 0 : i32
      %dma_start3A_504 = tpu.memref_slice %arg4[%dma_start3A_499, %add3A_498, %dma_start3A_503] : memref<4x8192x1024xf32, #tpu.memory_space<hbm>> -> memref<1x4x1024xf32, #tpu.memory_space<hbm>>
      %dma_start3A_505 = tpu.memref_squeeze %dma_start3A_504 : memref<1x4x1024xf32, #tpu.memory_space<hbm>> -> memref<4x1024xf32, #tpu.memory_space<hbm>>
      %dma_start3A_506 = arith.constant 0 : i32
      %dma_start3A_507 = tpu.memref_slice %arg4[%dma_start3A_499, %add3A_498, %dma_start3A_506] : memref<4x8192x1024xf32, #tpu.memory_space<hbm>> -> memref<1x4x1024xf32, #tpu.memory_space<hbm>>
      %dma_start3A_508 = tpu.memref_squeeze %dma_start3A_507 : memref<1x4x1024xf32, #tpu.memory_space<hbm>> -> memref<4x1024xf32, #tpu.memory_space<hbm>>
      %dma_start3A_509 = arith.constant 0 : i32
      %dma_start3A_510 = arith.constant 0 : i32
      %dma_start3A_511 = tpu.memref_slice %arg6[%dma_start3A_509, %dma_start3A_510] : memref<8x1024xf32, #tpu.memory_space<vmem>> -> memref<4x1024xf32, #tpu.memory_space<vmem>>
      tpu.enqueue_dma source(%dma_start3A_511 : memref<4x1024xf32, #tpu.memory_space<vmem>>) target(%dma_start3A_508 : memref<4x1024xf32, #tpu.memory_space<hbm>>) target_semaphore(%arg24 : memref<!tpu.dma_semaphore, #tpu.memory_space<semaphore_mem>>)
      %parallel_loop3A_512 = arith.constant 256 : i32
      %parallel_loop3A_513 = arith.constant 512 : i32
      %parallel_loop3A_514 = arith.constant 1 : i32
      scf.for %parallel_loop3A_849 = %parallel_loop3A_512 to %parallel_loop3A_513 step %parallel_loop3A_514  : i32 {
        %parallel_loop3A_850 = arith.constant 6 : i32
        %parallel_loop3A_851 = arith.shrsi %parallel_loop3A_849, %parallel_loop3A_850 : i32
        %parallel_loop3A_852 = arith.constant 63 : i32
        %parallel_loop3A_853 = arith.andi %parallel_loop3A_849, %parallel_loop3A_852 : i32
        %parallel_loop3A_854 = arith.constant 16 : i32
        %parallel_loop3A_855 = arith.muli %parallel_loop3A_853, %parallel_loop3A_854 : i32
        %parallel_loop3A_856 = arith.index_cast %parallel_loop3A_851 : i32 to index
        %parallel_loop3A_857 = arith.index_cast %parallel_loop3A_855 : i32 to index
        %parallel_loop3A_858 = tpu.vector_load %arg6[%parallel_loop3A_856, %parallel_loop3A_857] {strides = array<i32>} : memref<8x1024xf32, #tpu.memory_space<vmem>>, vector<1x16xf32>,
        %parallel_loop3A_859 = vector.shape_cast %parallel_loop3A_858 : vector<1x16xf32> to vector<16xf32>
        %parallel_loop3A_860 = arith.index_cast %parallel_loop3A_851 : i32 to index
        %parallel_loop3A_861 = arith.index_cast %parallel_loop3A_855 : i32 to index
        %parallel_loop3A_862 = tpu.vector_load %arg13[%parallel_loop3A_860, %parallel_loop3A_861] {strides = array<i32>} : memref<8x1024xf32, #tpu.memory_space<vmem>>, vector<1x16xf32>,
        %parallel_loop3A_863 = vector.shape_cast %parallel_loop3A_862 : vector<1x16xf32> to vector<16xf32>
        %parallel_loop3A_864 = arith.addf %parallel_loop3A_859, %parallel_loop3A_863 : vector<16xf32>
        %parallel_loop3A_865 = arith.index_cast %parallel_loop3A_851 : i32 to index
        %parallel_loop3A_866 = arith.index_cast %parallel_loop3A_855 : i32 to index
        %parallel_loop3A_867 = tpu.vector_load %arg6[%parallel_loop3A_865, %parallel_loop3A_866] {strides = array<i32>} : memref<8x1024xf32, #tpu.memory_space<vmem>>, vector<1x16xf32>,
        %parallel_loop3A_868 = vector.shape_cast %parallel_loop3A_867 : vector<1x16xf32> to vector<16xf32>
        %parallel_loop3A_869 = vector.shape_cast %parallel_loop3A_864 : vector<16xf32> to vector<1x16xf32>
        tpu.vector_store %arg6[%parallel_loop3A_865, %parallel_loop3A_866], %parallel_loop3A_869 {strides = array<i32>} : memref<8x1024xf32, #tpu.memory_space<vmem>>, vector<1x16xf32>,
      } {sc.loop_unroll_factor = 8 : i64, sc.parallel_access}
      %mul3A_515 = arith.constant 8 : i32
      %mul3A_516 = arith.muli %add3A_428, %mul3A_515 : i32
      %add3A_517 = arith.addi %mul3A_2, %mul3A_516 : i32
      %add3A_518 = arith.constant 4 : i32
      %add3A_519 = arith.addi %add3A_517, %add3A_518 : i32
      %dma_start3A_520 = arith.constant 1 : i32
      %dma_start3A_521 = arith.constant 4 : i32
      %dma_start3A_522 = arith.constant 0 : i32
      %dma_start3A_523 = tpu.memref_slice %arg6[%dma_start3A_521, %dma_start3A_522] : memref<8x1024xf32, #tpu.memory_space<vmem>> -> memref<4x1024xf32, #tpu.memory_space<vmem>>
      %dma_start3A_524 = arith.constant 0 : i32
      %dma_start3A_525 = tpu.memref_slice %arg4[%dma_start3A_520, %add3A_519, %dma_start3A_524] : memref<4x8192x1024xf32, #tpu.memory_space<hbm>> -> memref<1x4x1024xf32, #tpu.memory_space<hbm>>
      %dma_start3A_526 = tpu.memref_squeeze %dma_start3A_525 : memref<1x4x1024xf32, #tpu.memory_space<hbm>> -> memref<4x1024xf32, #tpu.memory_space<hbm>>
      %dma_start3A_527 = arith.constant 0 : i32
      %dma_start3A_528 = tpu.memref_slice %arg4[%dma_start3A_520, %add3A_519, %dma_start3A_527] : memref<4x8192x1024xf32, #tpu.memory_space<hbm>> -> memref<1x4x1024xf32, #tpu.memory_space<hbm>>
      %dma_start3A_529 = tpu.memref_squeeze %dma_start3A_528 : memref<1x4x1024xf32, #tpu.memory_space<hbm>> -> memref<4x1024xf32, #tpu.memory_space<hbm>>
      %dma_start3A_530 = arith.constant 4 : i32
      %dma_start3A_531 = arith.constant 0 : i32
      %dma_start3A_532 = tpu.memref_slice %arg6[%dma_start3A_530, %dma_start3A_531] : memref<8x1024xf32, #tpu.memory_space<vmem>> -> memref<4x1024xf32, #tpu.memory_space<vmem>>
      tpu.enqueue_dma source(%dma_start3A_532 : memref<4x1024xf32, #tpu.memory_space<vmem>>) target(%dma_start3A_529 : memref<4x1024xf32, #tpu.memory_space<hbm>>) target_semaphore(%arg24 : memref<!tpu.dma_semaphore, #tpu.memory_space<semaphore_mem>>)
      %dma_wait3A_533 = arith.constant 2 : i32
      %dma_wait3A_534 = arith.constant 0 : i32
      %dma_wait3A_535 = tpu.memref_slice %arg2[%dma_wait3A_533, %add3A_334, %dma_wait3A_534] : memref<4x8192x1024xf32, #tpu.memory_space<hbm>> -> memref<1x8x1024xf32, #tpu.memory_space<hbm>>
      %dma_wait3A_536 = tpu.memref_squeeze %dma_wait3A_535 : memref<1x8x1024xf32, #tpu.memory_space<hbm>> -> memref<8x1024xf32, #tpu.memory_space<hbm>>
      %dma_wait3A_537 = arith.constant 0 : i32
      %dma_wait3A_538 = tpu.memref_slice %arg2[%dma_wait3A_533, %add3A_334, %dma_wait3A_537] : memref<4x8192x1024xf32, #tpu.memory_space<hbm>> -> memref<1x8x1024xf32, #tpu.memory_space<hbm>>
      %dma_wait3A_539 = tpu.memref_squeeze %dma_wait3A_538 : memref<1x8x1024xf32, #tpu.memory_space<hbm>> -> memref<8x1024xf32, #tpu.memory_space<hbm>>
      tpu.wait_dma2 semaphore(%arg17 : memref<!tpu.dma_semaphore, #tpu.memory_space<semaphore_mem>>) src(%dma_wait3A_539 : memref<8x1024xf32, #tpu.memory_space<hbm>>) dst(%arg7 : memref<8x1024xf32, #tpu.memory_space<vmem>>)
      %parallel_loop3A_540 = arith.constant 0 : i32
      %parallel_loop3A_541 = arith.constant 256 : i32
      %parallel_loop3A_542 = arith.constant 1 : i32
      scf.for %parallel_loop3A_849 = %parallel_loop3A_540 to %parallel_loop3A_541 step %parallel_loop3A_542  : i32 {
        %parallel_loop3A_850 = arith.constant 6 : i32
        %parallel_loop3A_851 = arith.shrsi %parallel_loop3A_849, %parallel_loop3A_850 : i32
        %parallel_loop3A_852 = arith.constant 63 : i32
        %parallel_loop3A_853 = arith.andi %parallel_loop3A_849, %parallel_loop3A_852 : i32
        %parallel_loop3A_854 = arith.constant 16 : i32
        %parallel_loop3A_855 = arith.muli %parallel_loop3A_853, %parallel_loop3A_854 : i32
        %parallel_loop3A_856 = arith.index_cast %parallel_loop3A_851 : i32 to index
        %parallel_loop3A_857 = arith.index_cast %parallel_loop3A_855 : i32 to index
        %parallel_loop3A_858 = tpu.vector_load %arg7[%parallel_loop3A_856, %parallel_loop3A_857] {strides = array<i32>} : memref<8x1024xf32, #tpu.memory_space<vmem>>, vector<1x16xf32>,
        %parallel_loop3A_859 = vector.shape_cast %parallel_loop3A_858 : vector<1x16xf32> to vector<16xf32>
        %parallel_loop3A_860 = arith.index_cast %parallel_loop3A_851 : i32 to index
        %parallel_loop3A_861 = arith.index_cast %parallel_loop3A_855 : i32 to index
        %parallel_loop3A_862 = tpu.vector_load %arg13[%parallel_loop3A_860, %parallel_loop3A_861] {strides = array<i32>} : memref<8x1024xf32, #tpu.memory_space<vmem>>, vector<1x16xf32>,
        %parallel_loop3A_863 = vector.shape_cast %parallel_loop3A_862 : vector<1x16xf32> to vector<16xf32>
        %parallel_loop3A_864 = arith.addf %parallel_loop3A_859, %parallel_loop3A_863 : vector<16xf32>
        %parallel_loop3A_865 = arith.index_cast %parallel_loop3A_851 : i32 to index
        %parallel_loop3A_866 = arith.index_cast %parallel_loop3A_855 : i32 to index
        %parallel_loop3A_867 = tpu.vector_load %arg7[%parallel_loop3A_865, %parallel_loop3A_866] {strides = array<i32>} : memref<8x1024xf32, #tpu.memory_space<vmem>>, vector<1x16xf32>,
        %parallel_loop3A_868 = vector.shape_cast %parallel_loop3A_867 : vector<1x16xf32> to vector<16xf32>
        %parallel_loop3A_869 = vector.shape_cast %parallel_loop3A_864 : vector<16xf32> to vector<1x16xf32>
        tpu.vector_store %arg7[%parallel_loop3A_865, %parallel_loop3A_866], %parallel_loop3A_869 {strides = array<i32>} : memref<8x1024xf32, #tpu.memory_space<vmem>>, vector<1x16xf32>,
      } {sc.loop_unroll_factor = 8 : i64, sc.parallel_access}
      %mul3A_543 = arith.constant 8 : i32
      %mul3A_544 = arith.muli %add3A_428, %mul3A_543 : i32
      %add3A_545 = arith.addi %mul3A_2, %mul3A_544 : i32
      %add3A_546 = arith.constant 0 : i32
      %add3A_547 = arith.addi %add3A_545, %add3A_546 : i32
      %dma_start3A_548 = arith.constant 2 : i32
      %dma_start3A_549 = arith.constant 0 : i32
      %dma_start3A_550 = arith.constant 0 : i32
      %dma_start3A_551 = tpu.memref_slice %arg7[%dma_start3A_549, %dma_start3A_550] : memref<8x1024xf32, #tpu.memory_space<vmem>> -> memref<4x1024xf32, #tpu.memory_space<vmem>>
      %dma_start3A_552 = arith.constant 0 : i32
      %dma_start3A_553 = tpu.memref_slice %arg4[%dma_start3A_548, %add3A_547, %dma_start3A_552] : memref<4x8192x1024xf32, #tpu.memory_space<hbm>> -> memref<1x4x1024xf32, #tpu.memory_space<hbm>>
      %dma_start3A_554 = tpu.memref_squeeze %dma_start3A_553 : memref<1x4x1024xf32, #tpu.memory_space<hbm>> -> memref<4x1024xf32, #tpu.memory_space<hbm>>
      %dma_start3A_555 = arith.constant 0 : i32
      %dma_start3A_556 = tpu.memref_slice %arg4[%dma_start3A_548, %add3A_547, %dma_start3A_555] : memref<4x8192x1024xf32, #tpu.memory_space<hbm>> -> memref<1x4x1024xf32, #tpu.memory_space<hbm>>
      %dma_start3A_557 = tpu.memref_squeeze %dma_start3A_556 : memref<1x4x1024xf32, #tpu.memory_space<hbm>> -> memref<4x1024xf32, #tpu.memory_space<hbm>>
      %dma_start3A_558 = arith.constant 0 : i32
      %dma_start3A_559 = arith.constant 0 : i32
      %dma_start3A_560 = tpu.memref_slice %arg7[%dma_start3A_558, %dma_start3A_559] : memref<8x1024xf32, #tpu.memory_space<vmem>> -> memref<4x1024xf32, #tpu.memory_space<vmem>>
      tpu.enqueue_dma source(%dma_start3A_560 : memref<4x1024xf32, #tpu.memory_space<vmem>>) target(%dma_start3A_557 : memref<4x1024xf32, #tpu.memory_space<hbm>>) target_semaphore(%arg25 : memref<!tpu.dma_semaphore, #tpu.memory_space<semaphore_mem>>)
      %parallel_loop3A_561 = arith.constant 256 : i32
      %parallel_loop3A_562 = arith.constant 512 : i32
      %parallel_loop3A_563 = arith.constant 1 : i32
      scf.for %parallel_loop3A_849 = %parallel_loop3A_561 to %parallel_loop3A_562 step %parallel_loop3A_563  : i32 {
        %parallel_loop3A_850 = arith.constant 6 : i32
        %parallel_loop3A_851 = arith.shrsi %parallel_loop3A_849, %parallel_loop3A_850 : i32
        %parallel_loop3A_852 = arith.constant 63 : i32
        %parallel_loop3A_853 = arith.andi %parallel_loop3A_849, %parallel_loop3A_852 : i32
        %parallel_loop3A_854 = arith.constant 16 : i32
        %parallel_loop3A_855 = arith.muli %parallel_loop3A_853, %parallel_loop3A_854 : i32
        %parallel_loop3A_856 = arith.index_cast %parallel_loop3A_851 : i32 to index
        %parallel_loop3A_857 = arith.index_cast %parallel_loop3A_855 : i32 to index
        %parallel_loop3A_858 = tpu.vector_load %arg7[%parallel_loop3A_856, %parallel_loop3A_857] {strides = array<i32>} : memref<8x1024xf32, #tpu.memory_space<vmem>>, vector<1x16xf32>,
        %parallel_loop3A_859 = vector.shape_cast %parallel_loop3A_858 : vector<1x16xf32> to vector<16xf32>
        %parallel_loop3A_860 = arith.index_cast %parallel_loop3A_851 : i32 to index
        %parallel_loop3A_861 = arith.index_cast %parallel_loop3A_855 : i32 to index
        %parallel_loop3A_862 = tpu.vector_load %arg13[%parallel_loop3A_860, %parallel_loop3A_861] {strides = array<i32>} : memref<8x1024xf32, #tpu.memory_space<vmem>>, vector<1x16xf32>,
        %parallel_loop3A_863 = vector.shape_cast %parallel_loop3A_862 : vector<1x16xf32> to vector<16xf32>
        %parallel_loop3A_864 = arith.addf %parallel_loop3A_859, %parallel_loop3A_863 : vector<16xf32>
        %parallel_loop3A_865 = arith.index_cast %parallel_loop3A_851 : i32 to index
        %parallel_loop3A_866 = arith.index_cast %parallel_loop3A_855 : i32 to index
        %parallel_loop3A_867 = tpu.vector_load %arg7[%parallel_loop3A_865, %parallel_loop3A_866] {strides = array<i32>} : memref<8x1024xf32, #tpu.memory_space<vmem>>, vector<1x16xf32>,
        %parallel_loop3A_868 = vector.shape_cast %parallel_loop3A_867 : vector<1x16xf32> to vector<16xf32>
        %parallel_loop3A_869 = vector.shape_cast %parallel_loop3A_864 : vector<16xf32> to vector<1x16xf32>
        tpu.vector_store %arg7[%parallel_loop3A_865, %parallel_loop3A_866], %parallel_loop3A_869 {strides = array<i32>} : memref<8x1024xf32, #tpu.memory_space<vmem>>, vector<1x16xf32>,
      } {sc.loop_unroll_factor = 8 : i64, sc.parallel_access}
      %mul3A_564 = arith.constant 8 : i32
      %mul3A_565 = arith.muli %add3A_428, %mul3A_564 : i32
      %add3A_566 = arith.addi %mul3A_2, %mul3A_565 : i32
      %add3A_567 = arith.constant 4 : i32
      %add3A_568 = arith.addi %add3A_566, %add3A_567 : i32
      %dma_start3A_569 = arith.constant 2 : i32
      %dma_start3A_570 = arith.constant 4 : i32
      %dma_start3A_571 = arith.constant 0 : i32
      %dma_start3A_572 = tpu.memref_slice %arg7[%dma_start3A_570, %dma_start3A_571] : memref<8x1024xf32, #tpu.memory_space<vmem>> -> memref<4x1024xf32, #tpu.memory_space<vmem>>
      %dma_start3A_573 = arith.constant 0 : i32
      %dma_start3A_574 = tpu.memref_slice %arg4[%dma_start3A_569, %add3A_568, %dma_start3A_573] : memref<4x8192x1024xf32, #tpu.memory_space<hbm>> -> memref<1x4x1024xf32, #tpu.memory_space<hbm>>
      %dma_start3A_575 = tpu.memref_squeeze %dma_start3A_574 : memref<1x4x1024xf32, #tpu.memory_space<hbm>> -> memref<4x1024xf32, #tpu.memory_space<hbm>>
      %dma_start3A_576 = arith.constant 0 : i32
      %dma_start3A_577 = tpu.memref_slice %arg4[%dma_start3A_569, %add3A_568, %dma_start3A_576] : memref<4x8192x1024xf32, #tpu.memory_space<hbm>> -> memref<1x4x1024xf32, #tpu.memory_space<hbm>>
      %dma_start3A_578 = tpu.memref_squeeze %dma_start3A_577 : memref<1x4x1024xf32, #tpu.memory_space<hbm>> -> memref<4x1024xf32, #tpu.memory_space<hbm>>
      %dma_start3A_579 = arith.constant 4 : i32
      %dma_start3A_580 = arith.constant 0 : i32
      %dma_start3A_581 = tpu.memref_slice %arg7[%dma_start3A_579, %dma_start3A_580] : memref<8x1024xf32, #tpu.memory_space<vmem>> -> memref<4x1024xf32, #tpu.memory_space<vmem>>
      tpu.enqueue_dma source(%dma_start3A_581 : memref<4x1024xf32, #tpu.memory_space<vmem>>) target(%dma_start3A_578 : memref<4x1024xf32, #tpu.memory_space<hbm>>) target_semaphore(%arg25 : memref<!tpu.dma_semaphore, #tpu.memory_space<semaphore_mem>>)
      %dma_wait3A_582 = arith.constant 3 : i32
      %dma_wait3A_583 = arith.constant 0 : i32
      %dma_wait3A_584 = tpu.memref_slice %arg2[%dma_wait3A_582, %add3A_351, %dma_wait3A_583] : memref<4x8192x1024xf32, #tpu.memory_space<hbm>> -> memref<1x8x1024xf32, #tpu.memory_space<hbm>>
      %dma_wait3A_585 = tpu.memref_squeeze %dma_wait3A_584 : memref<1x8x1024xf32, #tpu.memory_space<hbm>> -> memref<8x1024xf32, #tpu.memory_space<hbm>>
      %dma_wait3A_586 = arith.constant 0 : i32
      %dma_wait3A_587 = tpu.memref_slice %arg2[%dma_wait3A_582, %add3A_351, %dma_wait3A_586] : memref<4x8192x1024xf32, #tpu.memory_space<hbm>> -> memref<1x8x1024xf32, #tpu.memory_space<hbm>>
      %dma_wait3A_588 = tpu.memref_squeeze %dma_wait3A_587 : memref<1x8x1024xf32, #tpu.memory_space<hbm>> -> memref<8x1024xf32, #tpu.memory_space<hbm>>
      tpu.wait_dma2 semaphore(%arg18 : memref<!tpu.dma_semaphore, #tpu.memory_space<semaphore_mem>>) src(%dma_wait3A_588 : memref<8x1024xf32, #tpu.memory_space<hbm>>) dst(%arg8 : memref<8x1024xf32, #tpu.memory_space<vmem>>)
      %parallel_loop3A_589 = arith.constant 0 : i32
      %parallel_loop3A_590 = arith.constant 256 : i32
      %parallel_loop3A_591 = arith.constant 1 : i32
      scf.for %parallel_loop3A_849 = %parallel_loop3A_589 to %parallel_loop3A_590 step %parallel_loop3A_591  : i32 {
        %parallel_loop3A_850 = arith.constant 6 : i32
        %parallel_loop3A_851 = arith.shrsi %parallel_loop3A_849, %parallel_loop3A_850 : i32
        %parallel_loop3A_852 = arith.constant 63 : i32
        %parallel_loop3A_853 = arith.andi %parallel_loop3A_849, %parallel_loop3A_852 : i32
        %parallel_loop3A_854 = arith.constant 16 : i32
        %parallel_loop3A_855 = arith.muli %parallel_loop3A_853, %parallel_loop3A_854 : i32
        %parallel_loop3A_856 = arith.index_cast %parallel_loop3A_851 : i32 to index
        %parallel_loop3A_857 = arith.index_cast %parallel_loop3A_855 : i32 to index
        %parallel_loop3A_858 = tpu.vector_load %arg8[%parallel_loop3A_856, %parallel_loop3A_857] {strides = array<i32>} : memref<8x1024xf32, #tpu.memory_space<vmem>>, vector<1x16xf32>,
        %parallel_loop3A_859 = vector.shape_cast %parallel_loop3A_858 : vector<1x16xf32> to vector<16xf32>
        %parallel_loop3A_860 = arith.index_cast %parallel_loop3A_851 : i32 to index
        %parallel_loop3A_861 = arith.index_cast %parallel_loop3A_855 : i32 to index
        %parallel_loop3A_862 = tpu.vector_load %arg13[%parallel_loop3A_860, %parallel_loop3A_861] {strides = array<i32>} : memref<8x1024xf32, #tpu.memory_space<vmem>>, vector<1x16xf32>,
        %parallel_loop3A_863 = vector.shape_cast %parallel_loop3A_862 : vector<1x16xf32> to vector<16xf32>
        %parallel_loop3A_864 = arith.addf %parallel_loop3A_859, %parallel_loop3A_863 : vector<16xf32>
        %parallel_loop3A_865 = arith.index_cast %parallel_loop3A_851 : i32 to index
        %parallel_loop3A_866 = arith.index_cast %parallel_loop3A_855 : i32 to index
        %parallel_loop3A_867 = tpu.vector_load %arg8[%parallel_loop3A_865, %parallel_loop3A_866] {strides = array<i32>} : memref<8x1024xf32, #tpu.memory_space<vmem>>, vector<1x16xf32>,
        %parallel_loop3A_868 = vector.shape_cast %parallel_loop3A_867 : vector<1x16xf32> to vector<16xf32>
        %parallel_loop3A_869 = vector.shape_cast %parallel_loop3A_864 : vector<16xf32> to vector<1x16xf32>
        tpu.vector_store %arg8[%parallel_loop3A_865, %parallel_loop3A_866], %parallel_loop3A_869 {strides = array<i32>} : memref<8x1024xf32, #tpu.memory_space<vmem>>, vector<1x16xf32>,
      } {sc.loop_unroll_factor = 8 : i64, sc.parallel_access}
      %mul3A_592 = arith.constant 8 : i32
      %mul3A_593 = arith.muli %add3A_428, %mul3A_592 : i32
      %add3A_594 = arith.addi %mul3A_2, %mul3A_593 : i32
      %add3A_595 = arith.constant 0 : i32
      %add3A_596 = arith.addi %add3A_594, %add3A_595 : i32
      %dma_start3A_597 = arith.constant 3 : i32
      %dma_start3A_598 = arith.constant 0 : i32
      %dma_start3A_599 = arith.constant 0 : i32
      %dma_start3A_600 = tpu.memref_slice %arg8[%dma_start3A_598, %dma_start3A_599] : memref<8x1024xf32, #tpu.memory_space<vmem>> -> memref<4x1024xf32, #tpu.memory_space<vmem>>
      %dma_start3A_601 = arith.constant 0 : i32
      %dma_start3A_602 = tpu.memref_slice %arg4[%dma_start3A_597, %add3A_596, %dma_start3A_601] : memref<4x8192x1024xf32, #tpu.memory_space<hbm>> -> memref<1x4x1024xf32, #tpu.memory_space<hbm>>
      %dma_start3A_603 = tpu.memref_squeeze %dma_start3A_602 : memref<1x4x1024xf32, #tpu.memory_space<hbm>> -> memref<4x1024xf32, #tpu.memory_space<hbm>>
      %dma_start3A_604 = arith.constant 0 : i32
      %dma_start3A_605 = tpu.memref_slice %arg4[%dma_start3A_597, %add3A_596, %dma_start3A_604] : memref<4x8192x1024xf32, #tpu.memory_space<hbm>> -> memref<1x4x1024xf32, #tpu.memory_space<hbm>>
      %dma_start3A_606 = tpu.memref_squeeze %dma_start3A_605 : memref<1x4x1024xf32, #tpu.memory_space<hbm>> -> memref<4x1024xf32, #tpu.memory_space<hbm>>
      %dma_start3A_607 = arith.constant 0 : i32
      %dma_start3A_608 = arith.constant 0 : i32
      %dma_start3A_609 = tpu.memref_slice %arg8[%dma_start3A_607, %dma_start3A_608] : memref<8x1024xf32, #tpu.memory_space<vmem>> -> memref<4x1024xf32, #tpu.memory_space<vmem>>
      tpu.enqueue_dma source(%dma_start3A_609 : memref<4x1024xf32, #tpu.memory_space<vmem>>) target(%dma_start3A_606 : memref<4x1024xf32, #tpu.memory_space<hbm>>) target_semaphore(%arg26 : memref<!tpu.dma_semaphore, #tpu.memory_space<semaphore_mem>>)
      %parallel_loop3A_610 = arith.constant 256 : i32
      %parallel_loop3A_611 = arith.constant 512 : i32
      %parallel_loop3A_612 = arith.constant 1 : i32
      scf.for %parallel_loop3A_849 = %parallel_loop3A_610 to %parallel_loop3A_611 step %parallel_loop3A_612  : i32 {
        %parallel_loop3A_850 = arith.constant 6 : i32
        %parallel_loop3A_851 = arith.shrsi %parallel_loop3A_849, %parallel_loop3A_850 : i32
        %parallel_loop3A_852 = arith.constant 63 : i32
        %parallel_loop3A_853 = arith.andi %parallel_loop3A_849, %parallel_loop3A_852 : i32
        %parallel_loop3A_854 = arith.constant 16 : i32
        %parallel_loop3A_855 = arith.muli %parallel_loop3A_853, %parallel_loop3A_854 : i32
        %parallel_loop3A_856 = arith.index_cast %parallel_loop3A_851 : i32 to index
        %parallel_loop3A_857 = arith.index_cast %parallel_loop3A_855 : i32 to index
        %parallel_loop3A_858 = tpu.vector_load %arg8[%parallel_loop3A_856, %parallel_loop3A_857] {strides = array<i32>} : memref<8x1024xf32, #tpu.memory_space<vmem>>, vector<1x16xf32>,
        %parallel_loop3A_859 = vector.shape_cast %parallel_loop3A_858 : vector<1x16xf32> to vector<16xf32>
        %parallel_loop3A_860 = arith.index_cast %parallel_loop3A_851 : i32 to index
        %parallel_loop3A_861 = arith.index_cast %parallel_loop3A_855 : i32 to index
        %parallel_loop3A_862 = tpu.vector_load %arg13[%parallel_loop3A_860, %parallel_loop3A_861] {strides = array<i32>} : memref<8x1024xf32, #tpu.memory_space<vmem>>, vector<1x16xf32>,
        %parallel_loop3A_863 = vector.shape_cast %parallel_loop3A_862 : vector<1x16xf32> to vector<16xf32>
        %parallel_loop3A_864 = arith.addf %parallel_loop3A_859, %parallel_loop3A_863 : vector<16xf32>
        %parallel_loop3A_865 = arith.index_cast %parallel_loop3A_851 : i32 to index
        %parallel_loop3A_866 = arith.index_cast %parallel_loop3A_855 : i32 to index
        %parallel_loop3A_867 = tpu.vector_load %arg8[%parallel_loop3A_865, %parallel_loop3A_866] {strides = array<i32>} : memref<8x1024xf32, #tpu.memory_space<vmem>>, vector<1x16xf32>,
        %parallel_loop3A_868 = vector.shape_cast %parallel_loop3A_867 : vector<1x16xf32> to vector<16xf32>
        %parallel_loop3A_869 = vector.shape_cast %parallel_loop3A_864 : vector<16xf32> to vector<1x16xf32>
        tpu.vector_store %arg8[%parallel_loop3A_865, %parallel_loop3A_866], %parallel_loop3A_869 {strides = array<i32>} : memref<8x1024xf32, #tpu.memory_space<vmem>>, vector<1x16xf32>,
      } {sc.loop_unroll_factor = 8 : i64, sc.parallel_access}
      %mul3A_613 = arith.constant 8 : i32
      %mul3A_614 = arith.muli %add3A_428, %mul3A_613 : i32
      %add3A_615 = arith.addi %mul3A_2, %mul3A_614 : i32
      %add3A_616 = arith.constant 4 : i32
      %add3A_617 = arith.addi %add3A_615, %add3A_616 : i32
      %dma_start3A_618 = arith.constant 3 : i32
      %dma_start3A_619 = arith.constant 4 : i32
      %dma_start3A_620 = arith.constant 0 : i32
      %dma_start3A_621 = tpu.memref_slice %arg8[%dma_start3A_619, %dma_start3A_620] : memref<8x1024xf32, #tpu.memory_space<vmem>> -> memref<4x1024xf32, #tpu.memory_space<vmem>>
      %dma_start3A_622 = arith.constant 0 : i32
      %dma_start3A_623 = tpu.memref_slice %arg4[%dma_start3A_618, %add3A_617, %dma_start3A_622] : memref<4x8192x1024xf32, #tpu.memory_space<hbm>> -> memref<1x4x1024xf32, #tpu.memory_space<hbm>>
      %dma_start3A_624 = tpu.memref_squeeze %dma_start3A_623 : memref<1x4x1024xf32, #tpu.memory_space<hbm>> -> memref<4x1024xf32, #tpu.memory_space<hbm>>
      %dma_start3A_625 = arith.constant 0 : i32
      %dma_start3A_626 = tpu.memref_slice %arg4[%dma_start3A_618, %add3A_617, %dma_start3A_625] : memref<4x8192x1024xf32, #tpu.memory_space<hbm>> -> memref<1x4x1024xf32, #tpu.memory_space<hbm>>
      %dma_start3A_627 = tpu.memref_squeeze %dma_start3A_626 : memref<1x4x1024xf32, #tpu.memory_space<hbm>> -> memref<4x1024xf32, #tpu.memory_space<hbm>>
      %dma_start3A_628 = arith.constant 4 : i32
      %dma_start3A_629 = arith.constant 0 : i32
      %dma_start3A_630 = tpu.memref_slice %arg8[%dma_start3A_628, %dma_start3A_629] : memref<8x1024xf32, #tpu.memory_space<vmem>> -> memref<4x1024xf32, #tpu.memory_space<vmem>>
      tpu.enqueue_dma source(%dma_start3A_630 : memref<4x1024xf32, #tpu.memory_space<vmem>>) target(%dma_start3A_627 : memref<4x1024xf32, #tpu.memory_space<hbm>>) target_semaphore(%arg26 : memref<!tpu.dma_semaphore, #tpu.memory_space<semaphore_mem>>)
      %add3A_631 = arith.constant 2 : i32
      %add3A_632 = arith.addi %add3A_428, %add3A_631 : i32
      %lt3A = arith.constant 32 : i32
      %lt3A_633 = arith.cmpi slt, %add3A_632, %lt3A : i32
      %convert_element_type3A_634 = arith.extui %lt3A_633 : i1 to i32
      %cond3A_635 = arith.constant 0 : i32
      %cond3A_636 = arith.cmpi ne, %convert_element_type3A_634, %cond3A_635 : i32
      scf.if %cond3A_636 {
        %add3A_849 = arith.constant 2 : i32
        %add3A_850 = arith.addi %add3A_428, %add3A_849 : i32
        %mul3A_851 = arith.constant 8 : i32
        %mul3A_852 = arith.muli %add3A_850, %mul3A_851 : i32
        %add3A_853 = arith.addi %mul3A_2, %mul3A_852 : i32
        %dma_start3A_854 = arith.constant 0 : i32
        %dma_start3A_855 = tpu.memref_slice %arg3[%add3A_853, %dma_start3A_854] : memref<373248x1024xf32, #tpu.memory_space<hbm>> -> memref<8x1024xf32, #tpu.memory_space<hbm>>
        %dma_start3A_856 = arith.constant 0 : i32
        %dma_start3A_857 = tpu.memref_slice %arg3[%add3A_853, %dma_start3A_856] : memref<373248x1024xf32, #tpu.memory_space<hbm>> -> memref<8x1024xf32, #tpu.memory_space<hbm>>
        tpu.enqueue_dma source(%dma_start3A_857 : memref<8x1024xf32, #tpu.memory_space<hbm>>) target(%arg13 : memref<8x1024xf32, #tpu.memory_space<vmem>>) target_semaphore(%arg31 : memref<!tpu.dma_semaphore, #tpu.memory_space<semaphore_mem>>)
      } else {
      }
      %add3A_637 = arith.constant 1 : i32
      %add3A_638 = arith.addi %add3A_293, %add3A_637 : i32
      %mul3A_639 = arith.constant 8 : i32
      %mul3A_640 = arith.muli %add3A_638, %mul3A_639 : i32
      %add3A_641 = arith.addi %mul3A_2, %mul3A_640 : i32
      %dma_wait3A_642 = arith.constant 0 : i32
      %dma_wait3A_643 = tpu.memref_slice %arg3[%add3A_641, %dma_wait3A_642] : memref<373248x1024xf32, #tpu.memory_space<hbm>> -> memref<8x1024xf32, #tpu.memory_space<hbm>>
      %dma_wait3A_644 = arith.constant 0 : i32
      %dma_wait3A_645 = tpu.memref_slice %arg3[%add3A_641, %dma_wait3A_644] : memref<373248x1024xf32, #tpu.memory_space<hbm>> -> memref<8x1024xf32, #tpu.memory_space<hbm>>
      tpu.wait_dma2 semaphore(%arg32 : memref<!tpu.dma_semaphore, #tpu.memory_space<semaphore_mem>>) src(%dma_wait3A_645 : memref<8x1024xf32, #tpu.memory_space<hbm>>) dst(%arg14 : memref<8x1024xf32, #tpu.memory_space<vmem>>)
      %dma_wait3A_646 = arith.constant 0 : i32
      %dma_wait3A_647 = arith.constant 0 : i32
      %dma_wait3A_648 = tpu.memref_slice %arg2[%dma_wait3A_646, %add3A_368, %dma_wait3A_647] : memref<4x8192x1024xf32, #tpu.memory_space<hbm>> -> memref<1x8x1024xf32, #tpu.memory_space<hbm>>
      %dma_wait3A_649 = tpu.memref_squeeze %dma_wait3A_648 : memref<1x8x1024xf32, #tpu.memory_space<hbm>> -> memref<8x1024xf32, #tpu.memory_space<hbm>>
      %dma_wait3A_650 = arith.constant 0 : i32
      %dma_wait3A_651 = tpu.memref_slice %arg2[%dma_wait3A_646, %add3A_368, %dma_wait3A_650] : memref<4x8192x1024xf32, #tpu.memory_space<hbm>> -> memref<1x8x1024xf32, #tpu.memory_space<hbm>>
      %dma_wait3A_652 = tpu.memref_squeeze %dma_wait3A_651 : memref<1x8x1024xf32, #tpu.memory_space<hbm>> -> memref<8x1024xf32, #tpu.memory_space<hbm>>
      tpu.wait_dma2 semaphore(%arg19 : memref<!tpu.dma_semaphore, #tpu.memory_space<semaphore_mem>>) src(%dma_wait3A_652 : memref<8x1024xf32, #tpu.memory_space<hbm>>) dst(%arg9 : memref<8x1024xf32, #tpu.memory_space<vmem>>)
      %parallel_loop3A_653 = arith.constant 0 : i32
      %parallel_loop3A_654 = arith.constant 256 : i32
      %parallel_loop3A_655 = arith.constant 1 : i32
      scf.for %parallel_loop3A_849 = %parallel_loop3A_653 to %parallel_loop3A_654 step %parallel_loop3A_655  : i32 {
        %parallel_loop3A_850 = arith.constant 6 : i32
        %parallel_loop3A_851 = arith.shrsi %parallel_loop3A_849, %parallel_loop3A_850 : i32
        %parallel_loop3A_852 = arith.constant 63 : i32
        %parallel_loop3A_853 = arith.andi %parallel_loop3A_849, %parallel_loop3A_852 : i32
        %parallel_loop3A_854 = arith.constant 16 : i32
        %parallel_loop3A_855 = arith.muli %parallel_loop3A_853, %parallel_loop3A_854 : i32
        %parallel_loop3A_856 = arith.index_cast %parallel_loop3A_851 : i32 to index
        %parallel_loop3A_857 = arith.index_cast %parallel_loop3A_855 : i32 to index
        %parallel_loop3A_858 = tpu.vector_load %arg9[%parallel_loop3A_856, %parallel_loop3A_857] {strides = array<i32>} : memref<8x1024xf32, #tpu.memory_space<vmem>>, vector<1x16xf32>,
        %parallel_loop3A_859 = vector.shape_cast %parallel_loop3A_858 : vector<1x16xf32> to vector<16xf32>
        %parallel_loop3A_860 = arith.index_cast %parallel_loop3A_851 : i32 to index
        %parallel_loop3A_861 = arith.index_cast %parallel_loop3A_855 : i32 to index
        %parallel_loop3A_862 = tpu.vector_load %arg14[%parallel_loop3A_860, %parallel_loop3A_861] {strides = array<i32>} : memref<8x1024xf32, #tpu.memory_space<vmem>>, vector<1x16xf32>,
        %parallel_loop3A_863 = vector.shape_cast %parallel_loop3A_862 : vector<1x16xf32> to vector<16xf32>
        %parallel_loop3A_864 = arith.addf %parallel_loop3A_859, %parallel_loop3A_863 : vector<16xf32>
        %parallel_loop3A_865 = arith.index_cast %parallel_loop3A_851 : i32 to index
        %parallel_loop3A_866 = arith.index_cast %parallel_loop3A_855 : i32 to index
        %parallel_loop3A_867 = tpu.vector_load %arg9[%parallel_loop3A_865, %parallel_loop3A_866] {strides = array<i32>} : memref<8x1024xf32, #tpu.memory_space<vmem>>, vector<1x16xf32>,
        %parallel_loop3A_868 = vector.shape_cast %parallel_loop3A_867 : vector<1x16xf32> to vector<16xf32>
        %parallel_loop3A_869 = vector.shape_cast %parallel_loop3A_864 : vector<16xf32> to vector<1x16xf32>
        tpu.vector_store %arg9[%parallel_loop3A_865, %parallel_loop3A_866], %parallel_loop3A_869 {strides = array<i32>} : memref<8x1024xf32, #tpu.memory_space<vmem>>, vector<1x16xf32>,
      } {sc.loop_unroll_factor = 8 : i64, sc.parallel_access}
      %mul3A_656 = arith.constant 8 : i32
      %mul3A_657 = arith.muli %add3A_638, %mul3A_656 : i32
      %add3A_658 = arith.addi %mul3A_2, %mul3A_657 : i32
      %add3A_659 = arith.constant 0 : i32
      %add3A_660 = arith.addi %add3A_658, %add3A_659 : i32
      %dma_start3A_661 = arith.constant 0 : i32
      %dma_start3A_662 = arith.constant 0 : i32
      %dma_start3A_663 = arith.constant 0 : i32
      %dma_start3A_664 = tpu.memref_slice %arg9[%dma_start3A_662, %dma_start3A_663] : memref<8x1024xf32, #tpu.memory_space<vmem>> -> memref<4x1024xf32, #tpu.memory_space<vmem>>
      %dma_start3A_665 = arith.constant 0 : i32
      %dma_start3A_666 = tpu.memref_slice %arg4[%dma_start3A_661, %add3A_660, %dma_start3A_665] : memref<4x8192x1024xf32, #tpu.memory_space<hbm>> -> memref<1x4x1024xf32, #tpu.memory_space<hbm>>
      %dma_start3A_667 = tpu.memref_squeeze %dma_start3A_666 : memref<1x4x1024xf32, #tpu.memory_space<hbm>> -> memref<4x1024xf32, #tpu.memory_space<hbm>>
      %dma_start3A_668 = arith.constant 0 : i32
      %dma_start3A_669 = tpu.memref_slice %arg4[%dma_start3A_661, %add3A_660, %dma_start3A_668] : memref<4x8192x1024xf32, #tpu.memory_space<hbm>> -> memref<1x4x1024xf32, #tpu.memory_space<hbm>>
      %dma_start3A_670 = tpu.memref_squeeze %dma_start3A_669 : memref<1x4x1024xf32, #tpu.memory_space<hbm>> -> memref<4x1024xf32, #tpu.memory_space<hbm>>
      %dma_start3A_671 = arith.constant 0 : i32
      %dma_start3A_672 = arith.constant 0 : i32
      %dma_start3A_673 = tpu.memref_slice %arg9[%dma_start3A_671, %dma_start3A_672] : memref<8x1024xf32, #tpu.memory_space<vmem>> -> memref<4x1024xf32, #tpu.memory_space<vmem>>
      tpu.enqueue_dma source(%dma_start3A_673 : memref<4x1024xf32, #tpu.memory_space<vmem>>) target(%dma_start3A_670 : memref<4x1024xf32, #tpu.memory_space<hbm>>) target_semaphore(%arg27 : memref<!tpu.dma_semaphore, #tpu.memory_space<semaphore_mem>>)
      %parallel_loop3A_674 = arith.constant 256 : i32
      %parallel_loop3A_675 = arith.constant 512 : i32
      %parallel_loop3A_676 = arith.constant 1 : i32
      scf.for %parallel_loop3A_849 = %parallel_loop3A_674 to %parallel_loop3A_675 step %parallel_loop3A_676  : i32 {
        %parallel_loop3A_850 = arith.constant 6 : i32
        %parallel_loop3A_851 = arith.shrsi %parallel_loop3A_849, %parallel_loop3A_850 : i32
        %parallel_loop3A_852 = arith.constant 63 : i32
        %parallel_loop3A_853 = arith.andi %parallel_loop3A_849, %parallel_loop3A_852 : i32
        %parallel_loop3A_854 = arith.constant 16 : i32
        %parallel_loop3A_855 = arith.muli %parallel_loop3A_853, %parallel_loop3A_854 : i32
        %parallel_loop3A_856 = arith.index_cast %parallel_loop3A_851 : i32 to index
        %parallel_loop3A_857 = arith.index_cast %parallel_loop3A_855 : i32 to index
        %parallel_loop3A_858 = tpu.vector_load %arg9[%parallel_loop3A_856, %parallel_loop3A_857] {strides = array<i32>} : memref<8x1024xf32, #tpu.memory_space<vmem>>, vector<1x16xf32>,
        %parallel_loop3A_859 = vector.shape_cast %parallel_loop3A_858 : vector<1x16xf32> to vector<16xf32>
        %parallel_loop3A_860 = arith.index_cast %parallel_loop3A_851 : i32 to index
        %parallel_loop3A_861 = arith.index_cast %parallel_loop3A_855 : i32 to index
        %parallel_loop3A_862 = tpu.vector_load %arg14[%parallel_loop3A_860, %parallel_loop3A_861] {strides = array<i32>} : memref<8x1024xf32, #tpu.memory_space<vmem>>, vector<1x16xf32>,
        %parallel_loop3A_863 = vector.shape_cast %parallel_loop3A_862 : vector<1x16xf32> to vector<16xf32>
        %parallel_loop3A_864 = arith.addf %parallel_loop3A_859, %parallel_loop3A_863 : vector<16xf32>
        %parallel_loop3A_865 = arith.index_cast %parallel_loop3A_851 : i32 to index
        %parallel_loop3A_866 = arith.index_cast %parallel_loop3A_855 : i32 to index
        %parallel_loop3A_867 = tpu.vector_load %arg9[%parallel_loop3A_865, %parallel_loop3A_866] {strides = array<i32>} : memref<8x1024xf32, #tpu.memory_space<vmem>>, vector<1x16xf32>,
        %parallel_loop3A_868 = vector.shape_cast %parallel_loop3A_867 : vector<1x16xf32> to vector<16xf32>
        %parallel_loop3A_869 = vector.shape_cast %parallel_loop3A_864 : vector<16xf32> to vector<1x16xf32>
        tpu.vector_store %arg9[%parallel_loop3A_865, %parallel_loop3A_866], %parallel_loop3A_869 {strides = array<i32>} : memref<8x1024xf32, #tpu.memory_space<vmem>>, vector<1x16xf32>,
      } {sc.loop_unroll_factor = 8 : i64, sc.parallel_access}
      %mul3A_677 = arith.constant 8 : i32
      %mul3A_678 = arith.muli %add3A_638, %mul3A_677 : i32
      %add3A_679 = arith.addi %mul3A_2, %mul3A_678 : i32
      %add3A_680 = arith.constant 4 : i32
      %add3A_681 = arith.addi %add3A_679, %add3A_680 : i32
      %dma_start3A_682 = arith.constant 0 : i32
      %dma_start3A_683 = arith.constant 4 : i32
      %dma_start3A_684 = arith.constant 0 : i32
      %dma_start3A_685 = tpu.memref_slice %arg9[%dma_start3A_683, %dma_start3A_684] : memref<8x1024xf32, #tpu.memory_space<vmem>> -> memref<4x1024xf32, #tpu.memory_space<vmem>>
      %dma_start3A_686 = arith.constant 0 : i32
      %dma_start3A_687 = tpu.memref_slice %arg4[%dma_start3A_682, %add3A_681, %dma_start3A_686] : memref<4x8192x1024xf32, #tpu.memory_space<hbm>> -> memref<1x4x1024xf32, #tpu.memory_space<hbm>>
      %dma_start3A_688 = tpu.memref_squeeze %dma_start3A_687 : memref<1x4x1024xf32, #tpu.memory_space<hbm>> -> memref<4x1024xf32, #tpu.memory_space<hbm>>
      %dma_start3A_689 = arith.constant 0 : i32
      %dma_start3A_690 = tpu.memref_slice %arg4[%dma_start3A_682, %add3A_681, %dma_start3A_689] : memref<4x8192x1024xf32, #tpu.memory_space<hbm>> -> memref<1x4x1024xf32, #tpu.memory_space<hbm>>
      %dma_start3A_691 = tpu.memref_squeeze %dma_start3A_690 : memref<1x4x1024xf32, #tpu.memory_space<hbm>> -> memref<4x1024xf32, #tpu.memory_space<hbm>>
      %dma_start3A_692 = arith.constant 4 : i32
      %dma_start3A_693 = arith.constant 0 : i32
      %dma_start3A_694 = tpu.memref_slice %arg9[%dma_start3A_692, %dma_start3A_693] : memref<8x1024xf32, #tpu.memory_space<vmem>> -> memref<4x1024xf32, #tpu.memory_space<vmem>>
      tpu.enqueue_dma source(%dma_start3A_694 : memref<4x1024xf32, #tpu.memory_space<vmem>>) target(%dma_start3A_691 : memref<4x1024xf32, #tpu.memory_space<hbm>>) target_semaphore(%arg27 : memref<!tpu.dma_semaphore, #tpu.memory_space<semaphore_mem>>)
      %dma_wait3A_695 = arith.constant 1 : i32
      %dma_wait3A_696 = arith.constant 0 : i32
      %dma_wait3A_697 = tpu.memref_slice %arg2[%dma_wait3A_695, %add3A_385, %dma_wait3A_696] : memref<4x8192x1024xf32, #tpu.memory_space<hbm>> -> memref<1x8x1024xf32, #tpu.memory_space<hbm>>
      %dma_wait3A_698 = tpu.memref_squeeze %dma_wait3A_697 : memref<1x8x1024xf32, #tpu.memory_space<hbm>> -> memref<8x1024xf32, #tpu.memory_space<hbm>>
      %dma_wait3A_699 = arith.constant 0 : i32
      %dma_wait3A_700 = tpu.memref_slice %arg2[%dma_wait3A_695, %add3A_385, %dma_wait3A_699] : memref<4x8192x1024xf32, #tpu.memory_space<hbm>> -> memref<1x8x1024xf32, #tpu.memory_space<hbm>>
      %dma_wait3A_701 = tpu.memref_squeeze %dma_wait3A_700 : memref<1x8x1024xf32, #tpu.memory_space<hbm>> -> memref<8x1024xf32, #tpu.memory_space<hbm>>
      tpu.wait_dma2 semaphore(%arg20 : memref<!tpu.dma_semaphore, #tpu.memory_space<semaphore_mem>>) src(%dma_wait3A_701 : memref<8x1024xf32, #tpu.memory_space<hbm>>) dst(%arg10 : memref<8x1024xf32, #tpu.memory_space<vmem>>)
      %parallel_loop3A_702 = arith.constant 0 : i32
      %parallel_loop3A_703 = arith.constant 256 : i32
      %parallel_loop3A_704 = arith.constant 1 : i32
      scf.for %parallel_loop3A_849 = %parallel_loop3A_702 to %parallel_loop3A_703 step %parallel_loop3A_704  : i32 {
        %parallel_loop3A_850 = arith.constant 6 : i32
        %parallel_loop3A_851 = arith.shrsi %parallel_loop3A_849, %parallel_loop3A_850 : i32
        %parallel_loop3A_852 = arith.constant 63 : i32
        %parallel_loop3A_853 = arith.andi %parallel_loop3A_849, %parallel_loop3A_852 : i32
        %parallel_loop3A_854 = arith.constant 16 : i32
        %parallel_loop3A_855 = arith.muli %parallel_loop3A_853, %parallel_loop3A_854 : i32
        %parallel_loop3A_856 = arith.index_cast %parallel_loop3A_851 : i32 to index
        %parallel_loop3A_857 = arith.index_cast %parallel_loop3A_855 : i32 to index
        %parallel_loop3A_858 = tpu.vector_load %arg10[%parallel_loop3A_856, %parallel_loop3A_857] {strides = array<i32>} : memref<8x1024xf32, #tpu.memory_space<vmem>>, vector<1x16xf32>,
        %parallel_loop3A_859 = vector.shape_cast %parallel_loop3A_858 : vector<1x16xf32> to vector<16xf32>
        %parallel_loop3A_860 = arith.index_cast %parallel_loop3A_851 : i32 to index
        %parallel_loop3A_861 = arith.index_cast %parallel_loop3A_855 : i32 to index
        %parallel_loop3A_862 = tpu.vector_load %arg14[%parallel_loop3A_860, %parallel_loop3A_861] {strides = array<i32>} : memref<8x1024xf32, #tpu.memory_space<vmem>>, vector<1x16xf32>,
        %parallel_loop3A_863 = vector.shape_cast %parallel_loop3A_862 : vector<1x16xf32> to vector<16xf32>
        %parallel_loop3A_864 = arith.addf %parallel_loop3A_859, %parallel_loop3A_863 : vector<16xf32>
        %parallel_loop3A_865 = arith.index_cast %parallel_loop3A_851 : i32 to index
        %parallel_loop3A_866 = arith.index_cast %parallel_loop3A_855 : i32 to index
        %parallel_loop3A_867 = tpu.vector_load %arg10[%parallel_loop3A_865, %parallel_loop3A_866] {strides = array<i32>} : memref<8x1024xf32, #tpu.memory_space<vmem>>, vector<1x16xf32>,
        %parallel_loop3A_868 = vector.shape_cast %parallel_loop3A_867 : vector<1x16xf32> to vector<16xf32>
        %parallel_loop3A_869 = vector.shape_cast %parallel_loop3A_864 : vector<16xf32> to vector<1x16xf32>
        tpu.vector_store %arg10[%parallel_loop3A_865, %parallel_loop3A_866], %parallel_loop3A_869 {strides = array<i32>} : memref<8x1024xf32, #tpu.memory_space<vmem>>, vector<1x16xf32>,
      } {sc.loop_unroll_factor = 8 : i64, sc.parallel_access}
      %mul3A_705 = arith.constant 8 : i32
      %mul3A_706 = arith.muli %add3A_638, %mul3A_705 : i32
      %add3A_707 = arith.addi %mul3A_2, %mul3A_706 : i32
      %add3A_708 = arith.constant 0 : i32
      %add3A_709 = arith.addi %add3A_707, %add3A_708 : i32
      %dma_start3A_710 = arith.constant 1 : i32
      %dma_start3A_711 = arith.constant 0 : i32
      %dma_start3A_712 = arith.constant 0 : i32
      %dma_start3A_713 = tpu.memref_slice %arg10[%dma_start3A_711, %dma_start3A_712] : memref<8x1024xf32, #tpu.memory_space<vmem>> -> memref<4x1024xf32, #tpu.memory_space<vmem>>
      %dma_start3A_714 = arith.constant 0 : i32
      %dma_start3A_715 = tpu.memref_slice %arg4[%dma_start3A_710, %add3A_709, %dma_start3A_714] : memref<4x8192x1024xf32, #tpu.memory_space<hbm>> -> memref<1x4x1024xf32, #tpu.memory_space<hbm>>
      %dma_start3A_716 = tpu.memref_squeeze %dma_start3A_715 : memref<1x4x1024xf32, #tpu.memory_space<hbm>> -> memref<4x1024xf32, #tpu.memory_space<hbm>>
      %dma_start3A_717 = arith.constant 0 : i32
      %dma_start3A_718 = tpu.memref_slice %arg4[%dma_start3A_710, %add3A_709, %dma_start3A_717] : memref<4x8192x1024xf32, #tpu.memory_space<hbm>> -> memref<1x4x1024xf32, #tpu.memory_space<hbm>>
      %dma_start3A_719 = tpu.memref_squeeze %dma_start3A_718 : memref<1x4x1024xf32, #tpu.memory_space<hbm>> -> memref<4x1024xf32, #tpu.memory_space<hbm>>
      %dma_start3A_720 = arith.constant 0 : i32
      %dma_start3A_721 = arith.constant 0 : i32
      %dma_start3A_722 = tpu.memref_slice %arg10[%dma_start3A_720, %dma_start3A_721] : memref<8x1024xf32, #tpu.memory_space<vmem>> -> memref<4x1024xf32, #tpu.memory_space<vmem>>
      tpu.enqueue_dma source(%dma_start3A_722 : memref<4x1024xf32, #tpu.memory_space<vmem>>) target(%dma_start3A_719 : memref<4x1024xf32, #tpu.memory_space<hbm>>) target_semaphore(%arg28 : memref<!tpu.dma_semaphore, #tpu.memory_space<semaphore_mem>>)
      %parallel_loop3A_723 = arith.constant 256 : i32
      %parallel_loop3A_724 = arith.constant 512 : i32
      %parallel_loop3A_725 = arith.constant 1 : i32
      scf.for %parallel_loop3A_849 = %parallel_loop3A_723 to %parallel_loop3A_724 step %parallel_loop3A_725  : i32 {
        %parallel_loop3A_850 = arith.constant 6 : i32
        %parallel_loop3A_851 = arith.shrsi %parallel_loop3A_849, %parallel_loop3A_850 : i32
        %parallel_loop3A_852 = arith.constant 63 : i32
        %parallel_loop3A_853 = arith.andi %parallel_loop3A_849, %parallel_loop3A_852 : i32
        %parallel_loop3A_854 = arith.constant 16 : i32
        %parallel_loop3A_855 = arith.muli %parallel_loop3A_853, %parallel_loop3A_854 : i32
        %parallel_loop3A_856 = arith.index_cast %parallel_loop3A_851 : i32 to index
        %parallel_loop3A_857 = arith.index_cast %parallel_loop3A_855 : i32 to index
        %parallel_loop3A_858 = tpu.vector_load %arg10[%parallel_loop3A_856, %parallel_loop3A_857] {strides = array<i32>} : memref<8x1024xf32, #tpu.memory_space<vmem>>, vector<1x16xf32>,
        %parallel_loop3A_859 = vector.shape_cast %parallel_loop3A_858 : vector<1x16xf32> to vector<16xf32>
        %parallel_loop3A_860 = arith.index_cast %parallel_loop3A_851 : i32 to index
        %parallel_loop3A_861 = arith.index_cast %parallel_loop3A_855 : i32 to index
        %parallel_loop3A_862 = tpu.vector_load %arg14[%parallel_loop3A_860, %parallel_loop3A_861] {strides = array<i32>} : memref<8x1024xf32, #tpu.memory_space<vmem>>, vector<1x16xf32>,
        %parallel_loop3A_863 = vector.shape_cast %parallel_loop3A_862 : vector<1x16xf32> to vector<16xf32>
        %parallel_loop3A_864 = arith.addf %parallel_loop3A_859, %parallel_loop3A_863 : vector<16xf32>
        %parallel_loop3A_865 = arith.index_cast %parallel_loop3A_851 : i32 to index
        %parallel_loop3A_866 = arith.index_cast %parallel_loop3A_855 : i32 to index
        %parallel_loop3A_867 = tpu.vector_load %arg10[%parallel_loop3A_865, %parallel_loop3A_866] {strides = array<i32>} : memref<8x1024xf32, #tpu.memory_space<vmem>>, vector<1x16xf32>,
        %parallel_loop3A_868 = vector.shape_cast %parallel_loop3A_867 : vector<1x16xf32> to vector<16xf32>
        %parallel_loop3A_869 = vector.shape_cast %parallel_loop3A_864 : vector<16xf32> to vector<1x16xf32>
        tpu.vector_store %arg10[%parallel_loop3A_865, %parallel_loop3A_866], %parallel_loop3A_869 {strides = array<i32>} : memref<8x1024xf32, #tpu.memory_space<vmem>>, vector<1x16xf32>,
      } {sc.loop_unroll_factor = 8 : i64, sc.parallel_access}
      %mul3A_726 = arith.constant 8 : i32
      %mul3A_727 = arith.muli %add3A_638, %mul3A_726 : i32
      %add3A_728 = arith.addi %mul3A_2, %mul3A_727 : i32
      %add3A_729 = arith.constant 4 : i32
      %add3A_730 = arith.addi %add3A_728, %add3A_729 : i32
      %dma_start3A_731 = arith.constant 1 : i32
      %dma_start3A_732 = arith.constant 4 : i32
      %dma_start3A_733 = arith.constant 0 : i32
      %dma_start3A_734 = tpu.memref_slice %arg10[%dma_start3A_732, %dma_start3A_733] : memref<8x1024xf32, #tpu.memory_space<vmem>> -> memref<4x1024xf32, #tpu.memory_space<vmem>>
      %dma_start3A_735 = arith.constant 0 : i32
      %dma_start3A_736 = tpu.memref_slice %arg4[%dma_start3A_731, %add3A_730, %dma_start3A_735] : memref<4x8192x1024xf32, #tpu.memory_space<hbm>> -> memref<1x4x1024xf32, #tpu.memory_space<hbm>>
      %dma_start3A_737 = tpu.memref_squeeze %dma_start3A_736 : memref<1x4x1024xf32, #tpu.memory_space<hbm>> -> memref<4x1024xf32, #tpu.memory_space<hbm>>
      %dma_start3A_738 = arith.constant 0 : i32
      %dma_start3A_739 = tpu.memref_slice %arg4[%dma_start3A_731, %add3A_730, %dma_start3A_738] : memref<4x8192x1024xf32, #tpu.memory_space<hbm>> -> memref<1x4x1024xf32, #tpu.memory_space<hbm>>
      %dma_start3A_740 = tpu.memref_squeeze %dma_start3A_739 : memref<1x4x1024xf32, #tpu.memory_space<hbm>> -> memref<4x1024xf32, #tpu.memory_space<hbm>>
      %dma_start3A_741 = arith.constant 4 : i32
      %dma_start3A_742 = arith.constant 0 : i32
      %dma_start3A_743 = tpu.memref_slice %arg10[%dma_start3A_741, %dma_start3A_742] : memref<8x1024xf32, #tpu.memory_space<vmem>> -> memref<4x1024xf32, #tpu.memory_space<vmem>>
      tpu.enqueue_dma source(%dma_start3A_743 : memref<4x1024xf32, #tpu.memory_space<vmem>>) target(%dma_start3A_740 : memref<4x1024xf32, #tpu.memory_space<hbm>>) target_semaphore(%arg28 : memref<!tpu.dma_semaphore, #tpu.memory_space<semaphore_mem>>)
      %dma_wait3A_744 = arith.constant 2 : i32
      %dma_wait3A_745 = arith.constant 0 : i32
      %dma_wait3A_746 = tpu.memref_slice %arg2[%dma_wait3A_744, %add3A_402, %dma_wait3A_745] : memref<4x8192x1024xf32, #tpu.memory_space<hbm>> -> memref<1x8x1024xf32, #tpu.memory_space<hbm>>
      %dma_wait3A_747 = tpu.memref_squeeze %dma_wait3A_746 : memref<1x8x1024xf32, #tpu.memory_space<hbm>> -> memref<8x1024xf32, #tpu.memory_space<hbm>>
      %dma_wait3A_748 = arith.constant 0 : i32
      %dma_wait3A_749 = tpu.memref_slice %arg2[%dma_wait3A_744, %add3A_402, %dma_wait3A_748] : memref<4x8192x1024xf32, #tpu.memory_space<hbm>> -> memref<1x8x1024xf32, #tpu.memory_space<hbm>>
      %dma_wait3A_750 = tpu.memref_squeeze %dma_wait3A_749 : memref<1x8x1024xf32, #tpu.memory_space<hbm>> -> memref<8x1024xf32, #tpu.memory_space<hbm>>
      tpu.wait_dma2 semaphore(%arg21 : memref<!tpu.dma_semaphore, #tpu.memory_space<semaphore_mem>>) src(%dma_wait3A_750 : memref<8x1024xf32, #tpu.memory_space<hbm>>) dst(%arg11 : memref<8x1024xf32, #tpu.memory_space<vmem>>)
      %parallel_loop3A_751 = arith.constant 0 : i32
      %parallel_loop3A_752 = arith.constant 256 : i32
      %parallel_loop3A_753 = arith.constant 1 : i32
      scf.for %parallel_loop3A_849 = %parallel_loop3A_751 to %parallel_loop3A_752 step %parallel_loop3A_753  : i32 {
        %parallel_loop3A_850 = arith.constant 6 : i32
        %parallel_loop3A_851 = arith.shrsi %parallel_loop3A_849, %parallel_loop3A_850 : i32
        %parallel_loop3A_852 = arith.constant 63 : i32
        %parallel_loop3A_853 = arith.andi %parallel_loop3A_849, %parallel_loop3A_852 : i32
        %parallel_loop3A_854 = arith.constant 16 : i32
        %parallel_loop3A_855 = arith.muli %parallel_loop3A_853, %parallel_loop3A_854 : i32
        %parallel_loop3A_856 = arith.index_cast %parallel_loop3A_851 : i32 to index
        %parallel_loop3A_857 = arith.index_cast %parallel_loop3A_855 : i32 to index
        %parallel_loop3A_858 = tpu.vector_load %arg11[%parallel_loop3A_856, %parallel_loop3A_857] {strides = array<i32>} : memref<8x1024xf32, #tpu.memory_space<vmem>>, vector<1x16xf32>,
        %parallel_loop3A_859 = vector.shape_cast %parallel_loop3A_858 : vector<1x16xf32> to vector<16xf32>
        %parallel_loop3A_860 = arith.index_cast %parallel_loop3A_851 : i32 to index
        %parallel_loop3A_861 = arith.index_cast %parallel_loop3A_855 : i32 to index
        %parallel_loop3A_862 = tpu.vector_load %arg14[%parallel_loop3A_860, %parallel_loop3A_861] {strides = array<i32>} : memref<8x1024xf32, #tpu.memory_space<vmem>>, vector<1x16xf32>,
        %parallel_loop3A_863 = vector.shape_cast %parallel_loop3A_862 : vector<1x16xf32> to vector<16xf32>
        %parallel_loop3A_864 = arith.addf %parallel_loop3A_859, %parallel_loop3A_863 : vector<16xf32>
        %parallel_loop3A_865 = arith.index_cast %parallel_loop3A_851 : i32 to index
        %parallel_loop3A_866 = arith.index_cast %parallel_loop3A_855 : i32 to index
        %parallel_loop3A_867 = tpu.vector_load %arg11[%parallel_loop3A_865, %parallel_loop3A_866] {strides = array<i32>} : memref<8x1024xf32, #tpu.memory_space<vmem>>, vector<1x16xf32>,
        %parallel_loop3A_868 = vector.shape_cast %parallel_loop3A_867 : vector<1x16xf32> to vector<16xf32>
        %parallel_loop3A_869 = vector.shape_cast %parallel_loop3A_864 : vector<16xf32> to vector<1x16xf32>
        tpu.vector_store %arg11[%parallel_loop3A_865, %parallel_loop3A_866], %parallel_loop3A_869 {strides = array<i32>} : memref<8x1024xf32, #tpu.memory_space<vmem>>, vector<1x16xf32>,
      } {sc.loop_unroll_factor = 8 : i64, sc.parallel_access}
      %mul3A_754 = arith.constant 8 : i32
      %mul3A_755 = arith.muli %add3A_638, %mul3A_754 : i32
      %add3A_756 = arith.addi %mul3A_2, %mul3A_755 : i32
      %add3A_757 = arith.constant 0 : i32
      %add3A_758 = arith.addi %add3A_756, %add3A_757 : i32
      %dma_start3A_759 = arith.constant 2 : i32
      %dma_start3A_760 = arith.constant 0 : i32
      %dma_start3A_761 = arith.constant 0 : i32
      %dma_start3A_762 = tpu.memref_slice %arg11[%dma_start3A_760, %dma_start3A_761] : memref<8x1024xf32, #tpu.memory_space<vmem>> -> memref<4x1024xf32, #tpu.memory_space<vmem>>
      %dma_start3A_763 = arith.constant 0 : i32
      %dma_start3A_764 = tpu.memref_slice %arg4[%dma_start3A_759, %add3A_758, %dma_start3A_763] : memref<4x8192x1024xf32, #tpu.memory_space<hbm>> -> memref<1x4x1024xf32, #tpu.memory_space<hbm>>
      %dma_start3A_765 = tpu.memref_squeeze %dma_start3A_764 : memref<1x4x1024xf32, #tpu.memory_space<hbm>> -> memref<4x1024xf32, #tpu.memory_space<hbm>>
      %dma_start3A_766 = arith.constant 0 : i32
      %dma_start3A_767 = tpu.memref_slice %arg4[%dma_start3A_759, %add3A_758, %dma_start3A_766] : memref<4x8192x1024xf32, #tpu.memory_space<hbm>> -> memref<1x4x1024xf32, #tpu.memory_space<hbm>>
      %dma_start3A_768 = tpu.memref_squeeze %dma_start3A_767 : memref<1x4x1024xf32, #tpu.memory_space<hbm>> -> memref<4x1024xf32, #tpu.memory_space<hbm>>
      %dma_start3A_769 = arith.constant 0 : i32
      %dma_start3A_770 = arith.constant 0 : i32
      %dma_start3A_771 = tpu.memref_slice %arg11[%dma_start3A_769, %dma_start3A_770] : memref<8x1024xf32, #tpu.memory_space<vmem>> -> memref<4x1024xf32, #tpu.memory_space<vmem>>
      tpu.enqueue_dma source(%dma_start3A_771 : memref<4x1024xf32, #tpu.memory_space<vmem>>) target(%dma_start3A_768 : memref<4x1024xf32, #tpu.memory_space<hbm>>) target_semaphore(%arg29 : memref<!tpu.dma_semaphore, #tpu.memory_space<semaphore_mem>>)
      %parallel_loop3A_772 = arith.constant 256 : i32
      %parallel_loop3A_773 = arith.constant 512 : i32
      %parallel_loop3A_774 = arith.constant 1 : i32
      scf.for %parallel_loop3A_849 = %parallel_loop3A_772 to %parallel_loop3A_773 step %parallel_loop3A_774  : i32 {
        %parallel_loop3A_850 = arith.constant 6 : i32
        %parallel_loop3A_851 = arith.shrsi %parallel_loop3A_849, %parallel_loop3A_850 : i32
        %parallel_loop3A_852 = arith.constant 63 : i32
        %parallel_loop3A_853 = arith.andi %parallel_loop3A_849, %parallel_loop3A_852 : i32
        %parallel_loop3A_854 = arith.constant 16 : i32
        %parallel_loop3A_855 = arith.muli %parallel_loop3A_853, %parallel_loop3A_854 : i32
        %parallel_loop3A_856 = arith.index_cast %parallel_loop3A_851 : i32 to index
        %parallel_loop3A_857 = arith.index_cast %parallel_loop3A_855 : i32 to index
        %parallel_loop3A_858 = tpu.vector_load %arg11[%parallel_loop3A_856, %parallel_loop3A_857] {strides = array<i32>} : memref<8x1024xf32, #tpu.memory_space<vmem>>, vector<1x16xf32>,
        %parallel_loop3A_859 = vector.shape_cast %parallel_loop3A_858 : vector<1x16xf32> to vector<16xf32>
        %parallel_loop3A_860 = arith.index_cast %parallel_loop3A_851 : i32 to index
        %parallel_loop3A_861 = arith.index_cast %parallel_loop3A_855 : i32 to index
        %parallel_loop3A_862 = tpu.vector_load %arg14[%parallel_loop3A_860, %parallel_loop3A_861] {strides = array<i32>} : memref<8x1024xf32, #tpu.memory_space<vmem>>, vector<1x16xf32>,
        %parallel_loop3A_863 = vector.shape_cast %parallel_loop3A_862 : vector<1x16xf32> to vector<16xf32>
        %parallel_loop3A_864 = arith.addf %parallel_loop3A_859, %parallel_loop3A_863 : vector<16xf32>
        %parallel_loop3A_865 = arith.index_cast %parallel_loop3A_851 : i32 to index
        %parallel_loop3A_866 = arith.index_cast %parallel_loop3A_855 : i32 to index
        %parallel_loop3A_867 = tpu.vector_load %arg11[%parallel_loop3A_865, %parallel_loop3A_866] {strides = array<i32>} : memref<8x1024xf32, #tpu.memory_space<vmem>>, vector<1x16xf32>,
        %parallel_loop3A_868 = vector.shape_cast %parallel_loop3A_867 : vector<1x16xf32> to vector<16xf32>
        %parallel_loop3A_869 = vector.shape_cast %parallel_loop3A_864 : vector<16xf32> to vector<1x16xf32>
        tpu.vector_store %arg11[%parallel_loop3A_865, %parallel_loop3A_866], %parallel_loop3A_869 {strides = array<i32>} : memref<8x1024xf32, #tpu.memory_space<vmem>>, vector<1x16xf32>,
      } {sc.loop_unroll_factor = 8 : i64, sc.parallel_access}
      %mul3A_775 = arith.constant 8 : i32
      %mul3A_776 = arith.muli %add3A_638, %mul3A_775 : i32
      %add3A_777 = arith.addi %mul3A_2, %mul3A_776 : i32
      %add3A_778 = arith.constant 4 : i32
      %add3A_779 = arith.addi %add3A_777, %add3A_778 : i32
      %dma_start3A_780 = arith.constant 2 : i32
      %dma_start3A_781 = arith.constant 4 : i32
      %dma_start3A_782 = arith.constant 0 : i32
      %dma_start3A_783 = tpu.memref_slice %arg11[%dma_start3A_781, %dma_start3A_782] : memref<8x1024xf32, #tpu.memory_space<vmem>> -> memref<4x1024xf32, #tpu.memory_space<vmem>>
      %dma_start3A_784 = arith.constant 0 : i32
      %dma_start3A_785 = tpu.memref_slice %arg4[%dma_start3A_780, %add3A_779, %dma_start3A_784] : memref<4x8192x1024xf32, #tpu.memory_space<hbm>> -> memref<1x4x1024xf32, #tpu.memory_space<hbm>>
      %dma_start3A_786 = tpu.memref_squeeze %dma_start3A_785 : memref<1x4x1024xf32, #tpu.memory_space<hbm>> -> memref<4x1024xf32, #tpu.memory_space<hbm>>
      %dma_start3A_787 = arith.constant 0 : i32
      %dma_start3A_788 = tpu.memref_slice %arg4[%dma_start3A_780, %add3A_779, %dma_start3A_787] : memref<4x8192x1024xf32, #tpu.memory_space<hbm>> -> memref<1x4x1024xf32, #tpu.memory_space<hbm>>
      %dma_start3A_789 = tpu.memref_squeeze %dma_start3A_788 : memref<1x4x1024xf32, #tpu.memory_space<hbm>> -> memref<4x1024xf32, #tpu.memory_space<hbm>>
      %dma_start3A_790 = arith.constant 4 : i32
      %dma_start3A_791 = arith.constant 0 : i32
      %dma_start3A_792 = tpu.memref_slice %arg11[%dma_start3A_790, %dma_start3A_791] : memref<8x1024xf32, #tpu.memory_space<vmem>> -> memref<4x1024xf32, #tpu.memory_space<vmem>>
      tpu.enqueue_dma source(%dma_start3A_792 : memref<4x1024xf32, #tpu.memory_space<vmem>>) target(%dma_start3A_789 : memref<4x1024xf32, #tpu.memory_space<hbm>>) target_semaphore(%arg29 : memref<!tpu.dma_semaphore, #tpu.memory_space<semaphore_mem>>)
      %dma_wait3A_793 = arith.constant 3 : i32
      %dma_wait3A_794 = arith.constant 0 : i32
      %dma_wait3A_795 = tpu.memref_slice %arg2[%dma_wait3A_793, %add3A_419, %dma_wait3A_794] : memref<4x8192x1024xf32, #tpu.memory_space<hbm>> -> memref<1x8x1024xf32, #tpu.memory_space<hbm>>
      %dma_wait3A_796 = tpu.memref_squeeze %dma_wait3A_795 : memref<1x8x1024xf32, #tpu.memory_space<hbm>> -> memref<8x1024xf32, #tpu.memory_space<hbm>>
      %dma_wait3A_797 = arith.constant 0 : i32
      %dma_wait3A_798 = tpu.memref_slice %arg2[%dma_wait3A_793, %add3A_419, %dma_wait3A_797] : memref<4x8192x1024xf32, #tpu.memory_space<hbm>> -> memref<1x8x1024xf32, #tpu.memory_space<hbm>>
      %dma_wait3A_799 = tpu.memref_squeeze %dma_wait3A_798 : memref<1x8x1024xf32, #tpu.memory_space<hbm>> -> memref<8x1024xf32, #tpu.memory_space<hbm>>
      tpu.wait_dma2 semaphore(%arg22 : memref<!tpu.dma_semaphore, #tpu.memory_space<semaphore_mem>>) src(%dma_wait3A_799 : memref<8x1024xf32, #tpu.memory_space<hbm>>) dst(%arg12 : memref<8x1024xf32, #tpu.memory_space<vmem>>)
      %parallel_loop3A_800 = arith.constant 0 : i32
      %parallel_loop3A_801 = arith.constant 256 : i32
      %parallel_loop3A_802 = arith.constant 1 : i32
      scf.for %parallel_loop3A_849 = %parallel_loop3A_800 to %parallel_loop3A_801 step %parallel_loop3A_802  : i32 {
        %parallel_loop3A_850 = arith.constant 6 : i32
        %parallel_loop3A_851 = arith.shrsi %parallel_loop3A_849, %parallel_loop3A_850 : i32
        %parallel_loop3A_852 = arith.constant 63 : i32
        %parallel_loop3A_853 = arith.andi %parallel_loop3A_849, %parallel_loop3A_852 : i32
        %parallel_loop3A_854 = arith.constant 16 : i32
        %parallel_loop3A_855 = arith.muli %parallel_loop3A_853, %parallel_loop3A_854 : i32
        %parallel_loop3A_856 = arith.index_cast %parallel_loop3A_851 : i32 to index
        %parallel_loop3A_857 = arith.index_cast %parallel_loop3A_855 : i32 to index
        %parallel_loop3A_858 = tpu.vector_load %arg12[%parallel_loop3A_856, %parallel_loop3A_857] {strides = array<i32>} : memref<8x1024xf32, #tpu.memory_space<vmem>>, vector<1x16xf32>,
        %parallel_loop3A_859 = vector.shape_cast %parallel_loop3A_858 : vector<1x16xf32> to vector<16xf32>
        %parallel_loop3A_860 = arith.index_cast %parallel_loop3A_851 : i32 to index
        %parallel_loop3A_861 = arith.index_cast %parallel_loop3A_855 : i32 to index
        %parallel_loop3A_862 = tpu.vector_load %arg14[%parallel_loop3A_860, %parallel_loop3A_861] {strides = array<i32>} : memref<8x1024xf32, #tpu.memory_space<vmem>>, vector<1x16xf32>,
        %parallel_loop3A_863 = vector.shape_cast %parallel_loop3A_862 : vector<1x16xf32> to vector<16xf32>
        %parallel_loop3A_864 = arith.addf %parallel_loop3A_859, %parallel_loop3A_863 : vector<16xf32>
        %parallel_loop3A_865 = arith.index_cast %parallel_loop3A_851 : i32 to index
        %parallel_loop3A_866 = arith.index_cast %parallel_loop3A_855 : i32 to index
        %parallel_loop3A_867 = tpu.vector_load %arg12[%parallel_loop3A_865, %parallel_loop3A_866] {strides = array<i32>} : memref<8x1024xf32, #tpu.memory_space<vmem>>, vector<1x16xf32>,
        %parallel_loop3A_868 = vector.shape_cast %parallel_loop3A_867 : vector<1x16xf32> to vector<16xf32>
        %parallel_loop3A_869 = vector.shape_cast %parallel_loop3A_864 : vector<16xf32> to vector<1x16xf32>
        tpu.vector_store %arg12[%parallel_loop3A_865, %parallel_loop3A_866], %parallel_loop3A_869 {strides = array<i32>} : memref<8x1024xf32, #tpu.memory_space<vmem>>, vector<1x16xf32>,
      } {sc.loop_unroll_factor = 8 : i64, sc.parallel_access}
      %mul3A_803 = arith.constant 8 : i32
      %mul3A_804 = arith.muli %add3A_638, %mul3A_803 : i32
      %add3A_805 = arith.addi %mul3A_2, %mul3A_804 : i32
      %add3A_806 = arith.constant 0 : i32
      %add3A_807 = arith.addi %add3A_805, %add3A_806 : i32
      %dma_start3A_808 = arith.constant 3 : i32
      %dma_start3A_809 = arith.constant 0 : i32
      %dma_start3A_810 = arith.constant 0 : i32
      %dma_start3A_811 = tpu.memref_slice %arg12[%dma_start3A_809, %dma_start3A_810] : memref<8x1024xf32, #tpu.memory_space<vmem>> -> memref<4x1024xf32, #tpu.memory_space<vmem>>
      %dma_start3A_812 = arith.constant 0 : i32
      %dma_start3A_813 = tpu.memref_slice %arg4[%dma_start3A_808, %add3A_807, %dma_start3A_812] : memref<4x8192x1024xf32, #tpu.memory_space<hbm>> -> memref<1x4x1024xf32, #tpu.memory_space<hbm>>
      %dma_start3A_814 = tpu.memref_squeeze %dma_start3A_813 : memref<1x4x1024xf32, #tpu.memory_space<hbm>> -> memref<4x1024xf32, #tpu.memory_space<hbm>>
      %dma_start3A_815 = arith.constant 0 : i32
      %dma_start3A_816 = tpu.memref_slice %arg4[%dma_start3A_808, %add3A_807, %dma_start3A_815] : memref<4x8192x1024xf32, #tpu.memory_space<hbm>> -> memref<1x4x1024xf32, #tpu.memory_space<hbm>>
      %dma_start3A_817 = tpu.memref_squeeze %dma_start3A_816 : memref<1x4x1024xf32, #tpu.memory_space<hbm>> -> memref<4x1024xf32, #tpu.memory_space<hbm>>
      %dma_start3A_818 = arith.constant 0 : i32
      %dma_start3A_819 = arith.constant 0 : i32
      %dma_start3A_820 = tpu.memref_slice %arg12[%dma_start3A_818, %dma_start3A_819] : memref<8x1024xf32, #tpu.memory_space<vmem>> -> memref<4x1024xf32, #tpu.memory_space<vmem>>
      tpu.enqueue_dma source(%dma_start3A_820 : memref<4x1024xf32, #tpu.memory_space<vmem>>) target(%dma_start3A_817 : memref<4x1024xf32, #tpu.memory_space<hbm>>) target_semaphore(%arg30 : memref<!tpu.dma_semaphore, #tpu.memory_space<semaphore_mem>>)
      %parallel_loop3A_821 = arith.constant 256 : i32
      %parallel_loop3A_822 = arith.constant 512 : i32
      %parallel_loop3A_823 = arith.constant 1 : i32
      scf.for %parallel_loop3A_849 = %parallel_loop3A_821 to %parallel_loop3A_822 step %parallel_loop3A_823  : i32 {
        %parallel_loop3A_850 = arith.constant 6 : i32
        %parallel_loop3A_851 = arith.shrsi %parallel_loop3A_849, %parallel_loop3A_850 : i32
        %parallel_loop3A_852 = arith.constant 63 : i32
        %parallel_loop3A_853 = arith.andi %parallel_loop3A_849, %parallel_loop3A_852 : i32
        %parallel_loop3A_854 = arith.constant 16 : i32
        %parallel_loop3A_855 = arith.muli %parallel_loop3A_853, %parallel_loop3A_854 : i32
        %parallel_loop3A_856 = arith.index_cast %parallel_loop3A_851 : i32 to index
        %parallel_loop3A_857 = arith.index_cast %parallel_loop3A_855 : i32 to index
        %parallel_loop3A_858 = tpu.vector_load %arg12[%parallel_loop3A_856, %parallel_loop3A_857] {strides = array<i32>} : memref<8x1024xf32, #tpu.memory_space<vmem>>, vector<1x16xf32>,
        %parallel_loop3A_859 = vector.shape_cast %parallel_loop3A_858 : vector<1x16xf32> to vector<16xf32>
        %parallel_loop3A_860 = arith.index_cast %parallel_loop3A_851 : i32 to index
        %parallel_loop3A_861 = arith.index_cast %parallel_loop3A_855 : i32 to index
        %parallel_loop3A_862 = tpu.vector_load %arg14[%parallel_loop3A_860, %parallel_loop3A_861] {strides = array<i32>} : memref<8x1024xf32, #tpu.memory_space<vmem>>, vector<1x16xf32>,
        %parallel_loop3A_863 = vector.shape_cast %parallel_loop3A_862 : vector<1x16xf32> to vector<16xf32>
        %parallel_loop3A_864 = arith.addf %parallel_loop3A_859, %parallel_loop3A_863 : vector<16xf32>
        %parallel_loop3A_865 = arith.index_cast %parallel_loop3A_851 : i32 to index
        %parallel_loop3A_866 = arith.index_cast %parallel_loop3A_855 : i32 to index
        %parallel_loop3A_867 = tpu.vector_load %arg12[%parallel_loop3A_865, %parallel_loop3A_866] {strides = array<i32>} : memref<8x1024xf32, #tpu.memory_space<vmem>>, vector<1x16xf32>,
        %parallel_loop3A_868 = vector.shape_cast %parallel_loop3A_867 : vector<1x16xf32> to vector<16xf32>
        %parallel_loop3A_869 = vector.shape_cast %parallel_loop3A_864 : vector<16xf32> to vector<1x16xf32>
        tpu.vector_store %arg12[%parallel_loop3A_865, %parallel_loop3A_866], %parallel_loop3A_869 {strides = array<i32>} : memref<8x1024xf32, #tpu.memory_space<vmem>>, vector<1x16xf32>,
      } {sc.loop_unroll_factor = 8 : i64, sc.parallel_access}
      %mul3A_824 = arith.constant 8 : i32
      %mul3A_825 = arith.muli %add3A_638, %mul3A_824 : i32
      %add3A_826 = arith.addi %mul3A_2, %mul3A_825 : i32
      %add3A_827 = arith.constant 4 : i32
      %add3A_828 = arith.addi %add3A_826, %add3A_827 : i32
      %dma_start3A_829 = arith.constant 3 : i32
      %dma_start3A_830 = arith.constant 4 : i32
      %dma_start3A_831 = arith.constant 0 : i32
      %dma_start3A_832 = tpu.memref_slice %arg12[%dma_start3A_830, %dma_start3A_831] : memref<8x1024xf32, #tpu.memory_space<vmem>> -> memref<4x1024xf32, #tpu.memory_space<vmem>>
      %dma_start3A_833 = arith.constant 0 : i32
      %dma_start3A_834 = tpu.memref_slice %arg4[%dma_start3A_829, %add3A_828, %dma_start3A_833] : memref<4x8192x1024xf32, #tpu.memory_space<hbm>> -> memref<1x4x1024xf32, #tpu.memory_space<hbm>>
      %dma_start3A_835 = tpu.memref_squeeze %dma_start3A_834 : memref<1x4x1024xf32, #tpu.memory_space<hbm>> -> memref<4x1024xf32, #tpu.memory_space<hbm>>
      %dma_start3A_836 = arith.constant 0 : i32
      %dma_start3A_837 = tpu.memref_slice %arg4[%dma_start3A_829, %add3A_828, %dma_start3A_836] : memref<4x8192x1024xf32, #tpu.memory_space<hbm>> -> memref<1x4x1024xf32, #tpu.memory_space<hbm>>
      %dma_start3A_838 = tpu.memref_squeeze %dma_start3A_837 : memref<1x4x1024xf32, #tpu.memory_space<hbm>> -> memref<4x1024xf32, #tpu.memory_space<hbm>>
      %dma_start3A_839 = arith.constant 4 : i32
      %dma_start3A_840 = arith.constant 0 : i32
      %dma_start3A_841 = tpu.memref_slice %arg12[%dma_start3A_839, %dma_start3A_840] : memref<8x1024xf32, #tpu.memory_space<vmem>> -> memref<4x1024xf32, #tpu.memory_space<vmem>>
      tpu.enqueue_dma source(%dma_start3A_841 : memref<4x1024xf32, #tpu.memory_space<vmem>>) target(%dma_start3A_838 : memref<4x1024xf32, #tpu.memory_space<hbm>>) target_semaphore(%arg30 : memref<!tpu.dma_semaphore, #tpu.memory_space<semaphore_mem>>)
      %add3A_842 = arith.constant 2 : i32
      %add3A_843 = arith.addi %add3A_638, %add3A_842 : i32
      %lt3A_844 = arith.constant 32 : i32
      %lt3A_845 = arith.cmpi slt, %add3A_843, %lt3A_844 : i32
      %convert_element_type3A_846 = arith.extui %lt3A_845 : i1 to i32
      %cond3A_847 = arith.constant 0 : i32
      %cond3A_848 = arith.cmpi ne, %convert_element_type3A_846, %cond3A_847 : i32
      scf.if %cond3A_848 {
        %add3A_849 = arith.constant 2 : i32
        %add3A_850 = arith.addi %add3A_638, %add3A_849 : i32
        %mul3A_851 = arith.constant 8 : i32
        %mul3A_852 = arith.muli %add3A_850, %mul3A_851 : i32
        %add3A_853 = arith.addi %mul3A_2, %mul3A_852 : i32
        %dma_start3A_854 = arith.constant 0 : i32
        %dma_start3A_855 = tpu.memref_slice %arg3[%add3A_853, %dma_start3A_854] : memref<373248x1024xf32, #tpu.memory_space<hbm>> -> memref<8x1024xf32, #tpu.memory_space<hbm>>
        %dma_start3A_856 = arith.constant 0 : i32
        %dma_start3A_857 = tpu.memref_slice %arg3[%add3A_853, %dma_start3A_856] : memref<373248x1024xf32, #tpu.memory_space<hbm>> -> memref<8x1024xf32, #tpu.memory_space<hbm>>
        tpu.enqueue_dma source(%dma_start3A_857 : memref<8x1024xf32, #tpu.memory_space<hbm>>) target(%arg14 : memref<8x1024xf32, #tpu.memory_space<vmem>>) target_semaphore(%arg32 : memref<!tpu.dma_semaphore, #tpu.memory_space<semaphore_mem>>)
      } else {
      }
    }
    %scan3A_17 = arith.constant 16 : i32
    %add3A_18 = arith.constant 240 : i32
    %add3A_19 = arith.addi %mul3A_2, %add3A_18 : i32
    %add3A_20 = arith.constant 0 : i32
    %add3A_21 = arith.addi %add3A_19, %add3A_20 : i32
    %dma_wait3A = arith.constant 0 : i32
    %dma_wait3A_22 = arith.constant 0 : i32
    %dma_wait3A_23 = arith.constant 0 : i32
    %dma_wait3A_24 = tpu.memref_slice %arg5[%dma_wait3A_22, %dma_wait3A_23] : memref<8x1024xf32, #tpu.memory_space<vmem>> -> memref<4x1024xf32, #tpu.memory_space<vmem>>
    %dma_wait3A_25 = arith.constant 0 : i32
    %dma_wait3A_26 = tpu.memref_slice %arg4[%dma_wait3A, %add3A_21, %dma_wait3A_25] : memref<4x8192x1024xf32, #tpu.memory_space<hbm>> -> memref<1x4x1024xf32, #tpu.memory_space<hbm>>
    %dma_wait3A_27 = tpu.memref_squeeze %dma_wait3A_26 : memref<1x4x1024xf32, #tpu.memory_space<hbm>> -> memref<4x1024xf32, #tpu.memory_space<hbm>>
    %dma_wait3A_28 = arith.constant 0 : i32
    %dma_wait3A_29 = tpu.memref_slice %arg4[%dma_wait3A, %add3A_21, %dma_wait3A_28] : memref<4x8192x1024xf32, #tpu.memory_space<hbm>> -> memref<1x4x1024xf32, #tpu.memory_space<hbm>>
    %dma_wait3A_30 = tpu.memref_squeeze %dma_wait3A_29 : memref<1x4x1024xf32, #tpu.memory_space<hbm>> -> memref<4x1024xf32, #tpu.memory_space<hbm>>
    %dma_wait3A_31 = arith.constant 0 : i32
    %dma_wait3A_32 = arith.constant 0 : i32
    %dma_wait3A_33 = tpu.memref_slice %arg5[%dma_wait3A_31, %dma_wait3A_32] : memref<8x1024xf32, #tpu.memory_space<vmem>> -> memref<4x1024xf32, #tpu.memory_space<vmem>>
    tpu.wait_dma2 semaphore(%arg23 : memref<!tpu.dma_semaphore, #tpu.memory_space<semaphore_mem>>) src(%dma_wait3A_33 : memref<4x1024xf32, #tpu.memory_space<vmem>>) dst(%dma_wait3A_30 : memref<4x1024xf32, #tpu.memory_space<hbm>>)
    %add3A_34 = arith.constant 240 : i32
    %add3A_35 = arith.addi %mul3A_2, %add3A_34 : i32
    %add3A_36 = arith.constant 4 : i32
    %add3A_37 = arith.addi %add3A_35, %add3A_36 : i32
    %dma_wait3A_38 = arith.constant 0 : i32
    %dma_wait3A_39 = arith.constant 4 : i32
    %dma_wait3A_40 = arith.constant 0 : i32
    %dma_wait3A_41 = tpu.memref_slice %arg5[%dma_wait3A_39, %dma_wait3A_40] : memref<8x1024xf32, #tpu.memory_space<vmem>> -> memref<4x1024xf32, #tpu.memory_space<vmem>>
    %dma_wait3A_42 = arith.constant 0 : i32
    %dma_wait3A_43 = tpu.memref_slice %arg4[%dma_wait3A_38, %add3A_37, %dma_wait3A_42] : memref<4x8192x1024xf32, #tpu.memory_space<hbm>> -> memref<1x4x1024xf32, #tpu.memory_space<hbm>>
    %dma_wait3A_44 = tpu.memref_squeeze %dma_wait3A_43 : memref<1x4x1024xf32, #tpu.memory_space<hbm>> -> memref<4x1024xf32, #tpu.memory_space<hbm>>
    %dma_wait3A_45 = arith.constant 0 : i32
    %dma_wait3A_46 = tpu.memref_slice %arg4[%dma_wait3A_38, %add3A_37, %dma_wait3A_45] : memref<4x8192x1024xf32, #tpu.memory_space<hbm>> -> memref<1x4x1024xf32, #tpu.memory_space<hbm>>
    %dma_wait3A_47 = tpu.memref_squeeze %dma_wait3A_46 : memref<1x4x1024xf32, #tpu.memory_space<hbm>> -> memref<4x1024xf32, #tpu.memory_space<hbm>>
    %dma_wait3A_48 = arith.constant 4 : i32
    %dma_wait3A_49 = arith.constant 0 : i32
    %dma_wait3A_50 = tpu.memref_slice %arg5[%dma_wait3A_48, %dma_wait3A_49] : memref<8x1024xf32, #tpu.memory_space<vmem>> -> memref<4x1024xf32, #tpu.memory_space<vmem>>
    tpu.wait_dma2 semaphore(%arg23 : memref<!tpu.dma_semaphore, #tpu.memory_space<semaphore_mem>>) src(%dma_wait3A_50 : memref<4x1024xf32, #tpu.memory_space<vmem>>) dst(%dma_wait3A_47 : memref<4x1024xf32, #tpu.memory_space<hbm>>)
    %add3A_51 = arith.constant 240 : i32
    %add3A_52 = arith.addi %mul3A_2, %add3A_51 : i32
    %add3A_53 = arith.constant 0 : i32
    %add3A_54 = arith.addi %add3A_52, %add3A_53 : i32
    %dma_wait3A_55 = arith.constant 1 : i32
    %dma_wait3A_56 = arith.constant 0 : i32
    %dma_wait3A_57 = arith.constant 0 : i32
    %dma_wait3A_58 = tpu.memref_slice %arg6[%dma_wait3A_56, %dma_wait3A_57] : memref<8x1024xf32, #tpu.memory_space<vmem>> -> memref<4x1024xf32, #tpu.memory_space<vmem>>
    %dma_wait3A_59 = arith.constant 0 : i32
    %dma_wait3A_60 = tpu.memref_slice %arg4[%dma_wait3A_55, %add3A_54, %dma_wait3A_59] : memref<4x8192x1024xf32, #tpu.memory_space<hbm>> -> memref<1x4x1024xf32, #tpu.memory_space<hbm>>
    %dma_wait3A_61 = tpu.memref_squeeze %dma_wait3A_60 : memref<1x4x1024xf32, #tpu.memory_space<hbm>> -> memref<4x1024xf32, #tpu.memory_space<hbm>>
    %dma_wait3A_62 = arith.constant 0 : i32
    %dma_wait3A_63 = tpu.memref_slice %arg4[%dma_wait3A_55, %add3A_54, %dma_wait3A_62] : memref<4x8192x1024xf32, #tpu.memory_space<hbm>> -> memref<1x4x1024xf32, #tpu.memory_space<hbm>>
    %dma_wait3A_64 = tpu.memref_squeeze %dma_wait3A_63 : memref<1x4x1024xf32, #tpu.memory_space<hbm>> -> memref<4x1024xf32, #tpu.memory_space<hbm>>
    %dma_wait3A_65 = arith.constant 0 : i32
    %dma_wait3A_66 = arith.constant 0 : i32
    %dma_wait3A_67 = tpu.memref_slice %arg6[%dma_wait3A_65, %dma_wait3A_66] : memref<8x1024xf32, #tpu.memory_space<vmem>> -> memref<4x1024xf32, #tpu.memory_space<vmem>>
    tpu.wait_dma2 semaphore(%arg24 : memref<!tpu.dma_semaphore, #tpu.memory_space<semaphore_mem>>) src(%dma_wait3A_67 : memref<4x1024xf32, #tpu.memory_space<vmem>>) dst(%dma_wait3A_64 : memref<4x1024xf32, #tpu.memory_space<hbm>>)
    %add3A_68 = arith.constant 240 : i32
    %add3A_69 = arith.addi %mul3A_2, %add3A_68 : i32
    %add3A_70 = arith.constant 4 : i32
    %add3A_71 = arith.addi %add3A_69, %add3A_70 : i32
    %dma_wait3A_72 = arith.constant 1 : i32
    %dma_wait3A_73 = arith.constant 4 : i32
    %dma_wait3A_74 = arith.constant 0 : i32
    %dma_wait3A_75 = tpu.memref_slice %arg6[%dma_wait3A_73, %dma_wait3A_74] : memref<8x1024xf32, #tpu.memory_space<vmem>> -> memref<4x1024xf32, #tpu.memory_space<vmem>>
    %dma_wait3A_76 = arith.constant 0 : i32
    %dma_wait3A_77 = tpu.memref_slice %arg4[%dma_wait3A_72, %add3A_71, %dma_wait3A_76] : memref<4x8192x1024xf32, #tpu.memory_space<hbm>> -> memref<1x4x1024xf32, #tpu.memory_space<hbm>>
    %dma_wait3A_78 = tpu.memref_squeeze %dma_wait3A_77 : memref<1x4x1024xf32, #tpu.memory_space<hbm>> -> memref<4x1024xf32, #tpu.memory_space<hbm>>
    %dma_wait3A_79 = arith.constant 0 : i32
    %dma_wait3A_80 = tpu.memref_slice %arg4[%dma_wait3A_72, %add3A_71, %dma_wait3A_79] : memref<4x8192x1024xf32, #tpu.memory_space<hbm>> -> memref<1x4x1024xf32, #tpu.memory_space<hbm>>
    %dma_wait3A_81 = tpu.memref_squeeze %dma_wait3A_80 : memref<1x4x1024xf32, #tpu.memory_space<hbm>> -> memref<4x1024xf32, #tpu.memory_space<hbm>>
    %dma_wait3A_82 = arith.constant 4 : i32
    %dma_wait3A_83 = arith.constant 0 : i32
    %dma_wait3A_84 = tpu.memref_slice %arg6[%dma_wait3A_82, %dma_wait3A_83] : memref<8x1024xf32, #tpu.memory_space<vmem>> -> memref<4x1024xf32, #tpu.memory_space<vmem>>
    tpu.wait_dma2 semaphore(%arg24 : memref<!tpu.dma_semaphore, #tpu.memory_space<semaphore_mem>>) src(%dma_wait3A_84 : memref<4x1024xf32, #tpu.memory_space<vmem>>) dst(%dma_wait3A_81 : memref<4x1024xf32, #tpu.memory_space<hbm>>)
    %add3A_85 = arith.constant 240 : i32
    %add3A_86 = arith.addi %mul3A_2, %add3A_85 : i32
    %add3A_87 = arith.constant 0 : i32
    %add3A_88 = arith.addi %add3A_86, %add3A_87 : i32
    %dma_wait3A_89 = arith.constant 2 : i32
    %dma_wait3A_90 = arith.constant 0 : i32
    %dma_wait3A_91 = arith.constant 0 : i32
    %dma_wait3A_92 = tpu.memref_slice %arg7[%dma_wait3A_90, %dma_wait3A_91] : memref<8x1024xf32, #tpu.memory_space<vmem>> -> memref<4x1024xf32, #tpu.memory_space<vmem>>
    %dma_wait3A_93 = arith.constant 0 : i32
    %dma_wait3A_94 = tpu.memref_slice %arg4[%dma_wait3A_89, %add3A_88, %dma_wait3A_93] : memref<4x8192x1024xf32, #tpu.memory_space<hbm>> -> memref<1x4x1024xf32, #tpu.memory_space<hbm>>
    %dma_wait3A_95 = tpu.memref_squeeze %dma_wait3A_94 : memref<1x4x1024xf32, #tpu.memory_space<hbm>> -> memref<4x1024xf32, #tpu.memory_space<hbm>>
    %dma_wait3A_96 = arith.constant 0 : i32
    %dma_wait3A_97 = tpu.memref_slice %arg4[%dma_wait3A_89, %add3A_88, %dma_wait3A_96] : memref<4x8192x1024xf32, #tpu.memory_space<hbm>> -> memref<1x4x1024xf32, #tpu.memory_space<hbm>>
    %dma_wait3A_98 = tpu.memref_squeeze %dma_wait3A_97 : memref<1x4x1024xf32, #tpu.memory_space<hbm>> -> memref<4x1024xf32, #tpu.memory_space<hbm>>
    %dma_wait3A_99 = arith.constant 0 : i32
    %dma_wait3A_100 = arith.constant 0 : i32
    %dma_wait3A_101 = tpu.memref_slice %arg7[%dma_wait3A_99, %dma_wait3A_100] : memref<8x1024xf32, #tpu.memory_space<vmem>> -> memref<4x1024xf32, #tpu.memory_space<vmem>>
    tpu.wait_dma2 semaphore(%arg25 : memref<!tpu.dma_semaphore, #tpu.memory_space<semaphore_mem>>) src(%dma_wait3A_101 : memref<4x1024xf32, #tpu.memory_space<vmem>>) dst(%dma_wait3A_98 : memref<4x1024xf32, #tpu.memory_space<hbm>>)
    %add3A_102 = arith.constant 240 : i32
    %add3A_103 = arith.addi %mul3A_2, %add3A_102 : i32
    %add3A_104 = arith.constant 4 : i32
    %add3A_105 = arith.addi %add3A_103, %add3A_104 : i32
    %dma_wait3A_106 = arith.constant 2 : i32
    %dma_wait3A_107 = arith.constant 4 : i32
    %dma_wait3A_108 = arith.constant 0 : i32
    %dma_wait3A_109 = tpu.memref_slice %arg7[%dma_wait3A_107, %dma_wait3A_108] : memref<8x1024xf32, #tpu.memory_space<vmem>> -> memref<4x1024xf32, #tpu.memory_space<vmem>>
    %dma_wait3A_110 = arith.constant 0 : i32
    %dma_wait3A_111 = tpu.memref_slice %arg4[%dma_wait3A_106, %add3A_105, %dma_wait3A_110] : memref<4x8192x1024xf32, #tpu.memory_space<hbm>> -> memref<1x4x1024xf32, #tpu.memory_space<hbm>>
    %dma_wait3A_112 = tpu.memref_squeeze %dma_wait3A_111 : memref<1x4x1024xf32, #tpu.memory_space<hbm>> -> memref<4x1024xf32, #tpu.memory_space<hbm>>
    %dma_wait3A_113 = arith.constant 0 : i32
    %dma_wait3A_114 = tpu.memref_slice %arg4[%dma_wait3A_106, %add3A_105, %dma_wait3A_113] : memref<4x8192x1024xf32, #tpu.memory_space<hbm>> -> memref<1x4x1024xf32, #tpu.memory_space<hbm>>
    %dma_wait3A_115 = tpu.memref_squeeze %dma_wait3A_114 : memref<1x4x1024xf32, #tpu.memory_space<hbm>> -> memref<4x1024xf32, #tpu.memory_space<hbm>>
    %dma_wait3A_116 = arith.constant 4 : i32
    %dma_wait3A_117 = arith.constant 0 : i32
    %dma_wait3A_118 = tpu.memref_slice %arg7[%dma_wait3A_116, %dma_wait3A_117] : memref<8x1024xf32, #tpu.memory_space<vmem>> -> memref<4x1024xf32, #tpu.memory_space<vmem>>
    tpu.wait_dma2 semaphore(%arg25 : memref<!tpu.dma_semaphore, #tpu.memory_space<semaphore_mem>>) src(%dma_wait3A_118 : memref<4x1024xf32, #tpu.memory_space<vmem>>) dst(%dma_wait3A_115 : memref<4x1024xf32, #tpu.memory_space<hbm>>)
    %add3A_119 = arith.constant 240 : i32
    %add3A_120 = arith.addi %mul3A_2, %add3A_119 : i32
    %add3A_121 = arith.constant 0 : i32
    %add3A_122 = arith.addi %add3A_120, %add3A_121 : i32
    %dma_wait3A_123 = arith.constant 3 : i32
    %dma_wait3A_124 = arith.constant 0 : i32
    %dma_wait3A_125 = arith.constant 0 : i32
    %dma_wait3A_126 = tpu.memref_slice %arg8[%dma_wait3A_124, %dma_wait3A_125] : memref<8x1024xf32, #tpu.memory_space<vmem>> -> memref<4x1024xf32, #tpu.memory_space<vmem>>
    %dma_wait3A_127 = arith.constant 0 : i32
    %dma_wait3A_128 = tpu.memref_slice %arg4[%dma_wait3A_123, %add3A_122, %dma_wait3A_127] : memref<4x8192x1024xf32, #tpu.memory_space<hbm>> -> memref<1x4x1024xf32, #tpu.memory_space<hbm>>
    %dma_wait3A_129 = tpu.memref_squeeze %dma_wait3A_128 : memref<1x4x1024xf32, #tpu.memory_space<hbm>> -> memref<4x1024xf32, #tpu.memory_space<hbm>>
    %dma_wait3A_130 = arith.constant 0 : i32
    %dma_wait3A_131 = tpu.memref_slice %arg4[%dma_wait3A_123, %add3A_122, %dma_wait3A_130] : memref<4x8192x1024xf32, #tpu.memory_space<hbm>> -> memref<1x4x1024xf32, #tpu.memory_space<hbm>>
    %dma_wait3A_132 = tpu.memref_squeeze %dma_wait3A_131 : memref<1x4x1024xf32, #tpu.memory_space<hbm>> -> memref<4x1024xf32, #tpu.memory_space<hbm>>
    %dma_wait3A_133 = arith.constant 0 : i32
    %dma_wait3A_134 = arith.constant 0 : i32
    %dma_wait3A_135 = tpu.memref_slice %arg8[%dma_wait3A_133, %dma_wait3A_134] : memref<8x1024xf32, #tpu.memory_space<vmem>> -> memref<4x1024xf32, #tpu.memory_space<vmem>>
    tpu.wait_dma2 semaphore(%arg26 : memref<!tpu.dma_semaphore, #tpu.memory_space<semaphore_mem>>) src(%dma_wait3A_135 : memref<4x1024xf32, #tpu.memory_space<vmem>>) dst(%dma_wait3A_132 : memref<4x1024xf32, #tpu.memory_space<hbm>>)
    %add3A_136 = arith.constant 240 : i32
    %add3A_137 = arith.addi %mul3A_2, %add3A_136 : i32
    %add3A_138 = arith.constant 4 : i32
    %add3A_139 = arith.addi %add3A_137, %add3A_138 : i32
    %dma_wait3A_140 = arith.constant 3 : i32
    %dma_wait3A_141 = arith.constant 4 : i32
    %dma_wait3A_142 = arith.constant 0 : i32
    %dma_wait3A_143 = tpu.memref_slice %arg8[%dma_wait3A_141, %dma_wait3A_142] : memref<8x1024xf32, #tpu.memory_space<vmem>> -> memref<4x1024xf32, #tpu.memory_space<vmem>>
    %dma_wait3A_144 = arith.constant 0 : i32
    %dma_wait3A_145 = tpu.memref_slice %arg4[%dma_wait3A_140, %add3A_139, %dma_wait3A_144] : memref<4x8192x1024xf32, #tpu.memory_space<hbm>> -> memref<1x4x1024xf32, #tpu.memory_space<hbm>>
    %dma_wait3A_146 = tpu.memref_squeeze %dma_wait3A_145 : memref<1x4x1024xf32, #tpu.memory_space<hbm>> -> memref<4x1024xf32, #tpu.memory_space<hbm>>
    %dma_wait3A_147 = arith.constant 0 : i32
    %dma_wait3A_148 = tpu.memref_slice %arg4[%dma_wait3A_140, %add3A_139, %dma_wait3A_147] : memref<4x8192x1024xf32, #tpu.memory_space<hbm>> -> memref<1x4x1024xf32, #tpu.memory_space<hbm>>
    %dma_wait3A_149 = tpu.memref_squeeze %dma_wait3A_148 : memref<1x4x1024xf32, #tpu.memory_space<hbm>> -> memref<4x1024xf32, #tpu.memory_space<hbm>>
    %dma_wait3A_150 = arith.constant 4 : i32
    %dma_wait3A_151 = arith.constant 0 : i32
    %dma_wait3A_152 = tpu.memref_slice %arg8[%dma_wait3A_150, %dma_wait3A_151] : memref<8x1024xf32, #tpu.memory_space<vmem>> -> memref<4x1024xf32, #tpu.memory_space<vmem>>
    tpu.wait_dma2 semaphore(%arg26 : memref<!tpu.dma_semaphore, #tpu.memory_space<semaphore_mem>>) src(%dma_wait3A_152 : memref<4x1024xf32, #tpu.memory_space<vmem>>) dst(%dma_wait3A_149 : memref<4x1024xf32, #tpu.memory_space<hbm>>)
    %add3A_153 = arith.constant 248 : i32
    %add3A_154 = arith.addi %mul3A_2, %add3A_153 : i32
    %add3A_155 = arith.constant 0 : i32
    %add3A_156 = arith.addi %add3A_154, %add3A_155 : i32
    %dma_wait3A_157 = arith.constant 0 : i32
    %dma_wait3A_158 = arith.constant 0 : i32
    %dma_wait3A_159 = arith.constant 0 : i32
    %dma_wait3A_160 = tpu.memref_slice %arg9[%dma_wait3A_158, %dma_wait3A_159] : memref<8x1024xf32, #tpu.memory_space<vmem>> -> memref<4x1024xf32, #tpu.memory_space<vmem>>
    %dma_wait3A_161 = arith.constant 0 : i32
    %dma_wait3A_162 = tpu.memref_slice %arg4[%dma_wait3A_157, %add3A_156, %dma_wait3A_161] : memref<4x8192x1024xf32, #tpu.memory_space<hbm>> -> memref<1x4x1024xf32, #tpu.memory_space<hbm>>
    %dma_wait3A_163 = tpu.memref_squeeze %dma_wait3A_162 : memref<1x4x1024xf32, #tpu.memory_space<hbm>> -> memref<4x1024xf32, #tpu.memory_space<hbm>>
    %dma_wait3A_164 = arith.constant 0 : i32
    %dma_wait3A_165 = tpu.memref_slice %arg4[%dma_wait3A_157, %add3A_156, %dma_wait3A_164] : memref<4x8192x1024xf32, #tpu.memory_space<hbm>> -> memref<1x4x1024xf32, #tpu.memory_space<hbm>>
    %dma_wait3A_166 = tpu.memref_squeeze %dma_wait3A_165 : memref<1x4x1024xf32, #tpu.memory_space<hbm>> -> memref<4x1024xf32, #tpu.memory_space<hbm>>
    %dma_wait3A_167 = arith.constant 0 : i32
    %dma_wait3A_168 = arith.constant 0 : i32
    %dma_wait3A_169 = tpu.memref_slice %arg9[%dma_wait3A_167, %dma_wait3A_168] : memref<8x1024xf32, #tpu.memory_space<vmem>> -> memref<4x1024xf32, #tpu.memory_space<vmem>>
    tpu.wait_dma2 semaphore(%arg27 : memref<!tpu.dma_semaphore, #tpu.memory_space<semaphore_mem>>) src(%dma_wait3A_169 : memref<4x1024xf32, #tpu.memory_space<vmem>>) dst(%dma_wait3A_166 : memref<4x1024xf32, #tpu.memory_space<hbm>>)
    %add3A_170 = arith.constant 248 : i32
    %add3A_171 = arith.addi %mul3A_2, %add3A_170 : i32
    %add3A_172 = arith.constant 4 : i32
    %add3A_173 = arith.addi %add3A_171, %add3A_172 : i32
    %dma_wait3A_174 = arith.constant 0 : i32
    %dma_wait3A_175 = arith.constant 4 : i32
    %dma_wait3A_176 = arith.constant 0 : i32
    %dma_wait3A_177 = tpu.memref_slice %arg9[%dma_wait3A_175, %dma_wait3A_176] : memref<8x1024xf32, #tpu.memory_space<vmem>> -> memref<4x1024xf32, #tpu.memory_space<vmem>>
    %dma_wait3A_178 = arith.constant 0 : i32
    %dma_wait3A_179 = tpu.memref_slice %arg4[%dma_wait3A_174, %add3A_173, %dma_wait3A_178] : memref<4x8192x1024xf32, #tpu.memory_space<hbm>> -> memref<1x4x1024xf32, #tpu.memory_space<hbm>>
    %dma_wait3A_180 = tpu.memref_squeeze %dma_wait3A_179 : memref<1x4x1024xf32, #tpu.memory_space<hbm>> -> memref<4x1024xf32, #tpu.memory_space<hbm>>
    %dma_wait3A_181 = arith.constant 0 : i32
    %dma_wait3A_182 = tpu.memref_slice %arg4[%dma_wait3A_174, %add3A_173, %dma_wait3A_181] : memref<4x8192x1024xf32, #tpu.memory_space<hbm>> -> memref<1x4x1024xf32, #tpu.memory_space<hbm>>
    %dma_wait3A_183 = tpu.memref_squeeze %dma_wait3A_182 : memref<1x4x1024xf32, #tpu.memory_space<hbm>> -> memref<4x1024xf32, #tpu.memory_space<hbm>>
    %dma_wait3A_184 = arith.constant 4 : i32
    %dma_wait3A_185 = arith.constant 0 : i32
    %dma_wait3A_186 = tpu.memref_slice %arg9[%dma_wait3A_184, %dma_wait3A_185] : memref<8x1024xf32, #tpu.memory_space<vmem>> -> memref<4x1024xf32, #tpu.memory_space<vmem>>
    tpu.wait_dma2 semaphore(%arg27 : memref<!tpu.dma_semaphore, #tpu.memory_space<semaphore_mem>>) src(%dma_wait3A_186 : memref<4x1024xf32, #tpu.memory_space<vmem>>) dst(%dma_wait3A_183 : memref<4x1024xf32, #tpu.memory_space<hbm>>)
    %add3A_187 = arith.constant 248 : i32
    %add3A_188 = arith.addi %mul3A_2, %add3A_187 : i32
    %add3A_189 = arith.constant 0 : i32
    %add3A_190 = arith.addi %add3A_188, %add3A_189 : i32
    %dma_wait3A_191 = arith.constant 1 : i32
    %dma_wait3A_192 = arith.constant 0 : i32
    %dma_wait3A_193 = arith.constant 0 : i32
    %dma_wait3A_194 = tpu.memref_slice %arg10[%dma_wait3A_192, %dma_wait3A_193] : memref<8x1024xf32, #tpu.memory_space<vmem>> -> memref<4x1024xf32, #tpu.memory_space<vmem>>
    %dma_wait3A_195 = arith.constant 0 : i32
    %dma_wait3A_196 = tpu.memref_slice %arg4[%dma_wait3A_191, %add3A_190, %dma_wait3A_195] : memref<4x8192x1024xf32, #tpu.memory_space<hbm>> -> memref<1x4x1024xf32, #tpu.memory_space<hbm>>
    %dma_wait3A_197 = tpu.memref_squeeze %dma_wait3A_196 : memref<1x4x1024xf32, #tpu.memory_space<hbm>> -> memref<4x1024xf32, #tpu.memory_space<hbm>>
    %dma_wait3A_198 = arith.constant 0 : i32
    %dma_wait3A_199 = tpu.memref_slice %arg4[%dma_wait3A_191, %add3A_190, %dma_wait3A_198] : memref<4x8192x1024xf32, #tpu.memory_space<hbm>> -> memref<1x4x1024xf32, #tpu.memory_space<hbm>>
    %dma_wait3A_200 = tpu.memref_squeeze %dma_wait3A_199 : memref<1x4x1024xf32, #tpu.memory_space<hbm>> -> memref<4x1024xf32, #tpu.memory_space<hbm>>
    %dma_wait3A_201 = arith.constant 0 : i32
    %dma_wait3A_202 = arith.constant 0 : i32
    %dma_wait3A_203 = tpu.memref_slice %arg10[%dma_wait3A_201, %dma_wait3A_202] : memref<8x1024xf32, #tpu.memory_space<vmem>> -> memref<4x1024xf32, #tpu.memory_space<vmem>>
    tpu.wait_dma2 semaphore(%arg28 : memref<!tpu.dma_semaphore, #tpu.memory_space<semaphore_mem>>) src(%dma_wait3A_203 : memref<4x1024xf32, #tpu.memory_space<vmem>>) dst(%dma_wait3A_200 : memref<4x1024xf32, #tpu.memory_space<hbm>>)
    %add3A_204 = arith.constant 248 : i32
    %add3A_205 = arith.addi %mul3A_2, %add3A_204 : i32
    %add3A_206 = arith.constant 4 : i32
    %add3A_207 = arith.addi %add3A_205, %add3A_206 : i32
    %dma_wait3A_208 = arith.constant 1 : i32
    %dma_wait3A_209 = arith.constant 4 : i32
    %dma_wait3A_210 = arith.constant 0 : i32
    %dma_wait3A_211 = tpu.memref_slice %arg10[%dma_wait3A_209, %dma_wait3A_210] : memref<8x1024xf32, #tpu.memory_space<vmem>> -> memref<4x1024xf32, #tpu.memory_space<vmem>>
    %dma_wait3A_212 = arith.constant 0 : i32
    %dma_wait3A_213 = tpu.memref_slice %arg4[%dma_wait3A_208, %add3A_207, %dma_wait3A_212] : memref<4x8192x1024xf32, #tpu.memory_space<hbm>> -> memref<1x4x1024xf32, #tpu.memory_space<hbm>>
    %dma_wait3A_214 = tpu.memref_squeeze %dma_wait3A_213 : memref<1x4x1024xf32, #tpu.memory_space<hbm>> -> memref<4x1024xf32, #tpu.memory_space<hbm>>
    %dma_wait3A_215 = arith.constant 0 : i32
    %dma_wait3A_216 = tpu.memref_slice %arg4[%dma_wait3A_208, %add3A_207, %dma_wait3A_215] : memref<4x8192x1024xf32, #tpu.memory_space<hbm>> -> memref<1x4x1024xf32, #tpu.memory_space<hbm>>
    %dma_wait3A_217 = tpu.memref_squeeze %dma_wait3A_216 : memref<1x4x1024xf32, #tpu.memory_space<hbm>> -> memref<4x1024xf32, #tpu.memory_space<hbm>>
    %dma_wait3A_218 = arith.constant 4 : i32
    %dma_wait3A_219 = arith.constant 0 : i32
    %dma_wait3A_220 = tpu.memref_slice %arg10[%dma_wait3A_218, %dma_wait3A_219] : memref<8x1024xf32, #tpu.memory_space<vmem>> -> memref<4x1024xf32, #tpu.memory_space<vmem>>
    tpu.wait_dma2 semaphore(%arg28 : memref<!tpu.dma_semaphore, #tpu.memory_space<semaphore_mem>>) src(%dma_wait3A_220 : memref<4x1024xf32, #tpu.memory_space<vmem>>) dst(%dma_wait3A_217 : memref<4x1024xf32, #tpu.memory_space<hbm>>)
    %add3A_221 = arith.constant 248 : i32
    %add3A_222 = arith.addi %mul3A_2, %add3A_221 : i32
    %add3A_223 = arith.constant 0 : i32
    %add3A_224 = arith.addi %add3A_222, %add3A_223 : i32
    %dma_wait3A_225 = arith.constant 2 : i32
    %dma_wait3A_226 = arith.constant 0 : i32
    %dma_wait3A_227 = arith.constant 0 : i32
    %dma_wait3A_228 = tpu.memref_slice %arg11[%dma_wait3A_226, %dma_wait3A_227] : memref<8x1024xf32, #tpu.memory_space<vmem>> -> memref<4x1024xf32, #tpu.memory_space<vmem>>
    %dma_wait3A_229 = arith.constant 0 : i32
    %dma_wait3A_230 = tpu.memref_slice %arg4[%dma_wait3A_225, %add3A_224, %dma_wait3A_229] : memref<4x8192x1024xf32, #tpu.memory_space<hbm>> -> memref<1x4x1024xf32, #tpu.memory_space<hbm>>
    %dma_wait3A_231 = tpu.memref_squeeze %dma_wait3A_230 : memref<1x4x1024xf32, #tpu.memory_space<hbm>> -> memref<4x1024xf32, #tpu.memory_space<hbm>>
    %dma_wait3A_232 = arith.constant 0 : i32
    %dma_wait3A_233 = tpu.memref_slice %arg4[%dma_wait3A_225, %add3A_224, %dma_wait3A_232] : memref<4x8192x1024xf32, #tpu.memory_space<hbm>> -> memref<1x4x1024xf32, #tpu.memory_space<hbm>>
    %dma_wait3A_234 = tpu.memref_squeeze %dma_wait3A_233 : memref<1x4x1024xf32, #tpu.memory_space<hbm>> -> memref<4x1024xf32, #tpu.memory_space<hbm>>
    %dma_wait3A_235 = arith.constant 0 : i32
    %dma_wait3A_236 = arith.constant 0 : i32
    %dma_wait3A_237 = tpu.memref_slice %arg11[%dma_wait3A_235, %dma_wait3A_236] : memref<8x1024xf32, #tpu.memory_space<vmem>> -> memref<4x1024xf32, #tpu.memory_space<vmem>>
    tpu.wait_dma2 semaphore(%arg29 : memref<!tpu.dma_semaphore, #tpu.memory_space<semaphore_mem>>) src(%dma_wait3A_237 : memref<4x1024xf32, #tpu.memory_space<vmem>>) dst(%dma_wait3A_234 : memref<4x1024xf32, #tpu.memory_space<hbm>>)
    %add3A_238 = arith.constant 248 : i32
    %add3A_239 = arith.addi %mul3A_2, %add3A_238 : i32
    %add3A_240 = arith.constant 4 : i32
    %add3A_241 = arith.addi %add3A_239, %add3A_240 : i32
    %dma_wait3A_242 = arith.constant 2 : i32
    %dma_wait3A_243 = arith.constant 4 : i32
    %dma_wait3A_244 = arith.constant 0 : i32
    %dma_wait3A_245 = tpu.memref_slice %arg11[%dma_wait3A_243, %dma_wait3A_244] : memref<8x1024xf32, #tpu.memory_space<vmem>> -> memref<4x1024xf32, #tpu.memory_space<vmem>>
    %dma_wait3A_246 = arith.constant 0 : i32
    %dma_wait3A_247 = tpu.memref_slice %arg4[%dma_wait3A_242, %add3A_241, %dma_wait3A_246] : memref<4x8192x1024xf32, #tpu.memory_space<hbm>> -> memref<1x4x1024xf32, #tpu.memory_space<hbm>>
    %dma_wait3A_248 = tpu.memref_squeeze %dma_wait3A_247 : memref<1x4x1024xf32, #tpu.memory_space<hbm>> -> memref<4x1024xf32, #tpu.memory_space<hbm>>
    %dma_wait3A_249 = arith.constant 0 : i32
    %dma_wait3A_250 = tpu.memref_slice %arg4[%dma_wait3A_242, %add3A_241, %dma_wait3A_249] : memref<4x8192x1024xf32, #tpu.memory_space<hbm>> -> memref<1x4x1024xf32, #tpu.memory_space<hbm>>
    %dma_wait3A_251 = tpu.memref_squeeze %dma_wait3A_250 : memref<1x4x1024xf32, #tpu.memory_space<hbm>> -> memref<4x1024xf32, #tpu.memory_space<hbm>>
    %dma_wait3A_252 = arith.constant 4 : i32
    %dma_wait3A_253 = arith.constant 0 : i32
    %dma_wait3A_254 = tpu.memref_slice %arg11[%dma_wait3A_252, %dma_wait3A_253] : memref<8x1024xf32, #tpu.memory_space<vmem>> -> memref<4x1024xf32, #tpu.memory_space<vmem>>
    tpu.wait_dma2 semaphore(%arg29 : memref<!tpu.dma_semaphore, #tpu.memory_space<semaphore_mem>>) src(%dma_wait3A_254 : memref<4x1024xf32, #tpu.memory_space<vmem>>) dst(%dma_wait3A_251 : memref<4x1024xf32, #tpu.memory_space<hbm>>)
    %add3A_255 = arith.constant 248 : i32
    %add3A_256 = arith.addi %mul3A_2, %add3A_255 : i32
    %add3A_257 = arith.constant 0 : i32
    %add3A_258 = arith.addi %add3A_256, %add3A_257 : i32
    %dma_wait3A_259 = arith.constant 3 : i32
    %dma_wait3A_260 = arith.constant 0 : i32
    %dma_wait3A_261 = arith.constant 0 : i32
    %dma_wait3A_262 = tpu.memref_slice %arg12[%dma_wait3A_260, %dma_wait3A_261] : memref<8x1024xf32, #tpu.memory_space<vmem>> -> memref<4x1024xf32, #tpu.memory_space<vmem>>
    %dma_wait3A_263 = arith.constant 0 : i32
    %dma_wait3A_264 = tpu.memref_slice %arg4[%dma_wait3A_259, %add3A_258, %dma_wait3A_263] : memref<4x8192x1024xf32, #tpu.memory_space<hbm>> -> memref<1x4x1024xf32, #tpu.memory_space<hbm>>
    %dma_wait3A_265 = tpu.memref_squeeze %dma_wait3A_264 : memref<1x4x1024xf32, #tpu.memory_space<hbm>> -> memref<4x1024xf32, #tpu.memory_space<hbm>>
    %dma_wait3A_266 = arith.constant 0 : i32
    %dma_wait3A_267 = tpu.memref_slice %arg4[%dma_wait3A_259, %add3A_258, %dma_wait3A_266] : memref<4x8192x1024xf32, #tpu.memory_space<hbm>> -> memref<1x4x1024xf32, #tpu.memory_space<hbm>>
    %dma_wait3A_268 = tpu.memref_squeeze %dma_wait3A_267 : memref<1x4x1024xf32, #tpu.memory_space<hbm>> -> memref<4x1024xf32, #tpu.memory_space<hbm>>
    %dma_wait3A_269 = arith.constant 0 : i32
    %dma_wait3A_270 = arith.constant 0 : i32
    %dma_wait3A_271 = tpu.memref_slice %arg12[%dma_wait3A_269, %dma_wait3A_270] : memref<8x1024xf32, #tpu.memory_space<vmem>> -> memref<4x1024xf32, #tpu.memory_space<vmem>>
    tpu.wait_dma2 semaphore(%arg30 : memref<!tpu.dma_semaphore, #tpu.memory_space<semaphore_mem>>) src(%dma_wait3A_271 : memref<4x1024xf32, #tpu.memory_space<vmem>>) dst(%dma_wait3A_268 : memref<4x1024xf32, #tpu.memory_space<hbm>>)
    %add3A_272 = arith.constant 248 : i32
    %add3A_273 = arith.addi %mul3A_2, %add3A_272 : i32
    %add3A_274 = arith.constant 4 : i32
    %add3A_275 = arith.addi %add3A_273, %add3A_274 : i32
    %dma_wait3A_276 = arith.constant 3 : i32
    %dma_wait3A_277 = arith.constant 4 : i32
    %dma_wait3A_278 = arith.constant 0 : i32
    %dma_wait3A_279 = tpu.memref_slice %arg12[%dma_wait3A_277, %dma_wait3A_278] : memref<8x1024xf32, #tpu.memory_space<vmem>> -> memref<4x1024xf32, #tpu.memory_space<vmem>>
    %dma_wait3A_280 = arith.constant 0 : i32
    %dma_wait3A_281 = tpu.memref_slice %arg4[%dma_wait3A_276, %add3A_275, %dma_wait3A_280] : memref<4x8192x1024xf32, #tpu.memory_space<hbm>> -> memref<1x4x1024xf32, #tpu.memory_space<hbm>>
    %dma_wait3A_282 = tpu.memref_squeeze %dma_wait3A_281 : memref<1x4x1024xf32, #tpu.memory_space<hbm>> -> memref<4x1024xf32, #tpu.memory_space<hbm>>
    %dma_wait3A_283 = arith.constant 0 : i32
    %dma_wait3A_284 = tpu.memref_slice %arg4[%dma_wait3A_276, %add3A_275, %dma_wait3A_283] : memref<4x8192x1024xf32, #tpu.memory_space<hbm>> -> memref<1x4x1024xf32, #tpu.memory_space<hbm>>
    %dma_wait3A_285 = tpu.memref_squeeze %dma_wait3A_284 : memref<1x4x1024xf32, #tpu.memory_space<hbm>> -> memref<4x1024xf32, #tpu.memory_space<hbm>>
    %dma_wait3A_286 = arith.constant 4 : i32
    %dma_wait3A_287 = arith.constant 0 : i32
    %dma_wait3A_288 = tpu.memref_slice %arg12[%dma_wait3A_286, %dma_wait3A_287] : memref<8x1024xf32, #tpu.memory_space<vmem>> -> memref<4x1024xf32, #tpu.memory_space<vmem>>
    tpu.wait_dma2 semaphore(%arg30 : memref<!tpu.dma_semaphore, #tpu.memory_space<semaphore_mem>>) src(%dma_wait3A_288 : memref<4x1024xf32, #tpu.memory_space<vmem>>) dst(%dma_wait3A_285 : memref<4x1024xf32, #tpu.memory_space<hbm>>)
    return
  }
}

</mosaic_0001>

<sc_bundles>
// kernel: kernel.3.cloned.1.call-start
scs
__scs_entry_jumppad:
0x0: {  	(pc) =	sbr.rel $0x88, $3  }
0x1: {  	(tag) =	ssettag $0x0;
	lr =	simm.s32 $0x1  }
0x2: {  	[smem:$0x3F9F] =	sst lr;
	_ =	strace $0xD0000000  }
0x3: {  	_ = 	snop  }
0x4: {  	_ = 	snop  }
0x5: {  	_ = 	snop  }
0x6: {  	_ = 	snop  }
0x7: {  	_ = 	snop  }
__scs_overlays_trampoline_lowered:
0x8: {  	[smem:$0x3FAE] =	sst s0  }
0x9: {  	[smem:$0x3FAF] =	sst s1  }
0xa: {  	[smem:$0x3FB0] =	sst s2  }
0xb: {  	[smem:$0x3FB1] =	sst s3  }
0xc: {  	[smem:$0x3FB2] =	sst s4  }
0xd: {  	[smem:$0x3FB3] =	sst s5  }
0xe: {  	[smem:$0x3FB4] =	sst s6  }
0xf: {  	[smem:$0x3FB5] =	sst s7  }
0x10: {  	[smem:$0x3FB6] =	sst s8  }
0x11: {  	[smem:$0x3FB7] =	sst s9;
	s0 =	simm.s32 @!p0 $0x0  }
0x12: {  	s1 =	sld [smem:$0x3F9D];
	s0 =	simm.s32 @p0 $0x1  }
0x13: {  	[smem:$0x3FB8] =	sst s0;
	s0 =	simm.s32 @!p1 $0x0  }
0x14: {  	s2 =	sld [smem:$0x3F9C];
	s0 =	simm.s32 @p1 $0x1  }
0x15: {  	[smem:$0x3FB9] =	sst s0;
	s0 =	simm.s32 @!p2 $0x0  }
0x16: {  	s3 =	sld [smem:$0x3FDB];
	s0 =	simm.s32 @p2 $0x1  }
0x17: {  	s4 =	simm.s32 $0x1BF5;
	[smem:$0x3FBB] =	sst s0  }
0x18: {  	s0 =	sld [smem:$0x3F9E];
	_ =	swait.ge [sflag:s4], $0x0  }
0x19: {  	s7 =	sld [smem:$0x3F9F]  }
0x1a: {  	s8 =	sadd.s32 $0xFFFFE003, lr  }
0x1b: {  	s9 =	sadd.s32 $0xFFFFFEF7, lr;
	s5 =	simm.s32 $0xFFFFFFFF;
	p2 =	slt.u32 s8, $0xFFFFF086  }
0x1c: {  	p1 =	slt.u32 s9, $0xF7A;
	s5 =	simm.s32 @!p2 $0x0  }
0x1d: {  	s5 =	simm.s32 @p1 $0x1;
	p0 =	seq.s32 s7, s2  }
0x1e: {  	s7 =	smul.u32 @!p0 $0xF7A, s2;
	p2 =	seq.s32 @!p0 s5, $0x0  }
0x1f: {  	s9 =	smul.u32 $0xF7A, s1;
	s8 =	simm.s32 @!p0 $0x1BF5;
	p2 =	por !p2, p0  }
0x20: {  	[sflag:s8] =	ssyncset.s32 @!p0 $0xFFFFF086;
	s6 =	sadd.s32 @!p0 s3, s7;
	s7 =	simm.s32 @!p0 $0x108  }
0x21: {  	s3 =	sadd.s32 s3, s9;
	s6 =	sadd.s32 @!p0 $0x88, s6;
	s7 =	simm.s32 @p2 $0x1082  }
0x22: {  	[simem:s7], [sflag:s8] =	dma.local @!p0 [hbm:s6], $0xF7A  }
0x23: {  	s9 =	sor.u32 $0xD0000000, s2;
	s6 =	simm.s32 $0x108;
	_ =	swait.ge @!p0 [sflag:s8], $0x0  }
0x24: {  	s3 =	sadd.s32 $0x88, s3;
	s6 =	simm.s32 @!p1 $0x1082;
	[sflag:s4] =	ssyncset.s32 $0xFFFFF086  }
0x25: {  	[simem:s6], [sflag:s4] =	dma.local [hbm:s3], $0xF7A  }
0x26: {  	[smem:$0x3F9F] =	sst s1;
	(tag) =	ssettag s2;
	_ =	strace s9  }
0x27: {  	s1 =	sld [smem:$0x3FAF]  }
0x28: {  	s2 =	sld [smem:$0x3FB0]  }
0x29: {  	s4 =	sld [smem:$0x3FB2]  }
0x2a: {  	p0 =	seq.s32 s5, $0x0;
	s5 =	sld [smem:$0x3FB3]  }
0x2b: {  	s6 =	sld [smem:$0x3FB4]  }
0x2c: {  	s7 =	sld [smem:$0x3FB5]  }
0x2d: {  	s3 =	simm.s32 $0x108;
	s8 =	sld [smem:$0x3FB6]  }
0x2e: {  	s3 =	simm.s32 @!p0 $0x1082;
	s9 =	sld [smem:$0x3FB7]  }
0x2f: {  	lr =	sadd.s32 s0, s3;
	s0 =	sld [smem:$0x3FAE]  }
0x30: {  	s3 =	sld [smem:$0x3FB1]  }
0x31: {  	[smem:$0x3FBA] =	sst s10  }
0x32: {  	s10 =	sld [smem:$0x3FB8];
	_ =	sdelay $0x3  }
0x33: {  	p0 =	seq.s32 s10, $0x1;
	s10 =	sld [smem:$0x3FBA];
	_ =	sdelay $0x3  }
0x34: {  	[smem:$0x3FBA] =	sst s10  }
0x35: {  	s10 =	sld [smem:$0x3FB9];
	_ =	sdelay $0x3  }
0x36: {  	p1 =	seq.s32 s10, $0x1;
	s10 =	sld [smem:$0x3FBA];
	_ =	sdelay $0x3  }
0x37: {  	[smem:$0x3FBA] =	sst s10  }
0x38: {  	s10 =	sld [smem:$0x3FBB]  }
0x39: {  	_ = 	snop;
	(pc) =	sbr.ind lr, $3  }
0x3a: {  	_ = 	snop  }
0x3b: {  	_ = 	snop  }
0x3c: {  	p2 =	seq.s32 s10, $0x1;
	s10 =	sld [smem:$0x3FBA]  }
0x3d: {  	_ =	shalt  }
0x3e: {  	_ =	shalt  }
0x3f: {  	_ =	shalt  }
0x40: {  	_ =	shalt  }
0x41: {  	_ =	shalt  }
0x42: {  	_ =	shalt  }
0x43: {  	_ =	shalt  }
0x44: {  	_ =	shalt  }
0x45: {  	_ =	shalt  }
0x46: {  	_ =	shalt  }
0x47: {  	_ =	shalt  }
0x48: {  	_ =	shalt  }
0x49: {  	_ =	shalt  }
0x4a: {  	_ =	shalt  }
0x4b: {  	_ =	shalt  }
0x4c: {  	_ =	shalt  }
0x4d: {  	_ =	shalt  }
0x4e: {  	_ =	shalt  }
0x4f: {  	_ =	shalt  }
0x50: {  	_ =	shalt  }
0x51: {  	_ =	shalt  }
0x52: {  	_ =	shalt  }
0x53: {  	_ =	shalt  }
0x54: {  	_ =	shalt  }
0x55: {  	_ =	shalt  }
0x56: {  	_ =	shalt  }
0x57: {  	_ =	shalt  }
0x58: {  	_ =	shalt  }
0x59: {  	_ =	shalt  }
0x5a: {  	_ =	shalt  }
0x5b: {  	_ =	shalt  }
0x5c: {  	_ =	shalt  }
0x5d: {  	_ =	shalt  }
0x5e: {  	_ =	shalt  }
0x5f: {  	_ =	shalt  }
0x60: {  	_ =	shalt  }
0x61: {  	_ =	shalt  }
0x62: {  	_ =	shalt  }
0x63: {  	_ =	shalt  }
0x64: {  	_ =	shalt  }
0x65: {  	_ =	shalt  }
0x66: {  	_ =	shalt  }
0x67: {  	_ =	shalt  }
0x68: {  	_ =	shalt  }
0x69: {  	_ =	shalt  }
0x6a: {  	_ =	shalt  }
0x6b: {  	_ =	shalt  }
0x6c: {  	_ =	shalt  }
0x6d: {  	_ =	shalt  }
0x6e: {  	_ =	shalt  }
0x6f: {  	_ =	shalt  }
0x70: {  	_ =	shalt  }
0x71: {  	_ =	shalt  }
0x72: {  	_ =	shalt  }
0x73: {  	_ =	shalt  }
0x74: {  	_ =	shalt  }
0x75: {  	_ =	shalt  }
0x76: {  	_ =	shalt  }
0x77: {  	_ =	shalt  }
0x78: {  	_ =	shalt  }
0x79: {  	_ =	shalt  }
0x7a: {  	_ =	shalt  }
0x7b: {  	_ =	shalt  }
0x7c: {  	_ =	shalt  }
0x7d: {  	_ =	shalt  }
0x7e: {  	_ =	shalt  }
0x7f: {  	_ =	shalt  }
0x80: {  	_ =	shalt  }
0x81: {  	_ =	shalt  }
0x82: {  	_ =	shalt  }
0x83: {  	_ =	shalt  }
0x84: {  	_ =	shalt  }
0x85: {  	_ =	shalt  }
0x86: {  	_ =	shalt  }
0x87: {  	_ =	shalt  }
.Lfunc_end0:
.L_simem_size_0:
called_computation_lowered:
.L_overlay_start_0:
0x88: {  	s2 =	sld [smem:$0x3FD9]  }
0x89: {  	s3 =	sld [smem:$0x3FFE];
	_ =	sdelay $0x1  }
0x8a: {  	s1 =	srdreg.scid  }
0x8b: {  	s0 =	sand.u32 $0x1, s1  }
0x8c: {  	s18 =	sshll.u32 s0, $0xA;
	s2 =	sadd.s32 s3, s2  }
0x8d: {  	s2 =	sadd.s32 s2, s18  }
0x8e: {  	[smem:$0x3FC6] =	sst s2  }
0x8f: {  	_ = 	snop  }
0x90: {  	s2 =	sld [smem:$0x3FC9]  }
0x91: {  	s19 =	sld [smem:$0x3FC8]  }
0x92: {  	s4 =	sld [smem:$0x3FD0];
	(tm) =	ssettm $0x1  }
0x93: {  	s5 =	sld [smem:$0x3FFB];
	_ =	sdelay $0x3  }
0x94: {  	_ =	strace s5  }
0x95: {  	s5 =	sld [smem:$0x3FFC];
	_ =	sdelay $0x3  }
0x96: {  	_ =	strace s5  }
0x97: {  	s5 =	sld [smem:$0x3FFD];
	_ =	sdelay $0x3  }
0x98: {  	_ =	strace s5  }
0x99: {  	_ =	strace $0x8FFFFFFF  }
0x9a: {  	s20 =	sld [smem:$0x3FDB];
	_ =	sdelay $0x1  }
0x9b: {  	s6 =	simm.s32 $_scs_section_size  }
0x9c: {  	s7 =	simm.s32 $_size__tile_overlayer_lowered;
	s8 =	simm.s32 $_tile_overlayer_lowered  }
0x9d: {  	s23 =	simm.s32 $0x1BFF;
	s22 =	sshll.u32 s8, $0x1;
	s5 =	sadd.s32 s6, s20  }
0x9e: {  	s9 =	simm.s32 $0x0;
	s21 =	sshll.u32 s7, $0x1;
	s7 =	sadd.s32 s22, s5  }
0x9f: {  	[timem:s9], [sflag:s23] =	dma.local [hbm:s7], s21  }
0xa0: {  	_ =	swait.ge [sflag:s23], s21  }
0xa1: {  	s6 =	ssub.s32 $0x0, s21;
	[sflag:s23] =	ssyncset.done $0x0  }
0xa2: {  	[sflag:s23] =	ssyncadd.s32 s6;
	_ =	sdelay $0x1  }
0xa3: {  	s24 =	simm.s32 $0x1B8B  }
0xa4: {  	_ =	swait.ge [sflag:s24], $0x1  }
0xa5: {  	[sflag:s24] =	ssyncset.done $0x0  }
0xa6: {  	s25 =	simm.s32 $0x1B8E;
	[sflag:s24] =	ssyncadd.s32 $0xFFFFFFFF  }
0xa7: {  	s26 =	simm.s32 $execute0_lowered;
	[smem:$0x3FD2] =	sst s25  }
0xa8: {  	s6 =	sshll.u32 s26, $0x1;
	_ =	strace $0x80000046;
	[dreg:$0x1] =	wrdreg $0xFFFFFFFF  }
0xa9: {  	s28 =	simm.s32 $_size_execute0_lowered;
	s5 =	sadd.s32 s5, s6;
	[dreg:$0x0] =	wrdreg $0x0  }
0xaa: {  	s6 =	sshll.u32 s28, $0x1;
	[dreg:$0x2] =	wrdreg s5  }
0xab: {  	[dreg:$0x3] =	wrdreg s6  }
0xac: {  	[dreg:$0x4] =	wrdreg $0xC0  }
0xad: {  	_ =	task [dreg:s9], $0x5FFFF  }
0xae: {  	[dreg:$0x1] =	wrdreg $0xFFFFFFFF  }
0xaf: {  	[dreg:$0x0] =	wrdreg $0x60  }
0xb0: {  	[dreg:$0x2] =	wrdreg s2  }
0xb1: {  	[dreg:$0x3] =	wrdreg s19  }
0xb2: {  	[dreg:$0x4] =	wrdreg s4  }
0xb3: {  	[dreg:$0x5] =	wrdreg $0x9  }
0xb4: {  	_ =	task.clear_ibuf [dreg:s9], $0x6FFFF;
	_ =	strace $0x90000046  }
0xb5: {  	s29 =	simm.s32 $0x9;
	_ =	strace $0x80000048  }
0xb6: {  	_ =	swait.ge [sflag:s29], $0x1  }
0xb7: {  	[sflag:s29] =	ssyncadd.s32 $0xFFFFFFFF  }
0xb8: {  	_ =	strace $0x90000048  }
0xb9: {  	_ =	sfence  }
0xba: {  	s30 =	sld [smem:$0x0];
	_ =	sdelay $0x2  }
0xbb: {  	s31 =	sshll.u32 s1, $0xD;
	s1 =	sshrl.u32 s1, $0x2  }
0xbc: {  	s3 =	sand.u32 $0x4000, s31;
	s1 =	sadd.s32 s1, s30  }
0xbd: {  	s0 =	sor.u32 s3, s0;
	s1 =	sshll.u32 s1, $0x11  }
0xbe: {  	s0 =	sor.u32 s1, s0  }
0xbf: {  	s0 =	sadd.s32 $0x8F2B, s0  }
0xc0: {  	[sflag:s0] =	ssyncadd.remote.s32 $0x1  }
0xc1: {  	_ =	sfence.sel $0xFFFF  }
0xc2: {  	[dreg:$0x0] =	wrdreg $0xFFFFFFFF;
	(pc) =	sbr.abs _section_cstart, $3  }
0xc3: {  	[dreg:$0x1] =	wrdreg $0xFFFFFFFF  }
0xc4: {  	_ =	task.clear_ibuf [dreg:s9], $0x2FFFF;
	_ =	strace $0x9FFFFFFF  }
0xc5: {  	(tm) =	ssettm $0x7FFFFFFF  }
tec
execute0_lowered:
.L_overlay_start_1:
0x0: {  	(tag) =	ssettag $0x1  }
0x1: {  	s1 =	rddreg [dreg:$0x0];
	s0 =	srdreg.scid  }
0x2: {  	s6 =	rddreg [dreg:$0x1];
	s2 =	stileid.u32  }
0x3: {  	s4 =	rddreg [dreg:$0x2];
	s5 =	simm.s32 $0x0;
	s28 =	simm.s32 $0x4000  }
0x4: {  	s24 =	simm.s32 $0xE000;
	s29 =	simm.s32 $0x3;
	s21 =	simm.s32 $0x12  }
0x5: {  	s23 =	simm.s32 $0x5;
	s20 =	simm.s32 $0x6;
	s19 =	simm.s32 $0x7  }
0x6: {  	s8 =	simm.s32 $0x8;
	s0 =	sand.u32 $0x1, s0;
	s2 =	sshll.u32 s2, $0x9  }
0x7: {  	[smem:$0x7FF] =	sst s5;
	s9 =	sadd.s32 $0x100000, s1;
	s10 =	sadd.s32 $0x300000, s1  }
0x8: {  	s11 =	sadd.s32 $0x40, s4;
	s12 =	sadd.s32 $0x100000, s4;
	s13 =	sadd.s32 $0x100040, s4  }
0x9: {  	s14 =	sadd.s32 $0x200040, s4;
	s30 =	sadd.s32 $0x300000, s4;
	s3 =	sshll.u32 s0, $0x8  }
0xa: {  	s0 =	ssub.s32 $0x2, s0;
	_ =	strace $0x80000047;
	s2 =	sor.u32 s3, s2  }
0xb: {  	[dreg:$0x7] =	wrdreg s30;
	s25 =	sshrl.u32 s0, $0x1;
	s7 =	sshll.u32 s2, $0x7  }
0xc: {  	s2 =	sshrl.u32 s2, $0x3;
	[dreg:$0x4] =	wrdreg s7;
	s6 =	sadd.s32 s6, s7  }
.Ltmp0:
0xd: {  	s31 =	sor.u32 $0x2, s2;
	[dreg:$0x5] =	wrdreg s6;
	(pc) =	sbr.rel .LBB2_1-.Ltmp0, $4  }
0xe: {  	s0 =	ssub.s32 s0, s25;
	s2 =	sor.u32 $0x3, s2;
	[dreg:$0x8] =	wrdreg s31  }
0xf: {  	s16 =	sadd.s32 $0x300040, s4;
	s0 =	smax.u32 s0, $0x1;
	[dreg:$0x9] =	wrdreg s2  }
0x10: {  	s3 =	simm.s32 $0x0;
	s26 =	sadd.s32 $0x400, s6;
	[dreg:$0xa] =	wrdreg s0  }
0x11: {  	s25 =	simm.s32 $0xC000;
	s7 =	simm.s32 $0x4;
	[dreg:$0x6] =	wrdreg s26  }
.LBB2_36:
0x12: {  	s0 =	simm.s32 $0x9  }
0x13: {  	_ =	swait.ge [sflag:s0], $0x1000  }
0x14: {  	[sflag:s0] =	ssyncset.done $0x0  }
0x15: {  	[sflag:s0] =	ssyncadd.s32 $0xFFFFF000  }
0x16: {  	_ =	swait.ge [sflag:s0], $0x1000  }
0x17: {  	[sflag:s0] =	ssyncset.done $0x0  }
0x18: {  	s15 =	simm.s32 $0xA;
	[sflag:s0] =	ssyncadd.s32 $0xFFFFF000  }
0x19: {  	_ =	swait.ge [sflag:s15], $0x1000  }
0x1a: {  	[sflag:s15] =	ssyncset.done $0x0  }
0x1b: {  	[sflag:s15] =	ssyncadd.s32 $0xFFFFF000  }
0x1c: {  	_ =	swait.ge [sflag:s15], $0x1000  }
0x1d: {  	[sflag:s15] =	ssyncset.done $0x0  }
0x1e: {  	s17 =	simm.s32 $0xB;
	[sflag:s15] =	ssyncadd.s32 $0xFFFFF000  }
0x1f: {  	_ =	swait.ge [sflag:s17], $0x1000  }
0x20: {  	[sflag:s17] =	ssyncset.done $0x0  }
0x21: {  	[sflag:s17] =	ssyncadd.s32 $0xFFFFF000  }
0x22: {  	_ =	swait.ge [sflag:s17], $0x1000  }
0x23: {  	[sflag:s17] =	ssyncset.done $0x0  }
0x24: {  	s18 =	simm.s32 $0xC;
	[sflag:s17] =	ssyncadd.s32 $0xFFFFF000  }
0x25: {  	_ =	swait.ge [sflag:s18], $0x1000  }
0x26: {  	[sflag:s18] =	ssyncset.done $0x0  }
0x27: {  	[sflag:s18] =	ssyncadd.s32 $0xFFFFF000  }
0x28: {  	_ =	swait.ge [sflag:s18], $0x1000  }
0x29: {  	[sflag:s18] =	ssyncset.done $0x0  }
0x2a: {  	s22 =	simm.s32 $0xD;
	[sflag:s18] =	ssyncadd.s32 $0xFFFFF000  }
0x2b: {  	_ =	swait.ge [sflag:s22], $0x1000  }
0x2c: {  	[sflag:s22] =	ssyncset.done $0x0  }
0x2d: {  	[sflag:s22] =	ssyncadd.s32 $0xFFFFF000  }
0x2e: {  	_ =	swait.ge [sflag:s22], $0x1000  }
0x2f: {  	[sflag:s22] =	ssyncset.done $0x0  }
0x30: {  	s26 =	simm.s32 $0xE;
	[sflag:s22] =	ssyncadd.s32 $0xFFFFF000  }
0x31: {  	_ =	swait.ge [sflag:s26], $0x1000  }
0x32: {  	[sflag:s26] =	ssyncset.done $0x0  }
0x33: {  	[sflag:s26] =	ssyncadd.s32 $0xFFFFF000  }
0x34: {  	_ =	swait.ge [sflag:s26], $0x1000  }
0x35: {  	[sflag:s26] =	ssyncset.done $0x0  }
0x36: {  	s30 =	simm.s32 $0xF;
	[sflag:s26] =	ssyncadd.s32 $0xFFFFF000  }
0x37: {  	_ =	swait.ge [sflag:s30], $0x1000  }
0x38: {  	[sflag:s30] =	ssyncset.done $0x0  }
0x39: {  	[sflag:s30] =	ssyncadd.s32 $0xFFFFF000  }
0x3a: {  	_ =	swait.ge [sflag:s30], $0x1000  }
0x3b: {  	[sflag:s30] =	ssyncset.done $0x0  }
0x3c: {  	s2 =	simm.s32 $0x10;
	[sflag:s30] =	ssyncadd.s32 $0xFFFFF000  }
0x3d: {  	_ =	swait.ge [sflag:s2], $0x1000  }
0x3e: {  	[sflag:s2] =	ssyncset.done $0x0  }
0x3f: {  	[sflag:s2] =	ssyncadd.s32 $0xFFFFF000  }
0x40: {  	_ =	swait.ge [sflag:s2], $0x1000  }
0x41: {  	s3 =	rddreg [dreg:$0xb]  }
0x42: {  	s31 =	rddreg [dreg:$0xa];
	s3 =	sadd.s32 $0x1, s3  }
0x43: {  	p0 =	sne.s32 s3, s31  }
.Ltmp1:
0x44: {  	_ = 	snop;
	(pc) =	sbr.rel @!p0 .LBB2_37-.Ltmp1, $3  }
0x45: {  	_ =	sdelay $0x1  }
0x46: {  	[sflag:s2] =	ssyncset.done $0x0  }
0x47: {  	[sflag:s2] =	ssyncadd.s32 $0xFFFFF000  }
.LBB2_1:
0x48: {  	[dreg:$0xb] =	wrdreg s3  }
0x49: {  	s0 =	rddreg [dreg:$0x5];
	s2 =	simm.s32 $0x10000  }
0x4a: {  	[tilespmem:s2], [sflag:$0x11] =	stream.linear.gather [hbm4b:s0+s5], $0x2000, $0x38;
	[tilespmem:$0x14000] =	vst v63  }
0x4b: {  	s26 =	rddreg [dreg:$0x6];
	s31 =	simm.s32 $0x12000;
	s30 =	simm.s32 $0x0  }
0x4c: {  	[tilespmem:s31], [sflag:$0x12] =	stream.linear.gather [hbm4b:s26+s5], $0x2000, $0x38;
	[tilespmem:$0x14000] =	vst v63  }
.LBB2_2:
0x4d: {  	p0 =	seq.s32 s30, $0x0  }
0x4e: {  	s2 =	simm.s32 @!p0 $0x9  }
0x4f: {  	_ =	swait.ge @!p0 [sflag:s2], $0x1000  }
0x50: {  	[sflag:s2] =	ssyncset.done @!p0 $0x0  }
0x51: {  	[sflag:s2] =	ssyncadd.s32 @!p0 $0xFFFFF000  }
0x52: {  	_ =	swait.ge @!p0 [sflag:s2], $0x1000  }
0x53: {  	s3 =	sshll.u32 s30, $0xB;
	s0 =	rddreg [dreg:$0x4]  }
0x54: {  	[sflag:s2] =	ssyncset.done @!p0 $0x0;
	s6 =	sor.u32 s0, s3  }
0x55: {  	[sflag:s2] =	ssyncadd.s32 @!p0 $0xFFFFF000;
	s17 =	sadd.s32 s1, s6  }
0x56: {  	[tilespmem:s5], [sflag:$0x1] =	stream.linear.gather [hbm4b:s17+s5], $0x2000, $0x38;
	[tilespmem:$0x14000] =	vst v63  }
0x57: {  	s15 =	simm.s32 @p0 $0x2000;
	s3 =	simm.s32 @p0 $0x0;
	s2 =	sadd.s32 @p0 s6, s9  }
0x58: {  	[tilespmem:s15], [sflag:$0x2] =	stream.linear.gather @p0 [hbm4b:s2+s3], $0x2000, $0x38;
	[tilespmem:$0x14000] =	vst v63  }
0x59: {  	s2 =	simm.s32 @!p0 $0xA  }
0x5a: {  	_ =	swait.ge @!p0 [sflag:s2], $0x1000  }
0x5b: {  	[sflag:s2] =	ssyncset.done @!p0 $0x0  }
0x5c: {  	[sflag:s2] =	ssyncadd.s32 @!p0 $0xFFFFF000  }
0x5d: {  	_ =	swait.ge @!p0 [sflag:s2], $0x1000  }
0x5e: {  	s17 =	simm.s32 @!p0 $0x0;
	[sflag:s2] =	ssyncset.done @!p0 $0x0  }
0x5f: {  	s15 =	simm.s32 @!p0 $0x2000;
	[sflag:s2] =	ssyncadd.s32 @!p0 $0xFFFFF000;
	s2 =	sadd.s32 @!p0 s6, s9  }
0x60: {  	[tilespmem:s15], [sflag:$0x2] =	stream.linear.gather @!p0 [hbm4b:s2+s17], $0x2000, $0x38;
	[tilespmem:$0x14000] =	vst v63  }
0x61: {  	s2 =	simm.s32 @!p0 $0xB  }
0x62: {  	_ =	swait.ge @!p0 [sflag:s2], $0x1000  }
0x63: {  	[sflag:s2] =	ssyncset.done @!p0 $0x0  }
0x64: {  	[sflag:s2] =	ssyncadd.s32 @!p0 $0xFFFFF000  }
0x65: {  	_ =	swait.ge @!p0 [sflag:s2], $0x1000  }
0x66: {  	s15 =	sor.u32 $0x200000, s6;
	[sflag:s2] =	ssyncset.done @!p0 $0x0  }
0x67: {  	s18 =	sadd.s32 s1, s15;
	[sflag:s2] =	ssyncadd.s32 @!p0 $0xFFFFF000  }
0x68: {  	[tilespmem:s28], [sflag:$0x3] =	stream.linear.gather [hbm4b:s18+s5], $0x2000, $0x38;
	[tilespmem:$0x14000] =	vst v63  }
0x69: {  	s2 =	sadd.s32 @p0 s6, s10;
	s18 =	simm.s32 @p0 $0x6000  }
0x6a: {  	[tilespmem:s18], [sflag:$0x4] =	stream.linear.gather @p0 [hbm4b:s2+s3], $0x2000, $0x38;
	[tilespmem:$0x14000] =	vst v63  }
0x6b: {  	s2 =	simm.s32 @!p0 $0xC  }
0x6c: {  	_ =	swait.ge @!p0 [sflag:s2], $0x1000  }
0x6d: {  	[sflag:s2] =	ssyncset.done @!p0 $0x0  }
0x6e: {  	[sflag:s2] =	ssyncadd.s32 @!p0 $0xFFFFF000  }
0x6f: {  	_ =	swait.ge @!p0 [sflag:s2], $0x1000  }
0x70: {  	[sflag:s2] =	ssyncset.done @!p0 $0x0  }
0x71: {  	s18 =	simm.s32 @!p0 $0x6000;
	[sflag:s2] =	ssyncadd.s32 @!p0 $0xFFFFF000;
	s2 =	sadd.s32 @!p0 s6, s10  }
0x72: {  	[tilespmem:s18], [sflag:$0x4] =	stream.linear.gather @!p0 [hbm4b:s2+s17], $0x2000, $0x38;
	[tilespmem:$0x14000] =	vst v63  }
0x73: {  	s2 =	simm.s32 @!p0 $0xD  }
0x74: {  	_ =	swait.ge @!p0 [sflag:s2], $0x1000  }
0x75: {  	[sflag:s2] =	ssyncset.done @!p0 $0x0  }
0x76: {  	[sflag:s2] =	ssyncadd.s32 @!p0 $0xFFFFF000  }
0x77: {  	_ =	swait.ge @!p0 [sflag:s2], $0x1000  }
0x78: {  	s31 =	sor.u32 $0x400, s6;
	[sflag:s2] =	ssyncset.done @!p0 $0x0  }
0x79: {  	s26 =	simm.s32 $0x8000;
	s22 =	sadd.s32 s1, s31;
	[sflag:s2] =	ssyncadd.s32 @!p0 $0xFFFFF000  }
0x7a: {  	[tilespmem:s26], [sflag:$0x5] =	stream.linear.gather [hbm4b:s22+s5], $0x2000, $0x38;
	[tilespmem:$0x14000] =	vst v63  }
0x7b: {  	s18 =	simm.s32 @p0 $0xA000;
	s2 =	sadd.s32 @p0 s31, s9  }
0x7c: {  	[tilespmem:s18], [sflag:$0x6] =	stream.linear.gather @p0 [hbm4b:s2+s3], $0x2000, $0x38;
	[tilespmem:$0x14000] =	vst v63  }
0x7d: {  	s2 =	simm.s32 @!p0 $0xE  }
0x7e: {  	_ =	swait.ge @!p0 [sflag:s2], $0x1000  }
0x7f: {  	[sflag:s2] =	ssyncset.done @!p0 $0x0  }
0x80: {  	[sflag:s2] =	ssyncadd.s32 @!p0 $0xFFFFF000  }
0x81: {  	_ =	swait.ge @!p0 [sflag:s2], $0x1000  }
0x82: {  	[sflag:s2] =	ssyncset.done @!p0 $0x0  }
0x83: {  	s3 =	simm.s32 @!p0 $0xA000;
	[sflag:s2] =	ssyncadd.s32 @!p0 $0xFFFFF000;
	s2 =	sadd.s32 @!p0 s31, s9  }
0x84: {  	[tilespmem:s3], [sflag:$0x6] =	stream.linear.gather @!p0 [hbm4b:s2+s17], $0x2000, $0x38;
	[tilespmem:$0x14000] =	vst v63  }
0x85: {  	s2 =	simm.s32 @!p0 $0xF  }
0x86: {  	_ =	swait.ge @!p0 [sflag:s2], $0x1000  }
0x87: {  	[sflag:s2] =	ssyncset.done @!p0 $0x0  }
0x88: {  	[sflag:s2] =	ssyncadd.s32 @!p0 $0xFFFFF000  }
0x89: {  	_ =	swait.ge @!p0 [sflag:s2], $0x1000  }
0x8a: {  	s3 =	sor.u32 $0x200400, s6;
	[sflag:s2] =	ssyncset.done @!p0 $0x0  }
0x8b: {  	s28 =	sadd.s32 s1, s3;
	[sflag:s2] =	ssyncadd.s32 @!p0 $0xFFFFF000;
	s2 =	simm.s32 @!p0 $0x10  }
0x8c: {  	[tilespmem:s25], [sflag:$0x7] =	stream.linear.gather [hbm4b:s28+s5], $0x2000, $0x38;
	[tilespmem:$0x14000] =	vst v63  }
0x8d: {  	_ =	swait.ge @!p0 [sflag:s2], $0x1000  }
0x8e: {  	[sflag:s2] =	ssyncset.done @!p0 $0x0  }
0x8f: {  	[sflag:s2] =	ssyncadd.s32 @!p0 $0xFFFFF000  }
0x90: {  	_ =	swait.ge @!p0 [sflag:s2], $0x1000  }
0x91: {  	s22 =	simm.s32 $0x11;
	s18 =	sor.u32 $0x300400, s6;
	[sflag:s2] =	ssyncset.done @!p0 $0x0  }
0x92: {  	s0 =	sadd.s32 s1, s18;
	s17 =	simm.s32 $0x0;
	[sflag:s2] =	ssyncadd.s32 @!p0 $0xFFFFF000  }
0x93: {  	[tilespmem:s24], [sflag:$0x8] =	stream.linear.gather [hbm4b:s0+s17], $0x2000, $0x38;
	[tilespmem:$0x14000] =	vst v63  }
0x94: {  	_ =	swait.ge [sflag:s22], $0x2000  }
0x95: {  	[sflag:s22] =	ssyncset.done $0x0  }
0x96: {  	s24 =	simm.s32 $0x1;
	[sflag:s22] =	ssyncadd.s32 $0xFFFFE000  }
0x97: {  	s25 =	sand.u32 $0x1C00, s17;
	_ =	swait.ge [sflag:s24], $0x2000  }
0x98: {  	s22 =	sor.u32 s25, s17;
	[sflag:s24] =	ssyncset.done $0x0  }
0x99: {  	s26 =	sor.u32 $0x70, s22;
	[sflag:s24] =	ssyncadd.s32 $0xFFFFE000  }
0x9a: {  	s28 =	sand.u32 $0x180, s17;
	v0 =	vld [tilespmem:s26+$0x0]  }
0x9b: {  	s22 =	sor.u32 s28, s25;
	v1 =	vld [tilespmem:s26+$0x10000]  }
0x9c: {  	v2 =	vld [tilespmem:s22+$0x0]  }
0x9d: {  	v3 =	vld [tilespmem:s22+$0x10000]  }
0x9e: {  	v4 =	vld [tilespmem:s22+$0x10]  }
0x9f: {  	v5 =	vld [tilespmem:s22+$0x10010]  }
0xa0: {  	v6 =	vld [tilespmem:s22+$0x20]  }
0xa1: {  	v7 =	vld [tilespmem:s22+$0x10020]  }
0xa2: {  	v1 =	vadd.f32 v1, v0;
	v0 =	vld [tilespmem:s22+$0x30]  }
0xa3: {  	v2 =	vadd.f32 v3, v2;
	v3 =	vld [tilespmem:s22+$0x10030]  }
0xa4: {  	v4 =	vadd.f32 v5, v4;
	[tilespmem:s26+$0x0] =	vst v1;
	v1 =	vld [tilespmem:s22+$0x40]  }
0xa5: {  	[tilespmem:s22+$0x0] =	vst v2;
	v2 =	vld [tilespmem:s22+$0x10040]  }
0xa6: {  	s2 =	sshll.u32 s30, $0x1;
	s25 =	simm.s32 $0x400;
	s24 =	simm.s32 $0x0;
	v5 =	vadd.f32 v7, v6;
	[tilespmem:s22+$0x10] =	vst v4;
	v4 =	vld [tilespmem:s22+$0x50]  }
.LBB2_3:
0xa7: {  	s26 =	sand.u32 $0x1C00, s25;
	v6 =	vld [tilespmem:s22+$0x10050];
	s17 =	sadd.s32 $0x10, s17  }
0xa8: {  	s24 =	sadd.s32 $0x8, s24;
	s28 =	sand.u32 $0x180, s17;
	s0 =	sor.u32 s26, s17;
	[tilespmem:s22+$0x20] =	vst v5;
	v0 =	vadd.f32 v3, v0;
	v3 =	vld [tilespmem:s22+$0x60]  }
0xa9: {  	p0 =	slt.u32 s24, $0xF8;
	s26 =	sor.u32 s28, s26;
	s0 =	sor.u32 $0x70, s0;
	v5 =	vld [tilespmem:s22+$0x10060]  }
0xaa: {  	v7 =	vld [tilespmem:s0+$0x0];
	[tilespmem:s22+$0x30] =	vst v0;
	v0 =	vadd.f32 v2, v1  }
0xab: {  	v1 =	vld [tilespmem:s0+$0x10000]  }
0xac: {  	v2 =	vld [tilespmem:s26+$0x0];
	[tilespmem:s22+$0x40] =	vst v0;
	v0 =	vadd.f32 v6, v4  }
0xad: {  	v4 =	vld [tilespmem:s26+$0x10000]  }
0xae: {  	v6 =	vld [tilespmem:s26+$0x10];
	[tilespmem:s22+$0x50] =	vst v0;
	v0 =	vadd.f32 v5, v3  }
0xaf: {  	v5 =	vld [tilespmem:s26+$0x10010]  }
0xb0: {  	v8 =	vld [tilespmem:s26+$0x20];
	v1 =	vadd.f32 v1, v7;
	[tilespmem:s22+$0x60] =	vst v0;
	s22 =	smov.u32 s26  }
0xb1: {  	v7 =	vld [tilespmem:s22+$0x10020]  }
.Ltmp2:
0xb2: {  	v2 =	vadd.f32 v4, v2;
	v0 =	vld [tilespmem:s22+$0x30];
	[tilespmem:s0+$0x0] =	vst v1;
	(pc) =	sbr.rel @p0 .LBB2_3-.Ltmp2, $4  }
0xb3: {  	v3 =	vld [tilespmem:s22+$0x10030]  }
0xb4: {  	[tilespmem:s22+$0x0] =	vst v2;
	v4 =	vadd.f32 v5, v6;
	v1 =	vld [tilespmem:s22+$0x40]  }
0xb5: {  	v2 =	vld [tilespmem:s22+$0x10040]  }
0xb6: {  	s25 =	sadd.s32 $0x400, s25;
	[tilespmem:s22+$0x10] =	vst v4;
	v5 =	vadd.f32 v7, v8;
	v4 =	vld [tilespmem:s22+$0x50]  }
0xb7: {  	v6 =	vld [tilespmem:s22+$0x10050]  }
0xb8: {  	v7 =	vld [tilespmem:s22+$0x60]  }
0xb9: {  	v8 =	vld [tilespmem:s22+$0x10060];
	_ =	sdelay $0x1  }
0xba: {  	v0 =	vadd.f32 v3, v0  }
0xbb: {  	[tilespmem:s22+$0x20] =	vst v5;
	v1 =	vadd.f32 v2, v1  }
0xbc: {  	[tilespmem:s22+$0x30] =	vst v0;
	v0 =	vadd.f32 v6, v4  }
0xbd: {  	[tilespmem:s22+$0x40] =	vst v1;
	v1 =	vadd.f32 v8, v7  }
0xbe: {  	[tilespmem:s22+$0x50] =	vst v0  }
0xbf: {  	s0 =	sadd.s32 s4, s6;
	[tilespmem:s22+$0x60] =	vst v1  }
0xc0: {  	[hbm4b:s0+s5] =	stream.linear.scatter [tilespmem:s5], [sflag:$0x9], $0x200, $0x38;
	[tilespmem:$0x14000] =	vst v63  }
0xc1: {  	s25 =	simm.s32 $0x400;
	s17 =	sadd.s32 $0x80, s0  }
0xc2: {  	[hbm4b:s17+s5] =	stream.linear.scatter [tilespmem:s25], [sflag:$0x9], $0x200, $0x38;
	[tilespmem:$0x14000] =	vst v63  }
0xc3: {  	s28 =	simm.s32 $0x800;
	s26 =	sadd.s32 $0x100, s0  }
0xc4: {  	[hbm4b:s26+s5] =	stream.linear.scatter [tilespmem:s28], [sflag:$0x9], $0x200, $0x38;
	[tilespmem:$0x14000] =	vst v63  }
0xc5: {  	s24 =	sadd.s32 $0x180, s0;
	s25 =	simm.s32 $0xC00  }
0xc6: {  	[hbm4b:s24+s5] =	stream.linear.scatter [tilespmem:s25], [sflag:$0x9], $0x200, $0x38;
	[tilespmem:$0x14000] =	vst v63  }
0xc7: {  	s26 =	sadd.s32 $0x200, s0;
	s28 =	simm.s32 $0x1000  }
0xc8: {  	[hbm4b:s26+s5] =	stream.linear.scatter [tilespmem:s28], [sflag:$0x9], $0x200, $0x38;
	[tilespmem:$0x14000] =	vst v63  }
0xc9: {  	s24 =	sadd.s32 $0x280, s0;
	s25 =	simm.s32 $0x1400  }
0xca: {  	[hbm4b:s24+s5] =	stream.linear.scatter [tilespmem:s25], [sflag:$0x9], $0x200, $0x38;
	[tilespmem:$0x14000] =	vst v63  }
0xcb: {  	s22 =	simm.s32 $0x200;
	s26 =	sadd.s32 $0x300, s0;
	s28 =	simm.s32 $0x1800  }
0xcc: {  	[hbm4b:s26+s5] =	stream.linear.scatter [tilespmem:s28], [sflag:$0x9], $0x200, $0x38;
	[tilespmem:$0x14000] =	vst v63  }
0xcd: {  	s0 =	sadd.s32 $0x380, s0;
	s24 =	simm.s32 $0x1C00;
	s25 =	simm.s32 $0x8000  }
0xce: {  	[hbm4b:s0+s5] =	stream.linear.scatter [tilespmem:s24], [sflag:$0x9], $0x200, $0x38;
	[tilespmem:$0x14000] =	vst v63  }
0xcf: {  	s28 =	sand.u32 $0x380, s22;
	s0 =	sand.u32 $0x1C00, s25  }
0xd0: {  	s17 =	sor.u32 s28, s0  }
0xd1: {  	v2 =	vld [tilespmem:s17+$0x0]  }
0xd2: {  	s26 =	sor.u32 s0, s22;
	v3 =	vld [tilespmem:s17+$0x10000]  }
0xd3: {  	s24 =	sor.u32 $0x70, s26;
	v5 =	vld [tilespmem:s17+$0x10]  }
0xd4: {  	v0 =	vld [tilespmem:s24+$0x0]  }
0xd5: {  	v1 =	vld [tilespmem:s24+$0x10000]  }
0xd6: {  	v6 =	vld [tilespmem:s17+$0x10010]  }
0xd7: {  	v7 =	vld [tilespmem:s17+$0x20]  }
0xd8: {  	v63 =	vld [tilespmem:s17+$0x10020]  }
0xd9: {  	v4 =	vld [tilespmem:s17+$0x10030];
	v2 =	vadd.f32 v3, v2  }
0xda: {  	v1 =	vadd.f32 v1, v0;
	v0 =	vld [tilespmem:s17+$0x30]  }
0xdb: {  	v3 =	vadd.f32 v6, v5;
	[tilespmem:s17+$0x0] =	vst v2;
	v2 =	vld [tilespmem:s17+$0x10040]  }
0xdc: {  	[tilespmem:s24+$0x0] =	vst v1;
	v1 =	vld [tilespmem:s17+$0x40]  }
0xdd: {  	s25 =	simm.s32 $0x8400;
	v5 =	vadd.f32 v63, v7;
	[tilespmem:s17+$0x10] =	vst v3;
	v3 =	vld [tilespmem:s17+$0x50];
	s24 =	simm.s32 $0x100  }
.LBB2_5:
0xde: {  	s0 =	sand.u32 $0x1C00, s25;
	v6 =	vld [tilespmem:s17+$0x10050];
	s22 =	sadd.s32 $0x10, s22  }
0xdf: {  	s24 =	sadd.s32 $0x8, s24;
	s26 =	sand.u32 $0x380, s22;
	s28 =	sor.u32 s0, s22;
	[tilespmem:s17+$0x20] =	vst v5;
	v0 =	vadd.f32 v4, v0;
	v4 =	vld [tilespmem:s17+$0x60]  }
0xe0: {  	p0 =	slt.u32 s24, $0x1F8;
	s0 =	sor.u32 s26, s0;
	s26 =	sor.u32 $0x70, s28;
	v5 =	vld [tilespmem:s17+$0x10060]  }
0xe1: {  	v7 =	vld [tilespmem:s26+$0x0];
	[tilespmem:s17+$0x30] =	vst v0;
	v0 =	vadd.f32 v2, v1  }
0xe2: {  	v1 =	vld [tilespmem:s26+$0x10000]  }
0xe3: {  	v2 =	vld [tilespmem:s0+$0x0];
	[tilespmem:s17+$0x40] =	vst v0;
	v0 =	vadd.f32 v6, v3  }
0xe4: {  	v3 =	vld [tilespmem:s0+$0x10000]  }
0xe5: {  	v6 =	vld [tilespmem:s0+$0x10];
	[tilespmem:s17+$0x50] =	vst v0;
	v0 =	vadd.f32 v5, v4  }
0xe6: {  	v5 =	vld [tilespmem:s0+$0x10010]  }
0xe7: {  	v8 =	vld [tilespmem:s0+$0x20];
	v1 =	vadd.f32 v1, v7;
	[tilespmem:s17+$0x60] =	vst v0;
	s17 =	smov.u32 s0  }
0xe8: {  	v7 =	vld [tilespmem:s17+$0x10020]  }
.Ltmp3:
0xe9: {  	v2 =	vadd.f32 v3, v2;
	v0 =	vld [tilespmem:s17+$0x30];
	[tilespmem:s26+$0x0] =	vst v1;
	(pc) =	sbr.rel @p0 .LBB2_5-.Ltmp3, $4  }
0xea: {  	v4 =	vld [tilespmem:s17+$0x10030]  }
0xeb: {  	[tilespmem:s17+$0x0] =	vst v2;
	v3 =	vadd.f32 v5, v6;
	v1 =	vld [tilespmem:s17+$0x40]  }
0xec: {  	v2 =	vld [tilespmem:s17+$0x10040]  }
0xed: {  	s25 =	sadd.s32 $0x400, s25;
	[tilespmem:s17+$0x10] =	vst v3;
	v5 =	vadd.f32 v7, v8;
	v3 =	vld [tilespmem:s17+$0x50]  }
0xee: {  	v6 =	vld [tilespmem:s17+$0x10050]  }
0xef: {  	v7 =	vld [tilespmem:s17+$0x60]  }
0xf0: {  	v8 =	vld [tilespmem:s17+$0x10060];
	_ =	sdelay $0x1  }
0xf1: {  	v0 =	vadd.f32 v4, v0  }
0xf2: {  	[tilespmem:s17+$0x20] =	vst v5;
	v1 =	vadd.f32 v2, v1  }
0xf3: {  	[tilespmem:s17+$0x30] =	vst v0;
	v0 =	vadd.f32 v6, v3  }
0xf4: {  	[tilespmem:s17+$0x40] =	vst v1;
	v1 =	vadd.f32 v8, v7  }
0xf5: {  	[tilespmem:s17+$0x50] =	vst v0  }
0xf6: {  	s0 =	sadd.s32 s6, s11;
	s22 =	simm.s32 $0x200;
	[tilespmem:s17+$0x60] =	vst v1;
	s17 =	simm.s32 $0x0  }
0xf7: {  	[hbm4b:s0+s17] =	stream.linear.scatter [tilespmem:s22], [sflag:$0x9], $0x200, $0x38;
	[tilespmem:$0x14000] =	vst v63  }
0xf8: {  	s24 =	simm.s32 $0x600;
	s28 =	sadd.s32 $0x80, s0  }
0xf9: {  	[hbm4b:s28+s17] =	stream.linear.scatter [tilespmem:s24], [sflag:$0x9], $0x200, $0x38;
	[tilespmem:$0x14000] =	vst v63  }
0xfa: {  	s25 =	simm.s32 $0xA00;
	s24 =	sadd.s32 $0x100, s0  }
0xfb: {  	[hbm4b:s24+s17] =	stream.linear.scatter [tilespmem:s25], [sflag:$0x9], $0x200, $0x38;
	[tilespmem:$0x14000] =	vst v63  }
0xfc: {  	s26 =	sadd.s32 $0x180, s0;
	s28 =	simm.s32 $0xE00  }
0xfd: {  	[hbm4b:s26+s17] =	stream.linear.scatter [tilespmem:s28], [sflag:$0x9], $0x200, $0x38;
	[tilespmem:$0x14000] =	vst v63  }
0xfe: {  	s24 =	sadd.s32 $0x200, s0;
	s25 =	simm.s32 $0x1200  }
0xff: {  	[hbm4b:s24+s17] =	stream.linear.scatter [tilespmem:s25], [sflag:$0x9], $0x200, $0x38;
	[tilespmem:$0x14000] =	vst v63  }
0x100: {  	s26 =	sadd.s32 $0x280, s0;
	s28 =	simm.s32 $0x1600  }
0x101: {  	[hbm4b:s26+s17] =	stream.linear.scatter [tilespmem:s28], [sflag:$0x9], $0x200, $0x38;
	[tilespmem:$0x14000] =	vst v63  }
0x102: {  	s25 =	sadd.s32 $0x300, s0;
	s26 =	simm.s32 $0x1A00  }
0x103: {  	[hbm4b:s25+s17] =	stream.linear.scatter [tilespmem:s26], [sflag:$0x9], $0x200, $0x38;
	[tilespmem:$0x14000] =	vst v63  }
0x104: {  	s22 =	simm.s32 $0x2;
	s0 =	sadd.s32 $0x380, s0;
	s28 =	simm.s32 $0x1E00  }
0x105: {  	[hbm4b:s0+s17] =	stream.linear.scatter [tilespmem:s28], [sflag:$0x9], $0x200, $0x38;
	[tilespmem:$0x14000] =	vst v63  }
0x106: {  	s0 =	sand.u32 $0x1C00, s17;
	_ =	swait.ge [sflag:s22], $0x2000  }
0x107: {  	s25 =	sor.u32 s0, s17;
	[sflag:s22] =	ssyncset.done $0x0  }
0x108: {  	s26 =	sor.u32 $0x70, s25;
	[sflag:s22] =	ssyncadd.s32 $0xFFFFE000  }
0x109: {  	s28 =	sand.u32 $0x180, s17;
	v0 =	vld [tilespmem:s26+$0x2000]  }
0x10a: {  	s22 =	sor.u32 s28, s0;
	v1 =	vld [tilespmem:s26+$0x10000]  }
0x10b: {  	v2 =	vld [tilespmem:s22+$0x2000]  }
0x10c: {  	v3 =	vld [tilespmem:s22+$0x10000]  }
0x10d: {  	v5 =	vld [tilespmem:s22+$0x2010]  }
0x10e: {  	v6 =	vld [tilespmem:s22+$0x10010]  }
0x10f: {  	v7 =	vld [tilespmem:s22+$0x2020]  }
0x110: {  	v63 =	vld [tilespmem:s22+$0x10020]  }
0x111: {  	v4 =	vld [tilespmem:s22+$0x10030];
	v1 =	vadd.f32 v1, v0  }
0x112: {  	v0 =	vld [tilespmem:s22+$0x2030];
	v2 =	vadd.f32 v3, v2  }
0x113: {  	v3 =	vadd.f32 v6, v5;
	[tilespmem:s26+$0x2000] =	vst v1;
	v1 =	vld [tilespmem:s22+$0x2040]  }
0x114: {  	[tilespmem:s22+$0x2000] =	vst v2;
	v2 =	vld [tilespmem:s22+$0x10040]  }
0x115: {  	s24 =	simm.s32 $0x0;
	s25 =	simm.s32 $0x400;
	v5 =	vadd.f32 v63, v7;
	[tilespmem:s22+$0x2010] =	vst v3;
	v3 =	vld [tilespmem:s22+$0x2050]  }
.LBB2_7:
0x116: {  	s0 =	sand.u32 $0x1C00, s25;
	v6 =	vld [tilespmem:s22+$0x10050];
	s17 =	sadd.s32 $0x10, s17  }
0x117: {  	s24 =	sadd.s32 $0x8, s24;
	s26 =	sand.u32 $0x180, s17;
	s28 =	sor.u32 s0, s17;
	[tilespmem:s22+$0x2020] =	vst v5;
	v0 =	vadd.f32 v4, v0;
	v4 =	vld [tilespmem:s22+$0x2060]  }
0x118: {  	p0 =	slt.u32 s24, $0xF8;
	s0 =	sor.u32 s26, s0;
	s26 =	sor.u32 $0x70, s28;
	v5 =	vld [tilespmem:s22+$0x10060]  }
0x119: {  	v7 =	vld [tilespmem:s26+$0x2000];
	[tilespmem:s22+$0x2030] =	vst v0;
	v0 =	vadd.f32 v2, v1  }
0x11a: {  	v1 =	vld [tilespmem:s26+$0x10000]  }
0x11b: {  	v2 =	vld [tilespmem:s0+$0x2000];
	[tilespmem:s22+$0x2040] =	vst v0;
	v0 =	vadd.f32 v6, v3  }
0x11c: {  	v3 =	vld [tilespmem:s0+$0x10000]  }
0x11d: {  	v6 =	vld [tilespmem:s0+$0x2010];
	[tilespmem:s22+$0x2050] =	vst v0;
	v0 =	vadd.f32 v5, v4  }
0x11e: {  	v5 =	vld [tilespmem:s0+$0x10010]  }
0x11f: {  	v8 =	vld [tilespmem:s0+$0x2020];
	v1 =	vadd.f32 v1, v7;
	[tilespmem:s22+$0x2060] =	vst v0;
	s22 =	smov.u32 s0  }
0x120: {  	v7 =	vld [tilespmem:s22+$0x10020]  }
.Ltmp4:
0x121: {  	v2 =	vadd.f32 v3, v2;
	v0 =	vld [tilespmem:s22+$0x2030];
	[tilespmem:s26+$0x2000] =	vst v1;
	(pc) =	sbr.rel @p0 .LBB2_7-.Ltmp4, $4  }
0x122: {  	v4 =	vld [tilespmem:s22+$0x10030]  }
0x123: {  	[tilespmem:s22+$0x2000] =	vst v2;
	v3 =	vadd.f32 v5, v6;
	v1 =	vld [tilespmem:s22+$0x2040]  }
0x124: {  	v2 =	vld [tilespmem:s22+$0x10040]  }
0x125: {  	s25 =	sadd.s32 $0x400, s25;
	[tilespmem:s22+$0x2010] =	vst v3;
	v5 =	vadd.f32 v7, v8;
	v3 =	vld [tilespmem:s22+$0x2050]  }
0x126: {  	v6 =	vld [tilespmem:s22+$0x10050]  }
0x127: {  	v7 =	vld [tilespmem:s22+$0x2060]  }
0x128: {  	v8 =	vld [tilespmem:s22+$0x10060];
	_ =	sdelay $0x1  }
0x129: {  	v0 =	vadd.f32 v4, v0  }
0x12a: {  	[tilespmem:s22+$0x2020] =	vst v5;
	v1 =	vadd.f32 v2, v1  }
0x12b: {  	[tilespmem:s22+$0x2030] =	vst v0;
	v0 =	vadd.f32 v6, v3  }
0x12c: {  	[tilespmem:s22+$0x2040] =	vst v1;
	v1 =	vadd.f32 v8, v7  }
0x12d: {  	[tilespmem:s22+$0x2050] =	vst v0  }
0x12e: {  	s0 =	sadd.s32 s6, s12;
	s17 =	simm.s32 $0x2000;
	[tilespmem:s22+$0x2060] =	vst v1  }
0x12f: {  	[hbm4b:s0+s5] =	stream.linear.scatter [tilespmem:s17], [sflag:$0xA], $0x200, $0x38;
	[tilespmem:$0x14000] =	vst v63  }
0x130: {  	s25 =	simm.s32 $0x2400;
	s24 =	sadd.s32 $0x80, s0  }
0x131: {  	[hbm4b:s24+s5] =	stream.linear.scatter [tilespmem:s25], [sflag:$0xA], $0x200, $0x38;
	[tilespmem:$0x14000] =	vst v63  }
0x132: {  	s28 =	simm.s32 $0x2800;
	s26 =	sadd.s32 $0x100, s0  }
0x133: {  	[hbm4b:s26+s5] =	stream.linear.scatter [tilespmem:s28], [sflag:$0xA], $0x200, $0x38;
	[tilespmem:$0x14000] =	vst v63  }
0x134: {  	s24 =	sadd.s32 $0x180, s0;
	s25 =	simm.s32 $0x2C00  }
0x135: {  	[hbm4b:s24+s5] =	stream.linear.scatter [tilespmem:s25], [sflag:$0xA], $0x200, $0x38;
	[tilespmem:$0x14000] =	vst v63  }
0x136: {  	s26 =	sadd.s32 $0x200, s0;
	s28 =	simm.s32 $0x3000  }
0x137: {  	[hbm4b:s26+s5] =	stream.linear.scatter [tilespmem:s28], [sflag:$0xA], $0x200, $0x38;
	[tilespmem:$0x14000] =	vst v63  }
0x138: {  	s24 =	sadd.s32 $0x280, s0;
	s25 =	simm.s32 $0x3400  }
0x139: {  	[hbm4b:s24+s5] =	stream.linear.scatter [tilespmem:s25], [sflag:$0xA], $0x200, $0x38;
	[tilespmem:$0x14000] =	vst v63  }
0x13a: {  	s22 =	simm.s32 $0x200;
	s26 =	sadd.s32 $0x300, s0;
	s28 =	simm.s32 $0x3800  }
0x13b: {  	[hbm4b:s26+s5] =	stream.linear.scatter [tilespmem:s28], [sflag:$0xA], $0x200, $0x38;
	[tilespmem:$0x14000] =	vst v63  }
0x13c: {  	s0 =	sadd.s32 $0x380, s0;
	s24 =	simm.s32 $0x3C00;
	s25 =	simm.s32 $0x8000  }
0x13d: {  	[hbm4b:s0+s5] =	stream.linear.scatter [tilespmem:s24], [sflag:$0xA], $0x200, $0x38;
	[tilespmem:$0x14000] =	vst v63  }
0x13e: {  	s28 =	sand.u32 $0x380, s22;
	s0 =	sand.u32 $0x1C00, s25  }
0x13f: {  	s17 =	sor.u32 s28, s0  }
0x140: {  	v2 =	vld [tilespmem:s17+$0x2000]  }
0x141: {  	s26 =	sor.u32 s0, s22;
	v3 =	vld [tilespmem:s17+$0x10000]  }
0x142: {  	s24 =	sor.u32 $0x70, s26;
	v5 =	vld [tilespmem:s17+$0x2010]  }
0x143: {  	v0 =	vld [tilespmem:s24+$0x2000]  }
0x144: {  	v1 =	vld [tilespmem:s24+$0x10000]  }
0x145: {  	v6 =	vld [tilespmem:s17+$0x10010]  }
0x146: {  	v7 =	vld [tilespmem:s17+$0x2020]  }
0x147: {  	v63 =	vld [tilespmem:s17+$0x10020]  }
0x148: {  	v4 =	vld [tilespmem:s17+$0x10030];
	v2 =	vadd.f32 v3, v2  }
0x149: {  	v1 =	vadd.f32 v1, v0;
	v0 =	vld [tilespmem:s17+$0x2030]  }
0x14a: {  	v3 =	vadd.f32 v6, v5;
	[tilespmem:s17+$0x2000] =	vst v2;
	v2 =	vld [tilespmem:s17+$0x10040]  }
0x14b: {  	[tilespmem:s24+$0x2000] =	vst v1;
	v1 =	vld [tilespmem:s17+$0x2040]  }
0x14c: {  	s25 =	simm.s32 $0x8400;
	v5 =	vadd.f32 v63, v7;
	[tilespmem:s17+$0x2010] =	vst v3;
	v3 =	vld [tilespmem:s17+$0x2050];
	s24 =	simm.s32 $0x100  }
.LBB2_9:
0x14d: {  	s0 =	sand.u32 $0x1C00, s25;
	v6 =	vld [tilespmem:s17+$0x10050];
	s22 =	sadd.s32 $0x10, s22  }
0x14e: {  	s24 =	sadd.s32 $0x8, s24;
	s26 =	sand.u32 $0x380, s22;
	s28 =	sor.u32 s0, s22;
	[tilespmem:s17+$0x2020] =	vst v5;
	v0 =	vadd.f32 v4, v0;
	v4 =	vld [tilespmem:s17+$0x2060]  }
0x14f: {  	p0 =	slt.u32 s24, $0x1F8;
	s0 =	sor.u32 s26, s0;
	s26 =	sor.u32 $0x70, s28;
	v5 =	vld [tilespmem:s17+$0x10060]  }
0x150: {  	v7 =	vld [tilespmem:s26+$0x2000];
	[tilespmem:s17+$0x2030] =	vst v0;
	v0 =	vadd.f32 v2, v1  }
0x151: {  	v1 =	vld [tilespmem:s26+$0x10000]  }
0x152: {  	v2 =	vld [tilespmem:s0+$0x2000];
	[tilespmem:s17+$0x2040] =	vst v0;
	v0 =	vadd.f32 v6, v3  }
0x153: {  	v3 =	vld [tilespmem:s0+$0x10000]  }
0x154: {  	v6 =	vld [tilespmem:s0+$0x2010];
	[tilespmem:s17+$0x2050] =	vst v0;
	v0 =	vadd.f32 v5, v4  }
0x155: {  	v5 =	vld [tilespmem:s0+$0x10010]  }
0x156: {  	v8 =	vld [tilespmem:s0+$0x2020];
	v1 =	vadd.f32 v1, v7;
	[tilespmem:s17+$0x2060] =	vst v0;
	s17 =	smov.u32 s0  }
0x157: {  	v7 =	vld [tilespmem:s17+$0x10020]  }
.Ltmp5:
0x158: {  	v2 =	vadd.f32 v3, v2;
	v0 =	vld [tilespmem:s17+$0x2030];
	[tilespmem:s26+$0x2000] =	vst v1;
	(pc) =	sbr.rel @p0 .LBB2_9-.Ltmp5, $4  }
0x159: {  	v4 =	vld [tilespmem:s17+$0x10030]  }
0x15a: {  	[tilespmem:s17+$0x2000] =	vst v2;
	v3 =	vadd.f32 v5, v6;
	v1 =	vld [tilespmem:s17+$0x2040]  }
0x15b: {  	v2 =	vld [tilespmem:s17+$0x10040]  }
0x15c: {  	s25 =	sadd.s32 $0x400, s25;
	[tilespmem:s17+$0x2010] =	vst v3;
	v5 =	vadd.f32 v7, v8;
	v3 =	vld [tilespmem:s17+$0x2050]  }
0x15d: {  	v6 =	vld [tilespmem:s17+$0x10050]  }
0x15e: {  	v7 =	vld [tilespmem:s17+$0x2060]  }
0x15f: {  	v8 =	vld [tilespmem:s17+$0x10060];
	_ =	sdelay $0x1  }
0x160: {  	v0 =	vadd.f32 v4, v0  }
0x161: {  	[tilespmem:s17+$0x2020] =	vst v5;
	v1 =	vadd.f32 v2, v1  }
0x162: {  	[tilespmem:s17+$0x2030] =	vst v0;
	v0 =	vadd.f32 v6, v3  }
0x163: {  	[tilespmem:s17+$0x2040] =	vst v1;
	v1 =	vadd.f32 v8, v7  }
0x164: {  	[tilespmem:s17+$0x2050] =	vst v0  }
0x165: {  	s0 =	sadd.s32 s6, s13;
	s22 =	simm.s32 $0x2200;
	[tilespmem:s17+$0x2060] =	vst v1;
	s17 =	simm.s32 $0x0  }
0x166: {  	[hbm4b:s0+s17] =	stream.linear.scatter [tilespmem:s22], [sflag:$0xA], $0x200, $0x38;
	[tilespmem:$0x14000] =	vst v63  }
0x167: {  	s24 =	simm.s32 $0x2600;
	s28 =	sadd.s32 $0x80, s0  }
0x168: {  	[hbm4b:s28+s17] =	stream.linear.scatter [tilespmem:s24], [sflag:$0xA], $0x200, $0x38;
	[tilespmem:$0x14000] =	vst v63  }
0x169: {  	s25 =	simm.s32 $0x2A00;
	s24 =	sadd.s32 $0x100, s0  }
0x16a: {  	[hbm4b:s24+s17] =	stream.linear.scatter [tilespmem:s25], [sflag:$0xA], $0x200, $0x38;
	[tilespmem:$0x14000] =	vst v63  }
0x16b: {  	s26 =	sadd.s32 $0x180, s0;
	s28 =	simm.s32 $0x2E00  }
0x16c: {  	[hbm4b:s26+s17] =	stream.linear.scatter [tilespmem:s28], [sflag:$0xA], $0x200, $0x38;
	[tilespmem:$0x14000] =	vst v63  }
0x16d: {  	s24 =	sadd.s32 $0x200, s0;
	s25 =	simm.s32 $0x3200  }
0x16e: {  	[hbm4b:s24+s17] =	stream.linear.scatter [tilespmem:s25], [sflag:$0xA], $0x200, $0x38;
	[tilespmem:$0x14000] =	vst v63  }
0x16f: {  	s26 =	sadd.s32 $0x280, s0;
	s28 =	simm.s32 $0x3600  }
0x170: {  	[hbm4b:s26+s17] =	stream.linear.scatter [tilespmem:s28], [sflag:$0xA], $0x200, $0x38;
	[tilespmem:$0x14000] =	vst v63  }
0x171: {  	s25 =	sadd.s32 $0x300, s0;
	s26 =	simm.s32 $0x3A00  }
0x172: {  	[hbm4b:s25+s17] =	stream.linear.scatter [tilespmem:s26], [sflag:$0xA], $0x200, $0x38;
	[tilespmem:$0x14000] =	vst v63  }
0x173: {  	s0 =	sadd.s32 $0x380, s0;
	s28 =	simm.s32 $0x3E00  }
0x174: {  	[hbm4b:s0+s17] =	stream.linear.scatter [tilespmem:s28], [sflag:$0xA], $0x200, $0x38;
	[tilespmem:$0x14000] =	vst v63  }
0x175: {  	s24 =	sand.u32 $0x1C00, s17;
	_ =	swait.ge [sflag:s29], $0x2000  }
0x176: {  	s25 =	sor.u32 s24, s17;
	[sflag:s29] =	ssyncset.done $0x0  }
0x177: {  	s26 =	sor.u32 $0x70, s25;
	[sflag:s29] =	ssyncadd.s32 $0xFFFFE000  }
0x178: {  	s28 =	sand.u32 $0x180, s17;
	v0 =	vld [tilespmem:s26+$0x4000]  }
0x179: {  	s22 =	sor.u32 s28, s24;
	v1 =	vld [tilespmem:s26+$0x10000]  }
0x17a: {  	v2 =	vld [tilespmem:s22+$0x4000]  }
0x17b: {  	v3 =	vld [tilespmem:s22+$0x10000]  }
0x17c: {  	v5 =	vld [tilespmem:s22+$0x4010]  }
0x17d: {  	v6 =	vld [tilespmem:s22+$0x10010]  }
0x17e: {  	v7 =	vld [tilespmem:s22+$0x4020]  }
0x17f: {  	v63 =	vld [tilespmem:s22+$0x10020]  }
0x180: {  	v4 =	vld [tilespmem:s22+$0x10030];
	v1 =	vadd.f32 v1, v0  }
0x181: {  	v0 =	vld [tilespmem:s22+$0x4030];
	v2 =	vadd.f32 v3, v2  }
0x182: {  	v3 =	vadd.f32 v6, v5;
	[tilespmem:s26+$0x4000] =	vst v1;
	v1 =	vld [tilespmem:s22+$0x4040]  }
0x183: {  	[tilespmem:s22+$0x4000] =	vst v2;
	v2 =	vld [tilespmem:s22+$0x10040]  }
0x184: {  	s25 =	simm.s32 $0x400;
	s24 =	simm.s32 $0x0;
	v5 =	vadd.f32 v63, v7;
	[tilespmem:s22+$0x4010] =	vst v3;
	v3 =	vld [tilespmem:s22+$0x4050]  }
.LBB2_11:
0x185: {  	s0 =	sand.u32 $0x1C00, s25;
	v6 =	vld [tilespmem:s22+$0x10050];
	s17 =	sadd.s32 $0x10, s17  }
0x186: {  	s24 =	sadd.s32 $0x8, s24;
	s26 =	sand.u32 $0x180, s17;
	s28 =	sor.u32 s0, s17;
	[tilespmem:s22+$0x4020] =	vst v5;
	v0 =	vadd.f32 v4, v0;
	v4 =	vld [tilespmem:s22+$0x4060]  }
0x187: {  	p0 =	slt.u32 s24, $0xF8;
	s0 =	sor.u32 s26, s0;
	s26 =	sor.u32 $0x70, s28;
	v5 =	vld [tilespmem:s22+$0x10060]  }
0x188: {  	v7 =	vld [tilespmem:s26+$0x4000];
	[tilespmem:s22+$0x4030] =	vst v0;
	v0 =	vadd.f32 v2, v1  }
0x189: {  	v1 =	vld [tilespmem:s26+$0x10000]  }
0x18a: {  	v2 =	vld [tilespmem:s0+$0x4000];
	[tilespmem:s22+$0x4040] =	vst v0;
	v0 =	vadd.f32 v6, v3  }
0x18b: {  	v3 =	vld [tilespmem:s0+$0x10000]  }
0x18c: {  	v6 =	vld [tilespmem:s0+$0x4010];
	[tilespmem:s22+$0x4050] =	vst v0;
	v0 =	vadd.f32 v5, v4  }
0x18d: {  	v5 =	vld [tilespmem:s0+$0x10010]  }
0x18e: {  	v8 =	vld [tilespmem:s0+$0x4020];
	v1 =	vadd.f32 v1, v7;
	[tilespmem:s22+$0x4060] =	vst v0;
	s22 =	smov.u32 s0  }
0x18f: {  	v7 =	vld [tilespmem:s22+$0x10020]  }
.Ltmp6:
0x190: {  	v2 =	vadd.f32 v3, v2;
	v0 =	vld [tilespmem:s22+$0x4030];
	[tilespmem:s26+$0x4000] =	vst v1;
	(pc) =	sbr.rel @p0 .LBB2_11-.Ltmp6, $4  }
0x191: {  	v4 =	vld [tilespmem:s22+$0x10030]  }
0x192: {  	[tilespmem:s22+$0x4000] =	vst v2;
	v3 =	vadd.f32 v5, v6;
	v1 =	vld [tilespmem:s22+$0x4040]  }
0x193: {  	v2 =	vld [tilespmem:s22+$0x10040]  }
0x194: {  	s25 =	sadd.s32 $0x400, s25;
	[tilespmem:s22+$0x4010] =	vst v3;
	v5 =	vadd.f32 v7, v8;
	v3 =	vld [tilespmem:s22+$0x4050]  }
0x195: {  	v6 =	vld [tilespmem:s22+$0x10050]  }
0x196: {  	v7 =	vld [tilespmem:s22+$0x4060]  }
0x197: {  	v8 =	vld [tilespmem:s22+$0x10060];
	_ =	sdelay $0x1  }
0x198: {  	v0 =	vadd.f32 v4, v0  }
0x199: {  	[tilespmem:s22+$0x4020] =	vst v5;
	v1 =	vadd.f32 v2, v1  }
0x19a: {  	[tilespmem:s22+$0x4030] =	vst v0;
	v0 =	vadd.f32 v6, v3  }
0x19b: {  	[tilespmem:s22+$0x4040] =	vst v1;
	v1 =	vadd.f32 v8, v7  }
0x19c: {  	[tilespmem:s22+$0x4050] =	vst v0  }
0x19d: {  	s0 =	sadd.s32 s4, s15;
	s28 =	simm.s32 $0x4000;
	[tilespmem:s22+$0x4060] =	vst v1  }
0x19e: {  	[hbm4b:s0+s5] =	stream.linear.scatter [tilespmem:s28], [sflag:$0xB], $0x200, $0x38;
	[tilespmem:$0x14000] =	vst v63  }
0x19f: {  	s17 =	simm.s32 $0x4400;
	s15 =	sadd.s32 $0x80, s0  }
0x1a0: {  	[hbm4b:s15+s5] =	stream.linear.scatter [tilespmem:s17], [sflag:$0xB], $0x200, $0x38;
	[tilespmem:$0x14000] =	vst v63  }
0x1a1: {  	s26 =	simm.s32 $0x4800;
	s25 =	sadd.s32 $0x100, s0  }
0x1a2: {  	[hbm4b:s25+s5] =	stream.linear.scatter [tilespmem:s26], [sflag:$0xB], $0x200, $0x38;
	[tilespmem:$0x14000] =	vst v63  }
0x1a3: {  	s24 =	simm.s32 $0x4C00;
	s22 =	sadd.s32 $0x180, s0  }
0x1a4: {  	[hbm4b:s22+s5] =	stream.linear.scatter [tilespmem:s24], [sflag:$0xB], $0x200, $0x38;
	[tilespmem:$0x14000] =	vst v63  }
0x1a5: {  	s25 =	sadd.s32 $0x200, s0;
	s26 =	simm.s32 $0x5000  }
0x1a6: {  	[hbm4b:s25+s5] =	stream.linear.scatter [tilespmem:s26], [sflag:$0xB], $0x200, $0x38;
	[tilespmem:$0x14000] =	vst v63  }
0x1a7: {  	s22 =	sadd.s32 $0x280, s0;
	s24 =	simm.s32 $0x5400  }
0x1a8: {  	[hbm4b:s22+s5] =	stream.linear.scatter [tilespmem:s24], [sflag:$0xB], $0x200, $0x38;
	[tilespmem:$0x14000] =	vst v63  }
0x1a9: {  	s25 =	sadd.s32 $0x300, s0;
	s26 =	simm.s32 $0x5800  }
0x1aa: {  	[hbm4b:s25+s5] =	stream.linear.scatter [tilespmem:s26], [sflag:$0xB], $0x200, $0x38;
	[tilespmem:$0x14000] =	vst v63  }
0x1ab: {  	s17 =	simm.s32 $0x5C00;
	s0 =	sadd.s32 $0x380, s0;
	s22 =	simm.s32 $0x8000  }
0x1ac: {  	[hbm4b:s0+s5] =	stream.linear.scatter [tilespmem:s17], [sflag:$0xB], $0x200, $0x38;
	[tilespmem:$0x14000] =	vst v63  }
0x1ad: {  	s17 =	simm.s32 $0x200;
	s0 =	sand.u32 $0x1C00, s22  }
0x1ae: {  	s24 =	sor.u32 s0, s17  }
0x1af: {  	s25 =	sor.u32 $0x70, s24  }
0x1b0: {  	s26 =	sand.u32 $0x380, s17;
	v0 =	vld [tilespmem:s25+$0x4000]  }
0x1b1: {  	s15 =	sor.u32 s26, s0;
	v1 =	vld [tilespmem:s25+$0x10000]  }
0x1b2: {  	v2 =	vld [tilespmem:s15+$0x4000]  }
0x1b3: {  	v3 =	vld [tilespmem:s15+$0x10000]  }
0x1b4: {  	v5 =	vld [tilespmem:s15+$0x4010]  }
0x1b5: {  	v6 =	vld [tilespmem:s15+$0x10010]  }
0x1b6: {  	v7 =	vld [tilespmem:s15+$0x4020]  }
0x1b7: {  	v63 =	vld [tilespmem:s15+$0x10020]  }
0x1b8: {  	v4 =	vld [tilespmem:s15+$0x10030];
	v1 =	vadd.f32 v1, v0  }
0x1b9: {  	v0 =	vld [tilespmem:s15+$0x4030];
	v2 =	vadd.f32 v3, v2  }
0x1ba: {  	v3 =	vadd.f32 v6, v5;
	[tilespmem:s25+$0x4000] =	vst v1;
	v1 =	vld [tilespmem:s15+$0x4040]  }
0x1bb: {  	[tilespmem:s15+$0x4000] =	vst v2;
	v2 =	vld [tilespmem:s15+$0x10040]  }
0x1bc: {  	s22 =	simm.s32 $0x100;
	s24 =	simm.s32 $0x8400;
	v5 =	vadd.f32 v63, v7;
	[tilespmem:s15+$0x4010] =	vst v3;
	v3 =	vld [tilespmem:s15+$0x4050]  }
.LBB2_13:
0x1bd: {  	s0 =	sand.u32 $0x1C00, s24;
	v6 =	vld [tilespmem:s15+$0x10050];
	s17 =	sadd.s32 $0x10, s17  }
0x1be: {  	s22 =	sadd.s32 $0x8, s22;
	s25 =	sand.u32 $0x380, s17;
	s26 =	sor.u32 s0, s17;
	[tilespmem:s15+$0x4020] =	vst v5;
	v0 =	vadd.f32 v4, v0;
	v4 =	vld [tilespmem:s15+$0x4060]  }
0x1bf: {  	p0 =	slt.u32 s22, $0x1F8;
	s0 =	sor.u32 s25, s0;
	s25 =	sor.u32 $0x70, s26;
	v5 =	vld [tilespmem:s15+$0x10060]  }
0x1c0: {  	v7 =	vld [tilespmem:s25+$0x4000];
	[tilespmem:s15+$0x4030] =	vst v0;
	v0 =	vadd.f32 v2, v1  }
0x1c1: {  	v1 =	vld [tilespmem:s25+$0x10000]  }
0x1c2: {  	v2 =	vld [tilespmem:s0+$0x4000];
	[tilespmem:s15+$0x4040] =	vst v0;
	v0 =	vadd.f32 v6, v3  }
0x1c3: {  	v3 =	vld [tilespmem:s0+$0x10000]  }
0x1c4: {  	v6 =	vld [tilespmem:s0+$0x4010];
	[tilespmem:s15+$0x4050] =	vst v0;
	v0 =	vadd.f32 v5, v4  }
0x1c5: {  	v5 =	vld [tilespmem:s0+$0x10010]  }
0x1c6: {  	v8 =	vld [tilespmem:s0+$0x4020];
	v1 =	vadd.f32 v1, v7;
	[tilespmem:s15+$0x4060] =	vst v0;
	s15 =	smov.u32 s0  }
0x1c7: {  	v7 =	vld [tilespmem:s15+$0x10020]  }
.Ltmp7:
0x1c8: {  	v2 =	vadd.f32 v3, v2;
	v0 =	vld [tilespmem:s15+$0x4030];
	[tilespmem:s25+$0x4000] =	vst v1;
	(pc) =	sbr.rel @p0 .LBB2_13-.Ltmp7, $4  }
0x1c9: {  	v4 =	vld [tilespmem:s15+$0x10030]  }
0x1ca: {  	[tilespmem:s15+$0x4000] =	vst v2;
	v3 =	vadd.f32 v5, v6;
	v1 =	vld [tilespmem:s15+$0x4040]  }
0x1cb: {  	v2 =	vld [tilespmem:s15+$0x10040]  }
0x1cc: {  	s24 =	sadd.s32 $0x400, s24;
	[tilespmem:s15+$0x4010] =	vst v3;
	v5 =	vadd.f32 v7, v8;
	v3 =	vld [tilespmem:s15+$0x4050]  }
0x1cd: {  	v6 =	vld [tilespmem:s15+$0x10050]  }
0x1ce: {  	v7 =	vld [tilespmem:s15+$0x4060]  }
0x1cf: {  	v8 =	vld [tilespmem:s15+$0x10060];
	_ =	sdelay $0x1  }
0x1d0: {  	v0 =	vadd.f32 v4, v0  }
0x1d1: {  	[tilespmem:s15+$0x4020] =	vst v5;
	v1 =	vadd.f32 v2, v1  }
0x1d2: {  	[tilespmem:s15+$0x4030] =	vst v0;
	v0 =	vadd.f32 v6, v3  }
0x1d3: {  	[tilespmem:s15+$0x4040] =	vst v1;
	v1 =	vadd.f32 v8, v7  }
0x1d4: {  	[tilespmem:s15+$0x4050] =	vst v0  }
0x1d5: {  	s0 =	sadd.s32 s6, s14;
	s17 =	simm.s32 $0x4200;
	[tilespmem:s15+$0x4060] =	vst v1;
	s15 =	simm.s32 $0x0  }
0x1d6: {  	[hbm4b:s0+s15] =	stream.linear.scatter [tilespmem:s17], [sflag:$0xB], $0x200, $0x38;
	[tilespmem:$0x14000] =	vst v63  }
0x1d7: {  	s22 =	simm.s32 $0x4600;
	s26 =	sadd.s32 $0x80, s0  }
0x1d8: {  	[hbm4b:s26+s15] =	stream.linear.scatter [tilespmem:s22], [sflag:$0xB], $0x200, $0x38;
	[tilespmem:$0x14000] =	vst v63  }
0x1d9: {  	s24 =	simm.s32 $0x4A00;
	s22 =	sadd.s32 $0x100, s0  }
0x1da: {  	[hbm4b:s22+s15] =	stream.linear.scatter [tilespmem:s24], [sflag:$0xB], $0x200, $0x38;
	[tilespmem:$0x14000] =	vst v63  }
0x1db: {  	s25 =	sadd.s32 $0x180, s0;
	s26 =	simm.s32 $0x4E00  }
0x1dc: {  	[hbm4b:s25+s15] =	stream.linear.scatter [tilespmem:s26], [sflag:$0xB], $0x200, $0x38;
	[tilespmem:$0x14000] =	vst v63  }
0x1dd: {  	s22 =	sadd.s32 $0x200, s0;
	s24 =	simm.s32 $0x5200  }
0x1de: {  	[hbm4b:s22+s15] =	stream.linear.scatter [tilespmem:s24], [sflag:$0xB], $0x200, $0x38;
	[tilespmem:$0x14000] =	vst v63  }
0x1df: {  	s25 =	sadd.s32 $0x280, s0;
	s26 =	simm.s32 $0x5600  }
0x1e0: {  	[hbm4b:s25+s15] =	stream.linear.scatter [tilespmem:s26], [sflag:$0xB], $0x200, $0x38;
	[tilespmem:$0x14000] =	vst v63  }
0x1e1: {  	s24 =	sadd.s32 $0x300, s0;
	s25 =	simm.s32 $0x5A00  }
0x1e2: {  	[hbm4b:s24+s15] =	stream.linear.scatter [tilespmem:s25], [sflag:$0xB], $0x200, $0x38;
	[tilespmem:$0x14000] =	vst v63  }
0x1e3: {  	s0 =	sadd.s32 $0x380, s0;
	s26 =	simm.s32 $0x5E00  }
0x1e4: {  	[hbm4b:s0+s15] =	stream.linear.scatter [tilespmem:s26], [sflag:$0xB], $0x200, $0x38;
	[tilespmem:$0x14000] =	vst v63  }
0x1e5: {  	s22 =	sand.u32 $0x1C00, s15;
	_ =	swait.ge [sflag:s7], $0x2000  }
0x1e6: {  	s24 =	sor.u32 s22, s15;
	[sflag:s7] =	ssyncset.done $0x0  }
0x1e7: {  	s25 =	sor.u32 $0x70, s24;
	[sflag:s7] =	ssyncadd.s32 $0xFFFFE000  }
0x1e8: {  	s26 =	sand.u32 $0x180, s15;
	v0 =	vld [tilespmem:s25+$0x6000]  }
0x1e9: {  	s17 =	sor.u32 s26, s22;
	v1 =	vld [tilespmem:s25+$0x10000]  }
0x1ea: {  	v2 =	vld [tilespmem:s17+$0x6000]  }
0x1eb: {  	v3 =	vld [tilespmem:s17+$0x10000]  }
0x1ec: {  	v5 =	vld [tilespmem:s17+$0x6010]  }
0x1ed: {  	v6 =	vld [tilespmem:s17+$0x10010]  }
0x1ee: {  	v7 =	vld [tilespmem:s17+$0x6020]  }
0x1ef: {  	v63 =	vld [tilespmem:s17+$0x10020]  }
0x1f0: {  	v4 =	vld [tilespmem:s17+$0x10030];
	v1 =	vadd.f32 v1, v0  }
0x1f1: {  	v0 =	vld [tilespmem:s17+$0x6030];
	v2 =	vadd.f32 v3, v2  }
0x1f2: {  	v3 =	vadd.f32 v6, v5;
	[tilespmem:s25+$0x6000] =	vst v1;
	v1 =	vld [tilespmem:s17+$0x6040]  }
0x1f3: {  	[tilespmem:s17+$0x6000] =	vst v2;
	v2 =	vld [tilespmem:s17+$0x10040]  }
0x1f4: {  	s24 =	simm.s32 $0x400;
	s22 =	simm.s32 $0x0;
	v5 =	vadd.f32 v63, v7;
	[tilespmem:s17+$0x6010] =	vst v3;
	v3 =	vld [tilespmem:s17+$0x6050]  }
.LBB2_15:
0x1f5: {  	s0 =	sand.u32 $0x1C00, s24;
	v6 =	vld [tilespmem:s17+$0x10050];
	s15 =	sadd.s32 $0x10, s15  }
0x1f6: {  	s22 =	sadd.s32 $0x8, s22;
	s25 =	sand.u32 $0x180, s15;
	s26 =	sor.u32 s0, s15;
	[tilespmem:s17+$0x6020] =	vst v5;
	v0 =	vadd.f32 v4, v0;
	v4 =	vld [tilespmem:s17+$0x6060]  }
0x1f7: {  	p0 =	slt.u32 s22, $0xF8;
	s0 =	sor.u32 s25, s0;
	s25 =	sor.u32 $0x70, s26;
	v5 =	vld [tilespmem:s17+$0x10060]  }
0x1f8: {  	v7 =	vld [tilespmem:s25+$0x6000];
	[tilespmem:s17+$0x6030] =	vst v0;
	v0 =	vadd.f32 v2, v1  }
0x1f9: {  	v1 =	vld [tilespmem:s25+$0x10000]  }
0x1fa: {  	v2 =	vld [tilespmem:s0+$0x6000];
	[tilespmem:s17+$0x6040] =	vst v0;
	v0 =	vadd.f32 v6, v3  }
0x1fb: {  	v3 =	vld [tilespmem:s0+$0x10000]  }
0x1fc: {  	v6 =	vld [tilespmem:s0+$0x6010];
	[tilespmem:s17+$0x6050] =	vst v0;
	v0 =	vadd.f32 v5, v4  }
0x1fd: {  	v5 =	vld [tilespmem:s0+$0x10010]  }
0x1fe: {  	v8 =	vld [tilespmem:s0+$0x6020];
	v1 =	vadd.f32 v1, v7;
	[tilespmem:s17+$0x6060] =	vst v0;
	s17 =	smov.u32 s0  }
0x1ff: {  	v7 =	vld [tilespmem:s17+$0x10020]  }
.Ltmp8:
0x200: {  	v2 =	vadd.f32 v3, v2;
	v0 =	vld [tilespmem:s17+$0x6030];
	[tilespmem:s25+$0x6000] =	vst v1;
	(pc) =	sbr.rel @p0 .LBB2_15-.Ltmp8, $4  }
0x201: {  	v4 =	vld [tilespmem:s17+$0x10030]  }
0x202: {  	[tilespmem:s17+$0x6000] =	vst v2;
	v3 =	vadd.f32 v5, v6;
	v1 =	vld [tilespmem:s17+$0x6040]  }
0x203: {  	v2 =	vld [tilespmem:s17+$0x10040]  }
0x204: {  	s24 =	sadd.s32 $0x400, s24;
	[tilespmem:s17+$0x6010] =	vst v3;
	v5 =	vadd.f32 v7, v8;
	v3 =	vld [tilespmem:s17+$0x6050]  }
0x205: {  	v6 =	vld [tilespmem:s17+$0x10050]  }
0x206: {  	v7 =	vld [tilespmem:s17+$0x6060]  }
0x207: {  	v8 =	vld [tilespmem:s17+$0x10060];
	_ =	sdelay $0x1  }
0x208: {  	v0 =	vadd.f32 v4, v0  }
0x209: {  	[tilespmem:s17+$0x6020] =	vst v5;
	v1 =	vadd.f32 v2, v1  }
0x20a: {  	[tilespmem:s17+$0x6030] =	vst v0;
	v0 =	vadd.f32 v6, v3  }
0x20b: {  	[tilespmem:s17+$0x6040] =	vst v1;
	v1 =	vadd.f32 v8, v7  }
0x20c: {  	[tilespmem:s17+$0x6050] =	vst v0  }
0x20d: {  	[tilespmem:s17+$0x6060] =	vst v1  }
0x20e: {  	s0 =	rddreg [dreg:$0x7]  }
0x20f: {  	s15 =	simm.s32 $0x6000;
	s0 =	sadd.s32 s6, s0  }
0x210: {  	[hbm4b:s0+s5] =	stream.linear.scatter [tilespmem:s15], [sflag:$0xC], $0x200, $0x38;
	[tilespmem:$0x14000] =	vst v63  }
0x211: {  	s24 =	simm.s32 $0x6400;
	s22 =	sadd.s32 $0x80, s0  }
0x212: {  	[hbm4b:s22+s5] =	stream.linear.scatter [tilespmem:s24], [sflag:$0xC], $0x200, $0x38;
	[tilespmem:$0x14000] =	vst v63  }
0x213: {  	s26 =	simm.s32 $0x6800;
	s25 =	sadd.s32 $0x100, s0  }
0x214: {  	[hbm4b:s25+s5] =	stream.linear.scatter [tilespmem:s26], [sflag:$0xC], $0x200, $0x38;
	[tilespmem:$0x14000] =	vst v63  }
0x215: {  	s22 =	sadd.s32 $0x180, s0;
	s24 =	simm.s32 $0x6C00  }
0x216: {  	[hbm4b:s22+s5] =	stream.linear.scatter [tilespmem:s24], [sflag:$0xC], $0x200, $0x38;
	[tilespmem:$0x14000] =	vst v63  }
0x217: {  	s25 =	sadd.s32 $0x200, s0;
	s26 =	simm.s32 $0x7000  }
0x218: {  	[hbm4b:s25+s5] =	stream.linear.scatter [tilespmem:s26], [sflag:$0xC], $0x200, $0x38;
	[tilespmem:$0x14000] =	vst v63  }
0x219: {  	s22 =	sadd.s32 $0x280, s0;
	s24 =	simm.s32 $0x7400  }
0x21a: {  	[hbm4b:s22+s5] =	stream.linear.scatter [tilespmem:s24], [sflag:$0xC], $0x200, $0x38;
	[tilespmem:$0x14000] =	vst v63  }
0x21b: {  	s17 =	simm.s32 $0x200;
	s25 =	sadd.s32 $0x300, s0;
	s26 =	simm.s32 $0x7800  }
0x21c: {  	[hbm4b:s25+s5] =	stream.linear.scatter [tilespmem:s26], [sflag:$0xC], $0x200, $0x38;
	[tilespmem:$0x14000] =	vst v63  }
0x21d: {  	s0 =	sadd.s32 $0x380, s0;
	s22 =	simm.s32 $0x7C00;
	s24 =	simm.s32 $0x8000  }
0x21e: {  	[hbm4b:s0+s5] =	stream.linear.scatter [tilespmem:s22], [sflag:$0xC], $0x200, $0x38;
	[tilespmem:$0x14000] =	vst v63  }
0x21f: {  	s26 =	sand.u32 $0x380, s17;
	s0 =	sand.u32 $0x1C00, s24  }
0x220: {  	s15 =	sor.u32 s26, s0  }
0x221: {  	v2 =	vld [tilespmem:s15+$0x6000]  }
0x222: {  	s25 =	sor.u32 s0, s17;
	v3 =	vld [tilespmem:s15+$0x10000]  }
0x223: {  	s22 =	sor.u32 $0x70, s25;
	v5 =	vld [tilespmem:s15+$0x6010]  }
0x224: {  	v0 =	vld [tilespmem:s22+$0x6000]  }
0x225: {  	v1 =	vld [tilespmem:s22+$0x10000]  }
0x226: {  	v6 =	vld [tilespmem:s15+$0x10010]  }
0x227: {  	v7 =	vld [tilespmem:s15+$0x6020]  }
0x228: {  	v63 =	vld [tilespmem:s15+$0x10020]  }
0x229: {  	v4 =	vld [tilespmem:s15+$0x10030];
	v2 =	vadd.f32 v3, v2  }
0x22a: {  	v1 =	vadd.f32 v1, v0;
	v0 =	vld [tilespmem:s15+$0x6030]  }
0x22b: {  	v3 =	vadd.f32 v6, v5;
	[tilespmem:s15+$0x6000] =	vst v2;
	v2 =	vld [tilespmem:s15+$0x10040]  }
0x22c: {  	[tilespmem:s22+$0x6000] =	vst v1;
	v1 =	vld [tilespmem:s15+$0x6040]  }
0x22d: {  	s24 =	simm.s32 $0x8400;
	v5 =	vadd.f32 v63, v7;
	[tilespmem:s15+$0x6010] =	vst v3;
	v3 =	vld [tilespmem:s15+$0x6050];
	s22 =	simm.s32 $0x100  }
.LBB2_17:
0x22e: {  	s0 =	sand.u32 $0x1C00, s24;
	v6 =	vld [tilespmem:s15+$0x10050];
	s17 =	sadd.s32 $0x10, s17  }
0x22f: {  	s22 =	sadd.s32 $0x8, s22;
	s25 =	sand.u32 $0x380, s17;
	s26 =	sor.u32 s0, s17;
	[tilespmem:s15+$0x6020] =	vst v5;
	v0 =	vadd.f32 v4, v0;
	v4 =	vld [tilespmem:s15+$0x6060]  }
0x230: {  	p0 =	slt.u32 s22, $0x1F8;
	s0 =	sor.u32 s25, s0;
	s25 =	sor.u32 $0x70, s26;
	v5 =	vld [tilespmem:s15+$0x10060]  }
0x231: {  	v7 =	vld [tilespmem:s25+$0x6000];
	[tilespmem:s15+$0x6030] =	vst v0;
	v0 =	vadd.f32 v2, v1  }
0x232: {  	v1 =	vld [tilespmem:s25+$0x10000]  }
0x233: {  	v2 =	vld [tilespmem:s0+$0x6000];
	[tilespmem:s15+$0x6040] =	vst v0;
	v0 =	vadd.f32 v6, v3  }
0x234: {  	v3 =	vld [tilespmem:s0+$0x10000]  }
0x235: {  	v6 =	vld [tilespmem:s0+$0x6010];
	[tilespmem:s15+$0x6050] =	vst v0;
	v0 =	vadd.f32 v5, v4  }
0x236: {  	v5 =	vld [tilespmem:s0+$0x10010]  }
0x237: {  	v8 =	vld [tilespmem:s0+$0x6020];
	v1 =	vadd.f32 v1, v7;
	[tilespmem:s15+$0x6060] =	vst v0;
	s15 =	smov.u32 s0  }
0x238: {  	v7 =	vld [tilespmem:s15+$0x10020]  }
.Ltmp9:
0x239: {  	v2 =	vadd.f32 v3, v2;
	v0 =	vld [tilespmem:s15+$0x6030];
	[tilespmem:s25+$0x6000] =	vst v1;
	(pc) =	sbr.rel @p0 .LBB2_17-.Ltmp9, $4  }
0x23a: {  	v4 =	vld [tilespmem:s15+$0x10030]  }
0x23b: {  	[tilespmem:s15+$0x6000] =	vst v2;
	v3 =	vadd.f32 v5, v6;
	v1 =	vld [tilespmem:s15+$0x6040]  }
0x23c: {  	v2 =	vld [tilespmem:s15+$0x10040]  }
0x23d: {  	s24 =	sadd.s32 $0x400, s24;
	[tilespmem:s15+$0x6010] =	vst v3;
	v5 =	vadd.f32 v7, v8;
	v3 =	vld [tilespmem:s15+$0x6050]  }
0x23e: {  	v6 =	vld [tilespmem:s15+$0x10050]  }
0x23f: {  	v7 =	vld [tilespmem:s15+$0x6060]  }
0x240: {  	v8 =	vld [tilespmem:s15+$0x10060];
	_ =	sdelay $0x1  }
0x241: {  	v0 =	vadd.f32 v4, v0  }
0x242: {  	[tilespmem:s15+$0x6020] =	vst v5;
	v1 =	vadd.f32 v2, v1  }
0x243: {  	[tilespmem:s15+$0x6030] =	vst v0;
	v0 =	vadd.f32 v6, v3  }
0x244: {  	[tilespmem:s15+$0x6040] =	vst v1;
	v1 =	vadd.f32 v8, v7  }
0x245: {  	[tilespmem:s15+$0x6050] =	vst v0  }
0x246: {  	s0 =	sadd.s32 s6, s16;
	s17 =	simm.s32 $0x6200;
	[tilespmem:s15+$0x6060] =	vst v1  }
0x247: {  	[hbm4b:s0+s5] =	stream.linear.scatter [tilespmem:s17], [sflag:$0xC], $0x200, $0x38;
	[tilespmem:$0x14000] =	vst v63  }
0x248: {  	s24 =	simm.s32 $0x6600;
	s22 =	sadd.s32 $0x80, s0  }
0x249: {  	[hbm4b:s22+s5] =	stream.linear.scatter [tilespmem:s24], [sflag:$0xC], $0x200, $0x38;
	[tilespmem:$0x14000] =	vst v63  }
0x24a: {  	s26 =	simm.s32 $0x6A00;
	s25 =	sadd.s32 $0x100, s0  }
0x24b: {  	[hbm4b:s25+s5] =	stream.linear.scatter [tilespmem:s26], [sflag:$0xC], $0x200, $0x38;
	[tilespmem:$0x14000] =	vst v63  }
0x24c: {  	s15 =	sadd.s32 $0x180, s0;
	s17 =	simm.s32 $0x6E00  }
0x24d: {  	[hbm4b:s15+s5] =	stream.linear.scatter [tilespmem:s17], [sflag:$0xC], $0x200, $0x38;
	[tilespmem:$0x14000] =	vst v63  }
0x24e: {  	s22 =	sadd.s32 $0x200, s0;
	s24 =	simm.s32 $0x7200  }
0x24f: {  	[hbm4b:s22+s5] =	stream.linear.scatter [tilespmem:s24], [sflag:$0xC], $0x200, $0x38;
	[tilespmem:$0x14000] =	vst v63  }
0x250: {  	s25 =	sadd.s32 $0x280, s0;
	s26 =	simm.s32 $0x7600  }
0x251: {  	[hbm4b:s25+s5] =	stream.linear.scatter [tilespmem:s26], [sflag:$0xC], $0x200, $0x38;
	[tilespmem:$0x14000] =	vst v63  }
0x252: {  	s15 =	sadd.s32 $0x300, s0;
	s17 =	simm.s32 $0x7A00  }
0x253: {  	[hbm4b:s15+s5] =	stream.linear.scatter [tilespmem:s17], [sflag:$0xC], $0x200, $0x38;
	[tilespmem:$0x14000] =	vst v63  }
0x254: {  	s0 =	sadd.s32 $0x380, s0;
	s22 =	simm.s32 $0x7E00  }
0x255: {  	[hbm4b:s0+s5] =	stream.linear.scatter [tilespmem:s22], [sflag:$0xC], $0x200, $0x38;
	[tilespmem:$0x14000] =	vst v63  }
0x256: {  	p0 =	seq.s32 s30, $0xF;
	s0 =	rddreg [dreg:$0x8]  }
0x257: {  	s0 =	sadd.s32 @!p0 s2, s0  }
0x258: {  	s0 =	sshll.u32 @!p0 s0, $0xA  }
0x259: {  	s6 =	rddreg [dreg:$0x1];
	s0 =	sand.u32 @!p0 $0x1FFFF800, s0  }
0x25a: {  	s15 =	simm.s32 @!p0 $0x10000;
	s0 =	sadd.s32 @!p0 s6, s0;
	s6 =	simm.s32 @!p0 $0x0  }
0x25b: {  	[tilespmem:s15], [sflag:$0x11] =	stream.linear.gather @!p0 [hbm4b:s0+s6], $0x2000, $0x38;
	[tilespmem:$0x14000] =	vst v63  }
0x25c: {  	_ =	swait.ge [sflag:s21], $0x2000  }
0x25d: {  	[sflag:s21] =	ssyncset.done $0x0  }
0x25e: {  	s15 =	simm.s32 $0x0;
	[sflag:s21] =	ssyncadd.s32 $0xFFFFE000  }
0x25f: {  	s24 =	sand.u32 $0x1C00, s15;
	_ =	swait.ge [sflag:s23], $0x2000  }
0x260: {  	s25 =	sor.u32 s24, s15;
	[sflag:s23] =	ssyncset.done $0x0  }
0x261: {  	s17 =	sor.u32 $0x70, s25;
	[sflag:s23] =	ssyncadd.s32 $0xFFFFE000  }
0x262: {  	s26 =	sand.u32 $0x180, s15;
	v0 =	vld [tilespmem:s17+$0x8000]  }
0x263: {  	s6 =	sor.u32 s26, s24;
	v1 =	vld [tilespmem:s17+$0x12000]  }
0x264: {  	v2 =	vld [tilespmem:s6+$0x8000]  }
0x265: {  	v3 =	vld [tilespmem:s6+$0x12000]  }
0x266: {  	v5 =	vld [tilespmem:s6+$0x8010]  }
0x267: {  	v6 =	vld [tilespmem:s6+$0x12010]  }
0x268: {  	v7 =	vld [tilespmem:s6+$0x8020]  }
0x269: {  	v63 =	vld [tilespmem:s6+$0x12020]  }
0x26a: {  	v4 =	vld [tilespmem:s6+$0x12030];
	v1 =	vadd.f32 v1, v0  }
0x26b: {  	v0 =	vld [tilespmem:s6+$0x8030];
	v2 =	vadd.f32 v3, v2  }
0x26c: {  	v3 =	vadd.f32 v6, v5;
	[tilespmem:s17+$0x8000] =	vst v1;
	v1 =	vld [tilespmem:s6+$0x8040]  }
0x26d: {  	[tilespmem:s6+$0x8000] =	vst v2;
	v2 =	vld [tilespmem:s6+$0x12040]  }
0x26e: {  	s22 =	simm.s32 $0x400;
	v5 =	vadd.f32 v63, v7;
	s17 =	simm.s32 $0x0;
	[tilespmem:s6+$0x8010] =	vst v3;
	v3 =	vld [tilespmem:s6+$0x8050]  }
.LBB2_19:
0x26f: {  	s0 =	sand.u32 $0x1C00, s22;
	v6 =	vld [tilespmem:s6+$0x12050];
	s15 =	sadd.s32 $0x10, s15  }
0x270: {  	s17 =	sadd.s32 $0x8, s17;
	s24 =	sand.u32 $0x180, s15;
	s25 =	sor.u32 s0, s15;
	[tilespmem:s6+$0x8020] =	vst v5;
	v0 =	vadd.f32 v4, v0;
	v4 =	vld [tilespmem:s6+$0x8060]  }
0x271: {  	p1 =	slt.u32 s17, $0xF8;
	s0 =	sor.u32 s24, s0;
	s24 =	sor.u32 $0x70, s25;
	v5 =	vld [tilespmem:s6+$0x12060]  }
0x272: {  	v7 =	vld [tilespmem:s24+$0x8000];
	[tilespmem:s6+$0x8030] =	vst v0;
	v0 =	vadd.f32 v2, v1  }
0x273: {  	v1 =	vld [tilespmem:s24+$0x12000]  }
0x274: {  	v2 =	vld [tilespmem:s0+$0x8000];
	[tilespmem:s6+$0x8040] =	vst v0;
	v0 =	vadd.f32 v6, v3  }
0x275: {  	v3 =	vld [tilespmem:s0+$0x12000]  }
0x276: {  	v6 =	vld [tilespmem:s0+$0x8010];
	[tilespmem:s6+$0x8050] =	vst v0;
	v0 =	vadd.f32 v5, v4  }
0x277: {  	v5 =	vld [tilespmem:s0+$0x12010]  }
0x278: {  	v8 =	vld [tilespmem:s0+$0x8020];
	v1 =	vadd.f32 v1, v7;
	[tilespmem:s6+$0x8060] =	vst v0;
	s6 =	smov.u32 s0  }
0x279: {  	v7 =	vld [tilespmem:s6+$0x12020]  }
.Ltmp10:
0x27a: {  	v2 =	vadd.f32 v3, v2;
	v0 =	vld [tilespmem:s6+$0x8030];
	[tilespmem:s24+$0x8000] =	vst v1;
	(pc) =	sbr.rel @p1 .LBB2_19-.Ltmp10, $4  }
0x27b: {  	v4 =	vld [tilespmem:s6+$0x12030]  }
0x27c: {  	[tilespmem:s6+$0x8000] =	vst v2;
	v3 =	vadd.f32 v5, v6;
	v1 =	vld [tilespmem:s6+$0x8040]  }
0x27d: {  	v2 =	vld [tilespmem:s6+$0x12040]  }
0x27e: {  	s22 =	sadd.s32 $0x400, s22;
	[tilespmem:s6+$0x8010] =	vst v3;
	v5 =	vadd.f32 v7, v8;
	v3 =	vld [tilespmem:s6+$0x8050]  }
0x27f: {  	v6 =	vld [tilespmem:s6+$0x12050]  }
0x280: {  	v7 =	vld [tilespmem:s6+$0x8060]  }
0x281: {  	v8 =	vld [tilespmem:s6+$0x12060];
	_ =	sdelay $0x1  }
0x282: {  	v0 =	vadd.f32 v4, v0  }
0x283: {  	[tilespmem:s6+$0x8020] =	vst v5;
	v1 =	vadd.f32 v2, v1  }
0x284: {  	[tilespmem:s6+$0x8030] =	vst v0;
	v0 =	vadd.f32 v6, v3  }
0x285: {  	[tilespmem:s6+$0x8040] =	vst v1;
	v1 =	vadd.f32 v8, v7  }
0x286: {  	[tilespmem:s6+$0x8050] =	vst v0  }
0x287: {  	s0 =	sadd.s32 s4, s31;
	[tilespmem:s6+$0x8060] =	vst v1;
	s6 =	simm.s32 $0x8000  }
0x288: {  	[hbm4b:s0+s5] =	stream.linear.scatter [tilespmem:s6], [sflag:$0xD], $0x200, $0x38;
	[tilespmem:$0x14000] =	vst v63  }
0x289: {  	s17 =	simm.s32 $0x8400;
	s15 =	sadd.s32 $0x80, s0  }
0x28a: {  	[hbm4b:s15+s5] =	stream.linear.scatter [tilespmem:s17], [sflag:$0xD], $0x200, $0x38;
	[tilespmem:$0x14000] =	vst v63  }
0x28b: {  	s26 =	simm.s32 $0x8800;
	s25 =	sadd.s32 $0x100, s0  }
0x28c: {  	[hbm4b:s25+s5] =	stream.linear.scatter [tilespmem:s26], [sflag:$0xD], $0x200, $0x38;
	[tilespmem:$0x14000] =	vst v63  }
0x28d: {  	s24 =	simm.s32 $0x8C00;
	s22 =	sadd.s32 $0x180, s0  }
0x28e: {  	[hbm4b:s22+s5] =	stream.linear.scatter [tilespmem:s24], [sflag:$0xD], $0x200, $0x38;
	[tilespmem:$0x14000] =	vst v63  }
0x28f: {  	s25 =	sadd.s32 $0x200, s0;
	s26 =	simm.s32 $0x9000  }
0x290: {  	[hbm4b:s25+s5] =	stream.linear.scatter [tilespmem:s26], [sflag:$0xD], $0x200, $0x38;
	[tilespmem:$0x14000] =	vst v63  }
0x291: {  	s22 =	sadd.s32 $0x280, s0;
	s24 =	simm.s32 $0x9400  }
0x292: {  	[hbm4b:s22+s5] =	stream.linear.scatter [tilespmem:s24], [sflag:$0xD], $0x200, $0x38;
	[tilespmem:$0x14000] =	vst v63  }
0x293: {  	s15 =	simm.s32 $0x200;
	s24 =	sand.u32 $0x1C00, s6  }
0x294: {  	s25 =	sadd.s32 $0x300, s0;
	s26 =	simm.s32 $0x9800;
	s6 =	sor.u32 s24, s15  }
0x295: {  	[hbm4b:s25+s5] =	stream.linear.scatter [tilespmem:s26], [sflag:$0xD], $0x200, $0x38;
	[tilespmem:$0x14000] =	vst v63  }
0x296: {  	s0 =	sadd.s32 $0x380, s0;
	s22 =	simm.s32 $0x9C00;
	s25 =	sor.u32 $0x70, s6  }
0x297: {  	[hbm4b:s0+s5] =	stream.linear.scatter [tilespmem:s22], [sflag:$0xD], $0x200, $0x38;
	[tilespmem:$0x14000] =	vst v63  }
0x298: {  	s26 =	sand.u32 $0x380, s15;
	v0 =	vld [tilespmem:s25+$0x8000]  }
0x299: {  	s6 =	sor.u32 s26, s24;
	v1 =	vld [tilespmem:s25+$0x12000]  }
0x29a: {  	v2 =	vld [tilespmem:s6+$0x8000]  }
0x29b: {  	v3 =	vld [tilespmem:s6+$0x12000]  }
0x29c: {  	v5 =	vld [tilespmem:s6+$0x8010]  }
0x29d: {  	v6 =	vld [tilespmem:s6+$0x12010]  }
0x29e: {  	v7 =	vld [tilespmem:s6+$0x8020]  }
0x29f: {  	v63 =	vld [tilespmem:s6+$0x12020]  }
0x2a0: {  	v4 =	vld [tilespmem:s6+$0x12030];
	v1 =	vadd.f32 v1, v0  }
0x2a1: {  	v0 =	vld [tilespmem:s6+$0x8030];
	v2 =	vadd.f32 v3, v2  }
0x2a2: {  	v3 =	vadd.f32 v6, v5;
	[tilespmem:s25+$0x8000] =	vst v1;
	v1 =	vld [tilespmem:s6+$0x8040]  }
0x2a3: {  	[tilespmem:s6+$0x8000] =	vst v2;
	v2 =	vld [tilespmem:s6+$0x12040]  }
0x2a4: {  	s17 =	simm.s32 $0x100;
	s22 =	simm.s32 $0x8400;
	v5 =	vadd.f32 v63, v7;
	[tilespmem:s6+$0x8010] =	vst v3;
	v3 =	vld [tilespmem:s6+$0x8050]  }
.LBB2_21:
0x2a5: {  	s0 =	sand.u32 $0x1C00, s22;
	v6 =	vld [tilespmem:s6+$0x12050];
	s15 =	sadd.s32 $0x10, s15  }
0x2a6: {  	s17 =	sadd.s32 $0x8, s17;
	s24 =	sand.u32 $0x380, s15;
	s25 =	sor.u32 s0, s15;
	[tilespmem:s6+$0x8020] =	vst v5;
	v0 =	vadd.f32 v4, v0;
	v4 =	vld [tilespmem:s6+$0x8060]  }
0x2a7: {  	p1 =	slt.u32 s17, $0x1F8;
	s0 =	sor.u32 s24, s0;
	s24 =	sor.u32 $0x70, s25;
	v5 =	vld [tilespmem:s6+$0x12060]  }
0x2a8: {  	v7 =	vld [tilespmem:s24+$0x8000];
	[tilespmem:s6+$0x8030] =	vst v0;
	v0 =	vadd.f32 v2, v1  }
0x2a9: {  	v1 =	vld [tilespmem:s24+$0x12000]  }
0x2aa: {  	v2 =	vld [tilespmem:s0+$0x8000];
	[tilespmem:s6+$0x8040] =	vst v0;
	v0 =	vadd.f32 v6, v3  }
0x2ab: {  	v3 =	vld [tilespmem:s0+$0x12000]  }
0x2ac: {  	v6 =	vld [tilespmem:s0+$0x8010];
	[tilespmem:s6+$0x8050] =	vst v0;
	v0 =	vadd.f32 v5, v4  }
0x2ad: {  	v5 =	vld [tilespmem:s0+$0x12010]  }
0x2ae: {  	v8 =	vld [tilespmem:s0+$0x8020];
	v1 =	vadd.f32 v1, v7;
	[tilespmem:s6+$0x8060] =	vst v0;
	s6 =	smov.u32 s0  }
0x2af: {  	v7 =	vld [tilespmem:s6+$0x12020]  }
.Ltmp11:
0x2b0: {  	v2 =	vadd.f32 v3, v2;
	v0 =	vld [tilespmem:s6+$0x8030];
	[tilespmem:s24+$0x8000] =	vst v1;
	(pc) =	sbr.rel @p1 .LBB2_21-.Ltmp11, $4  }
0x2b1: {  	v4 =	vld [tilespmem:s6+$0x12030]  }
0x2b2: {  	[tilespmem:s6+$0x8000] =	vst v2;
	v3 =	vadd.f32 v5, v6;
	v1 =	vld [tilespmem:s6+$0x8040]  }
0x2b3: {  	v2 =	vld [tilespmem:s6+$0x12040]  }
0x2b4: {  	s22 =	sadd.s32 $0x400, s22;
	[tilespmem:s6+$0x8010] =	vst v3;
	v5 =	vadd.f32 v7, v8;
	v3 =	vld [tilespmem:s6+$0x8050]  }
0x2b5: {  	v6 =	vld [tilespmem:s6+$0x12050]  }
0x2b6: {  	v7 =	vld [tilespmem:s6+$0x8060]  }
0x2b7: {  	v8 =	vld [tilespmem:s6+$0x12060];
	_ =	sdelay $0x1  }
0x2b8: {  	v0 =	vadd.f32 v4, v0  }
0x2b9: {  	[tilespmem:s6+$0x8020] =	vst v5;
	v1 =	vadd.f32 v2, v1  }
0x2ba: {  	[tilespmem:s6+$0x8030] =	vst v0;
	v0 =	vadd.f32 v6, v3  }
0x2bb: {  	[tilespmem:s6+$0x8040] =	vst v1;
	v1 =	vadd.f32 v8, v7  }
0x2bc: {  	[tilespmem:s6+$0x8050] =	vst v0  }
0x2bd: {  	s0 =	sadd.s32 s31, s11;
	s15 =	simm.s32 $0x8200;
	[tilespmem:s6+$0x8060] =	vst v1;
	s6 =	simm.s32 $0x0  }
0x2be: {  	[hbm4b:s0+s6] =	stream.linear.scatter [tilespmem:s15], [sflag:$0xD], $0x200, $0x38;
	[tilespmem:$0x14000] =	vst v63  }
0x2bf: {  	s17 =	simm.s32 $0x8600;
	s24 =	sadd.s32 $0x80, s0  }
0x2c0: {  	[hbm4b:s24+s6] =	stream.linear.scatter [tilespmem:s17], [sflag:$0xD], $0x200, $0x38;
	[tilespmem:$0x14000] =	vst v63  }
0x2c1: {  	s26 =	simm.s32 $0x8A00;
	s25 =	sadd.s32 $0x100, s0  }
0x2c2: {  	[hbm4b:s25+s6] =	stream.linear.scatter [tilespmem:s26], [sflag:$0xD], $0x200, $0x38;
	[tilespmem:$0x14000] =	vst v63  }
0x2c3: {  	s22 =	sadd.s32 $0x180, s0;
	s24 =	simm.s32 $0x8E00  }
0x2c4: {  	[hbm4b:s22+s6] =	stream.linear.scatter [tilespmem:s24], [sflag:$0xD], $0x200, $0x38;
	[tilespmem:$0x14000] =	vst v63  }
0x2c5: {  	s25 =	sadd.s32 $0x200, s0;
	s26 =	simm.s32 $0x9200  }
0x2c6: {  	[hbm4b:s25+s6] =	stream.linear.scatter [tilespmem:s26], [sflag:$0xD], $0x200, $0x38;
	[tilespmem:$0x14000] =	vst v63  }
0x2c7: {  	s22 =	sadd.s32 $0x280, s0;
	s24 =	simm.s32 $0x9600  }
0x2c8: {  	[hbm4b:s22+s6] =	stream.linear.scatter [tilespmem:s24], [sflag:$0xD], $0x200, $0x38;
	[tilespmem:$0x14000] =	vst v63  }
0x2c9: {  	s25 =	sadd.s32 $0x300, s0;
	s26 =	simm.s32 $0x9A00  }
0x2ca: {  	[hbm4b:s25+s6] =	stream.linear.scatter [tilespmem:s26], [sflag:$0xD], $0x200, $0x38;
	[tilespmem:$0x14000] =	vst v63  }
0x2cb: {  	s17 =	simm.s32 $0x9E00;
	s0 =	sadd.s32 $0x380, s0  }
0x2cc: {  	[hbm4b:s0+s6] =	stream.linear.scatter [tilespmem:s17], [sflag:$0xD], $0x200, $0x38;
	[tilespmem:$0x14000] =	vst v63  }
0x2cd: {  	s22 =	sand.u32 $0x1C00, s6;
	_ =	swait.ge [sflag:s20], $0x2000  }
0x2ce: {  	s24 =	sor.u32 s22, s6;
	[sflag:s20] =	ssyncset.done $0x0  }
0x2cf: {  	s25 =	sor.u32 $0x70, s24;
	[sflag:s20] =	ssyncadd.s32 $0xFFFFE000  }
0x2d0: {  	s26 =	sand.u32 $0x180, s6;
	v0 =	vld [tilespmem:s25+$0xA000]  }
0x2d1: {  	s15 =	sor.u32 s26, s22;
	v1 =	vld [tilespmem:s25+$0x12000]  }
0x2d2: {  	v2 =	vld [tilespmem:s15+$0xA000]  }
0x2d3: {  	v3 =	vld [tilespmem:s15+$0x12000]  }
0x2d4: {  	v5 =	vld [tilespmem:s15+$0xA010]  }
0x2d5: {  	v6 =	vld [tilespmem:s15+$0x12010]  }
0x2d6: {  	v7 =	vld [tilespmem:s15+$0xA020]  }
0x2d7: {  	v63 =	vld [tilespmem:s15+$0x12020]  }
0x2d8: {  	v4 =	vld [tilespmem:s15+$0x12030];
	v1 =	vadd.f32 v1, v0  }
0x2d9: {  	v0 =	vld [tilespmem:s15+$0xA030];
	v2 =	vadd.f32 v3, v2  }
0x2da: {  	v3 =	vadd.f32 v6, v5;
	[tilespmem:s25+$0xA000] =	vst v1;
	v1 =	vld [tilespmem:s15+$0xA040]  }
0x2db: {  	[tilespmem:s15+$0xA000] =	vst v2;
	v2 =	vld [tilespmem:s15+$0x12040]  }
0x2dc: {  	s22 =	simm.s32 $0x400;
	s17 =	simm.s32 $0x0;
	v5 =	vadd.f32 v63, v7;
	[tilespmem:s15+$0xA010] =	vst v3;
	v3 =	vld [tilespmem:s15+$0xA050]  }
.LBB2_23:
0x2dd: {  	s0 =	sand.u32 $0x1C00, s22;
	v6 =	vld [tilespmem:s15+$0x12050];
	s6 =	sadd.s32 $0x10, s6  }
0x2de: {  	s17 =	sadd.s32 $0x8, s17;
	s24 =	sand.u32 $0x180, s6;
	s25 =	sor.u32 s0, s6;
	[tilespmem:s15+$0xA020] =	vst v5;
	v0 =	vadd.f32 v4, v0;
	v4 =	vld [tilespmem:s15+$0xA060]  }
0x2df: {  	p1 =	slt.u32 s17, $0xF8;
	s0 =	sor.u32 s24, s0;
	s24 =	sor.u32 $0x70, s25;
	v5 =	vld [tilespmem:s15+$0x12060]  }
0x2e0: {  	v7 =	vld [tilespmem:s24+$0xA000];
	[tilespmem:s15+$0xA030] =	vst v0;
	v0 =	vadd.f32 v2, v1  }
0x2e1: {  	v1 =	vld [tilespmem:s24+$0x12000]  }
0x2e2: {  	v2 =	vld [tilespmem:s0+$0xA000];
	[tilespmem:s15+$0xA040] =	vst v0;
	v0 =	vadd.f32 v6, v3  }
0x2e3: {  	v3 =	vld [tilespmem:s0+$0x12000]  }
0x2e4: {  	v6 =	vld [tilespmem:s0+$0xA010];
	[tilespmem:s15+$0xA050] =	vst v0;
	v0 =	vadd.f32 v5, v4  }
0x2e5: {  	v5 =	vld [tilespmem:s0+$0x12010]  }
0x2e6: {  	v8 =	vld [tilespmem:s0+$0xA020];
	v1 =	vadd.f32 v1, v7;
	[tilespmem:s15+$0xA060] =	vst v0;
	s15 =	smov.u32 s0  }
0x2e7: {  	v7 =	vld [tilespmem:s15+$0x12020]  }
.Ltmp12:
0x2e8: {  	v2 =	vadd.f32 v3, v2;
	v0 =	vld [tilespmem:s15+$0xA030];
	[tilespmem:s24+$0xA000] =	vst v1;
	(pc) =	sbr.rel @p1 .LBB2_23-.Ltmp12, $4  }
0x2e9: {  	v4 =	vld [tilespmem:s15+$0x12030]  }
0x2ea: {  	[tilespmem:s15+$0xA000] =	vst v2;
	v3 =	vadd.f32 v5, v6;
	v1 =	vld [tilespmem:s15+$0xA040]  }
0x2eb: {  	v2 =	vld [tilespmem:s15+$0x12040]  }
0x2ec: {  	s22 =	sadd.s32 $0x400, s22;
	[tilespmem:s15+$0xA010] =	vst v3;
	v5 =	vadd.f32 v7, v8;
	v3 =	vld [tilespmem:s15+$0xA050]  }
0x2ed: {  	v6 =	vld [tilespmem:s15+$0x12050]  }
0x2ee: {  	v7 =	vld [tilespmem:s15+$0xA060]  }
0x2ef: {  	v8 =	vld [tilespmem:s15+$0x12060];
	_ =	sdelay $0x1  }
0x2f0: {  	v0 =	vadd.f32 v4, v0  }
0x2f1: {  	[tilespmem:s15+$0xA020] =	vst v5;
	v1 =	vadd.f32 v2, v1  }
0x2f2: {  	[tilespmem:s15+$0xA030] =	vst v0;
	v0 =	vadd.f32 v6, v3  }
0x2f3: {  	[tilespmem:s15+$0xA040] =	vst v1;
	v1 =	vadd.f32 v8, v7  }
0x2f4: {  	[tilespmem:s15+$0xA050] =	vst v0  }
0x2f5: {  	s0 =	sadd.s32 s31, s12;
	s6 =	simm.s32 $0xA000;
	[tilespmem:s15+$0xA060] =	vst v1  }
0x2f6: {  	[hbm4b:s0+s5] =	stream.linear.scatter [tilespmem:s6], [sflag:$0xE], $0x200, $0x38;
	[tilespmem:$0x14000] =	vst v63  }
0x2f7: {  	s24 =	simm.s32 $0xA400;
	s22 =	sadd.s32 $0x80, s0  }
0x2f8: {  	[hbm4b:s22+s5] =	stream.linear.scatter [tilespmem:s24], [sflag:$0xE], $0x200, $0x38;
	[tilespmem:$0x14000] =	vst v63  }
0x2f9: {  	s26 =	simm.s32 $0xA800;
	s25 =	sadd.s32 $0x100, s0  }
0x2fa: {  	[hbm4b:s25+s5] =	stream.linear.scatter [tilespmem:s26], [sflag:$0xE], $0x200, $0x38;
	[tilespmem:$0x14000] =	vst v63  }
0x2fb: {  	s17 =	simm.s32 $0xAC00;
	s15 =	sadd.s32 $0x180, s0  }
0x2fc: {  	[hbm4b:s15+s5] =	stream.linear.scatter [tilespmem:s17], [sflag:$0xE], $0x200, $0x38;
	[tilespmem:$0x14000] =	vst v63  }
0x2fd: {  	s22 =	sadd.s32 $0x200, s0;
	s24 =	simm.s32 $0xB000  }
0x2fe: {  	[hbm4b:s22+s5] =	stream.linear.scatter [tilespmem:s24], [sflag:$0xE], $0x200, $0x38;
	[tilespmem:$0x14000] =	vst v63  }
0x2ff: {  	s25 =	sadd.s32 $0x280, s0;
	s26 =	simm.s32 $0xB400  }
0x300: {  	[hbm4b:s25+s5] =	stream.linear.scatter [tilespmem:s26], [sflag:$0xE], $0x200, $0x38;
	[tilespmem:$0x14000] =	vst v63  }
0x301: {  	s15 =	sadd.s32 $0x300, s0;
	s17 =	simm.s32 $0xB800;
	s0 =	sadd.s32 $0x380, s0  }
0x302: {  	[hbm4b:s15+s5] =	stream.linear.scatter [tilespmem:s17], [sflag:$0xE], $0x200, $0x38;
	[tilespmem:$0x14000] =	vst v63  }
0x303: {  	s22 =	simm.s32 $0xBC00;
	s24 =	simm.s32 $0x8000;
	s15 =	simm.s32 $0x200  }
0x304: {  	[hbm4b:s0+s5] =	stream.linear.scatter [tilespmem:s22], [sflag:$0xE], $0x200, $0x38;
	[tilespmem:$0x14000] =	vst v63  }
0x305: {  	s26 =	sand.u32 $0x380, s15;
	s0 =	sand.u32 $0x1C00, s24  }
0x306: {  	s6 =	sor.u32 s26, s0  }
0x307: {  	v2 =	vld [tilespmem:s6+$0xA000]  }
0x308: {  	s25 =	sor.u32 s0, s15;
	v3 =	vld [tilespmem:s6+$0x12000]  }
0x309: {  	s17 =	sor.u32 $0x70, s25;
	v5 =	vld [tilespmem:s6+$0xA010]  }
0x30a: {  	v0 =	vld [tilespmem:s17+$0xA000]  }
0x30b: {  	v1 =	vld [tilespmem:s17+$0x12000]  }
0x30c: {  	v6 =	vld [tilespmem:s6+$0x12010]  }
0x30d: {  	v7 =	vld [tilespmem:s6+$0xA020]  }
0x30e: {  	v63 =	vld [tilespmem:s6+$0x12020]  }
0x30f: {  	v4 =	vld [tilespmem:s6+$0x12030];
	v2 =	vadd.f32 v3, v2  }
0x310: {  	v1 =	vadd.f32 v1, v0;
	v0 =	vld [tilespmem:s6+$0xA030]  }
0x311: {  	v3 =	vadd.f32 v6, v5;
	[tilespmem:s6+$0xA000] =	vst v2;
	v2 =	vld [tilespmem:s6+$0x12040]  }
0x312: {  	[tilespmem:s17+$0xA000] =	vst v1;
	v1 =	vld [tilespmem:s6+$0xA040]  }
0x313: {  	s22 =	simm.s32 $0x8400;
	v5 =	vadd.f32 v63, v7;
	[tilespmem:s6+$0xA010] =	vst v3;
	v3 =	vld [tilespmem:s6+$0xA050];
	s17 =	simm.s32 $0x100  }
.LBB2_25:
0x314: {  	s0 =	sand.u32 $0x1C00, s22;
	v6 =	vld [tilespmem:s6+$0x12050];
	s15 =	sadd.s32 $0x10, s15  }
0x315: {  	s17 =	sadd.s32 $0x8, s17;
	s24 =	sand.u32 $0x380, s15;
	s25 =	sor.u32 s0, s15;
	[tilespmem:s6+$0xA020] =	vst v5;
	v0 =	vadd.f32 v4, v0;
	v4 =	vld [tilespmem:s6+$0xA060]  }
0x316: {  	p1 =	slt.u32 s17, $0x1F8;
	s0 =	sor.u32 s24, s0;
	s24 =	sor.u32 $0x70, s25;
	v5 =	vld [tilespmem:s6+$0x12060]  }
0x317: {  	v7 =	vld [tilespmem:s24+$0xA000];
	[tilespmem:s6+$0xA030] =	vst v0;
	v0 =	vadd.f32 v2, v1  }
0x318: {  	v1 =	vld [tilespmem:s24+$0x12000]  }
0x319: {  	v2 =	vld [tilespmem:s0+$0xA000];
	[tilespmem:s6+$0xA040] =	vst v0;
	v0 =	vadd.f32 v6, v3  }
0x31a: {  	v3 =	vld [tilespmem:s0+$0x12000]  }
0x31b: {  	v6 =	vld [tilespmem:s0+$0xA010];
	[tilespmem:s6+$0xA050] =	vst v0;
	v0 =	vadd.f32 v5, v4  }
0x31c: {  	v5 =	vld [tilespmem:s0+$0x12010]  }
0x31d: {  	v8 =	vld [tilespmem:s0+$0xA020];
	v1 =	vadd.f32 v1, v7;
	[tilespmem:s6+$0xA060] =	vst v0;
	s6 =	smov.u32 s0  }
0x31e: {  	v7 =	vld [tilespmem:s6+$0x12020]  }
.Ltmp13:
0x31f: {  	v2 =	vadd.f32 v3, v2;
	v0 =	vld [tilespmem:s6+$0xA030];
	[tilespmem:s24+$0xA000] =	vst v1;
	(pc) =	sbr.rel @p1 .LBB2_25-.Ltmp13, $4  }
0x320: {  	v4 =	vld [tilespmem:s6+$0x12030]  }
0x321: {  	[tilespmem:s6+$0xA000] =	vst v2;
	v3 =	vadd.f32 v5, v6;
	v1 =	vld [tilespmem:s6+$0xA040]  }
0x322: {  	v2 =	vld [tilespmem:s6+$0x12040]  }
0x323: {  	s22 =	sadd.s32 $0x400, s22;
	[tilespmem:s6+$0xA010] =	vst v3;
	v5 =	vadd.f32 v7, v8;
	v3 =	vld [tilespmem:s6+$0xA050]  }
0x324: {  	v6 =	vld [tilespmem:s6+$0x12050]  }
0x325: {  	v7 =	vld [tilespmem:s6+$0xA060]  }
0x326: {  	v8 =	vld [tilespmem:s6+$0x12060];
	_ =	sdelay $0x1  }
0x327: {  	v0 =	vadd.f32 v4, v0  }
0x328: {  	[tilespmem:s6+$0xA020] =	vst v5;
	v1 =	vadd.f32 v2, v1  }
0x329: {  	[tilespmem:s6+$0xA030] =	vst v0;
	v0 =	vadd.f32 v6, v3  }
0x32a: {  	[tilespmem:s6+$0xA040] =	vst v1;
	v1 =	vadd.f32 v8, v7  }
0x32b: {  	[tilespmem:s6+$0xA050] =	vst v0  }
0x32c: {  	s0 =	sadd.s32 s31, s13;
	s15 =	simm.s32 $0xA200;
	[tilespmem:s6+$0xA060] =	vst v1;
	s6 =	simm.s32 $0x0  }
0x32d: {  	[hbm4b:s0+s6] =	stream.linear.scatter [tilespmem:s15], [sflag:$0xE], $0x200, $0x38;
	[tilespmem:$0x14000] =	vst v63  }
0x32e: {  	s17 =	simm.s32 $0xA600;
	s24 =	sadd.s32 $0x80, s0  }
0x32f: {  	[hbm4b:s24+s6] =	stream.linear.scatter [tilespmem:s17], [sflag:$0xE], $0x200, $0x38;
	[tilespmem:$0x14000] =	vst v63  }
0x330: {  	s26 =	simm.s32 $0xAA00;
	s25 =	sadd.s32 $0x100, s0  }
0x331: {  	[hbm4b:s25+s6] =	stream.linear.scatter [tilespmem:s26], [sflag:$0xE], $0x200, $0x38;
	[tilespmem:$0x14000] =	vst v63  }
0x332: {  	s22 =	sadd.s32 $0x180, s0;
	s24 =	simm.s32 $0xAE00  }
0x333: {  	[hbm4b:s22+s6] =	stream.linear.scatter [tilespmem:s24], [sflag:$0xE], $0x200, $0x38;
	[tilespmem:$0x14000] =	vst v63  }
0x334: {  	s25 =	sadd.s32 $0x200, s0;
	s26 =	simm.s32 $0xB200  }
0x335: {  	[hbm4b:s25+s6] =	stream.linear.scatter [tilespmem:s26], [sflag:$0xE], $0x200, $0x38;
	[tilespmem:$0x14000] =	vst v63  }
0x336: {  	s22 =	sadd.s32 $0x280, s0;
	s24 =	simm.s32 $0xB600  }
0x337: {  	[hbm4b:s22+s6] =	stream.linear.scatter [tilespmem:s24], [sflag:$0xE], $0x200, $0x38;
	[tilespmem:$0x14000] =	vst v63  }
0x338: {  	s25 =	sadd.s32 $0x300, s0;
	s26 =	simm.s32 $0xBA00  }
0x339: {  	[hbm4b:s25+s6] =	stream.linear.scatter [tilespmem:s26], [sflag:$0xE], $0x200, $0x38;
	[tilespmem:$0x14000] =	vst v63  }
0x33a: {  	s17 =	simm.s32 $0xBE00;
	s0 =	sadd.s32 $0x380, s0  }
0x33b: {  	[hbm4b:s0+s6] =	stream.linear.scatter [tilespmem:s17], [sflag:$0xE], $0x200, $0x38;
	[tilespmem:$0x14000] =	vst v63  }
0x33c: {  	s22 =	sand.u32 $0x1C00, s6;
	_ =	swait.ge [sflag:s19], $0x2000  }
0x33d: {  	s24 =	sor.u32 s22, s6;
	[sflag:s19] =	ssyncset.done $0x0  }
0x33e: {  	s25 =	sor.u32 $0x70, s24;
	[sflag:s19] =	ssyncadd.s32 $0xFFFFE000  }
0x33f: {  	s26 =	sand.u32 $0x180, s6;
	v0 =	vld [tilespmem:s25+$0xC000]  }
0x340: {  	s15 =	sor.u32 s26, s22;
	v1 =	vld [tilespmem:s25+$0x12000]  }
0x341: {  	v2 =	vld [tilespmem:s15+$0xC000]  }
0x342: {  	v3 =	vld [tilespmem:s15+$0x12000]  }
0x343: {  	v5 =	vld [tilespmem:s15+$0xC010]  }
0x344: {  	v6 =	vld [tilespmem:s15+$0x12010]  }
0x345: {  	v7 =	vld [tilespmem:s15+$0xC020]  }
0x346: {  	v63 =	vld [tilespmem:s15+$0x12020]  }
0x347: {  	v4 =	vld [tilespmem:s15+$0x12030];
	v1 =	vadd.f32 v1, v0  }
0x348: {  	v0 =	vld [tilespmem:s15+$0xC030];
	v2 =	vadd.f32 v3, v2  }
0x349: {  	v3 =	vadd.f32 v6, v5;
	[tilespmem:s25+$0xC000] =	vst v1;
	v1 =	vld [tilespmem:s15+$0xC040]  }
0x34a: {  	[tilespmem:s15+$0xC000] =	vst v2;
	v2 =	vld [tilespmem:s15+$0x12040]  }
0x34b: {  	s22 =	simm.s32 $0x400;
	s17 =	simm.s32 $0x0;
	v5 =	vadd.f32 v63, v7;
	[tilespmem:s15+$0xC010] =	vst v3;
	v3 =	vld [tilespmem:s15+$0xC050]  }
.LBB2_27:
0x34c: {  	s0 =	sand.u32 $0x1C00, s22;
	v6 =	vld [tilespmem:s15+$0x12050];
	s6 =	sadd.s32 $0x10, s6  }
0x34d: {  	s17 =	sadd.s32 $0x8, s17;
	s24 =	sand.u32 $0x180, s6;
	s25 =	sor.u32 s0, s6;
	[tilespmem:s15+$0xC020] =	vst v5;
	v0 =	vadd.f32 v4, v0;
	v4 =	vld [tilespmem:s15+$0xC060]  }
0x34e: {  	p1 =	slt.u32 s17, $0xF8;
	s0 =	sor.u32 s24, s0;
	s24 =	sor.u32 $0x70, s25;
	v5 =	vld [tilespmem:s15+$0x12060]  }
0x34f: {  	v7 =	vld [tilespmem:s24+$0xC000];
	[tilespmem:s15+$0xC030] =	vst v0;
	v0 =	vadd.f32 v2, v1  }
0x350: {  	v1 =	vld [tilespmem:s24+$0x12000]  }
0x351: {  	v2 =	vld [tilespmem:s0+$0xC000];
	[tilespmem:s15+$0xC040] =	vst v0;
	v0 =	vadd.f32 v6, v3  }
0x352: {  	v3 =	vld [tilespmem:s0+$0x12000]  }
0x353: {  	v6 =	vld [tilespmem:s0+$0xC010];
	[tilespmem:s15+$0xC050] =	vst v0;
	v0 =	vadd.f32 v5, v4  }
0x354: {  	v5 =	vld [tilespmem:s0+$0x12010]  }
0x355: {  	v8 =	vld [tilespmem:s0+$0xC020];
	v1 =	vadd.f32 v1, v7;
	[tilespmem:s15+$0xC060] =	vst v0;
	s15 =	smov.u32 s0  }
0x356: {  	v7 =	vld [tilespmem:s15+$0x12020]  }
.Ltmp14:
0x357: {  	v2 =	vadd.f32 v3, v2;
	v0 =	vld [tilespmem:s15+$0xC030];
	[tilespmem:s24+$0xC000] =	vst v1;
	(pc) =	sbr.rel @p1 .LBB2_27-.Ltmp14, $4  }
0x358: {  	v4 =	vld [tilespmem:s15+$0x12030]  }
0x359: {  	[tilespmem:s15+$0xC000] =	vst v2;
	v3 =	vadd.f32 v5, v6;
	v1 =	vld [tilespmem:s15+$0xC040]  }
0x35a: {  	v2 =	vld [tilespmem:s15+$0x12040]  }
0x35b: {  	s22 =	sadd.s32 $0x400, s22;
	[tilespmem:s15+$0xC010] =	vst v3;
	v5 =	vadd.f32 v7, v8;
	v3 =	vld [tilespmem:s15+$0xC050]  }
0x35c: {  	v6 =	vld [tilespmem:s15+$0x12050]  }
0x35d: {  	v7 =	vld [tilespmem:s15+$0xC060]  }
0x35e: {  	v8 =	vld [tilespmem:s15+$0x12060];
	_ =	sdelay $0x1  }
0x35f: {  	v0 =	vadd.f32 v4, v0  }
0x360: {  	[tilespmem:s15+$0xC020] =	vst v5;
	v1 =	vadd.f32 v2, v1  }
0x361: {  	[tilespmem:s15+$0xC030] =	vst v0;
	v0 =	vadd.f32 v6, v3  }
0x362: {  	[tilespmem:s15+$0xC040] =	vst v1;
	v1 =	vadd.f32 v8, v7  }
0x363: {  	[tilespmem:s15+$0xC050] =	vst v0  }
0x364: {  	s0 =	sadd.s32 s4, s3;
	s25 =	simm.s32 $0xC000;
	[tilespmem:s15+$0xC060] =	vst v1  }
0x365: {  	[hbm4b:s0+s5] =	stream.linear.scatter [tilespmem:s25], [sflag:$0xF], $0x200, $0x38;
	[tilespmem:$0x14000] =	vst v63  }
0x366: {  	s6 =	simm.s32 $0xC400;
	s3 =	sadd.s32 $0x80, s0  }
0x367: {  	[hbm4b:s3+s5] =	stream.linear.scatter [tilespmem:s6], [sflag:$0xF], $0x200, $0x38;
	[tilespmem:$0x14000] =	vst v63  }
0x368: {  	s22 =	simm.s32 $0xC800;
	s17 =	sadd.s32 $0x100, s0  }
0x369: {  	[hbm4b:s17+s5] =	stream.linear.scatter [tilespmem:s22], [sflag:$0xF], $0x200, $0x38;
	[tilespmem:$0x14000] =	vst v63  }
0x36a: {  	s26 =	simm.s32 $0xCC00;
	s24 =	sadd.s32 $0x180, s0  }
0x36b: {  	[hbm4b:s24+s5] =	stream.linear.scatter [tilespmem:s26], [sflag:$0xF], $0x200, $0x38;
	[tilespmem:$0x14000] =	vst v63  }
0x36c: {  	s15 =	simm.s32 $0xD000;
	s6 =	sadd.s32 $0x200, s0  }
0x36d: {  	[hbm4b:s6+s5] =	stream.linear.scatter [tilespmem:s15], [sflag:$0xF], $0x200, $0x38;
	[tilespmem:$0x14000] =	vst v63  }
0x36e: {  	s17 =	sadd.s32 $0x280, s0;
	s22 =	simm.s32 $0xD400  }
0x36f: {  	[hbm4b:s17+s5] =	stream.linear.scatter [tilespmem:s22], [sflag:$0xF], $0x200, $0x38;
	[tilespmem:$0x14000] =	vst v63  }
0x370: {  	s24 =	sadd.s32 $0x300, s0;
	s26 =	simm.s32 $0xD800;
	s0 =	sadd.s32 $0x380, s0  }
0x371: {  	[hbm4b:s24+s5] =	stream.linear.scatter [tilespmem:s26], [sflag:$0xF], $0x200, $0x38;
	[tilespmem:$0x14000] =	vst v63  }
0x372: {  	s15 =	simm.s32 $0xDC00;
	s6 =	simm.s32 $0x200;
	s17 =	simm.s32 $0x8000  }
0x373: {  	[hbm4b:s0+s5] =	stream.linear.scatter [tilespmem:s15], [sflag:$0xF], $0x200, $0x38;
	[tilespmem:$0x14000] =	vst v63  }
0x374: {  	s26 =	sand.u32 $0x380, s6;
	s0 =	sand.u32 $0x1C00, s17  }
0x375: {  	s3 =	sor.u32 s26, s0  }
0x376: {  	v2 =	vld [tilespmem:s3+$0xC000]  }
0x377: {  	s22 =	sor.u32 s0, s6;
	v3 =	vld [tilespmem:s3+$0x12000]  }
0x378: {  	s24 =	sor.u32 $0x70, s22;
	v5 =	vld [tilespmem:s3+$0xC010]  }
0x379: {  	v0 =	vld [tilespmem:s24+$0xC000]  }
0x37a: {  	v1 =	vld [tilespmem:s24+$0x12000]  }
0x37b: {  	v6 =	vld [tilespmem:s3+$0x12010]  }
0x37c: {  	v7 =	vld [tilespmem:s3+$0xC020]  }
0x37d: {  	v63 =	vld [tilespmem:s3+$0x12020]  }
0x37e: {  	v4 =	vld [tilespmem:s3+$0x12030];
	v2 =	vadd.f32 v3, v2  }
0x37f: {  	v1 =	vadd.f32 v1, v0;
	v0 =	vld [tilespmem:s3+$0xC030]  }
0x380: {  	v3 =	vadd.f32 v6, v5;
	[tilespmem:s3+$0xC000] =	vst v2;
	v2 =	vld [tilespmem:s3+$0x12040]  }
0x381: {  	[tilespmem:s24+$0xC000] =	vst v1;
	v1 =	vld [tilespmem:s3+$0xC040]  }
0x382: {  	s15 =	simm.s32 $0x100;
	s17 =	simm.s32 $0x8400;
	v5 =	vadd.f32 v63, v7;
	[tilespmem:s3+$0xC010] =	vst v3;
	v3 =	vld [tilespmem:s3+$0xC050]  }
.LBB2_29:
0x383: {  	s0 =	sand.u32 $0x1C00, s17;
	v6 =	vld [tilespmem:s3+$0x12050];
	s6 =	sadd.s32 $0x10, s6  }
0x384: {  	s15 =	sadd.s32 $0x8, s15;
	s22 =	sand.u32 $0x380, s6;
	s24 =	sor.u32 s0, s6;
	[tilespmem:s3+$0xC020] =	vst v5;
	v0 =	vadd.f32 v4, v0;
	v4 =	vld [tilespmem:s3+$0xC060]  }
0x385: {  	p1 =	slt.u32 s15, $0x1F8;
	s0 =	sor.u32 s22, s0;
	s22 =	sor.u32 $0x70, s24;
	v5 =	vld [tilespmem:s3+$0x12060]  }
0x386: {  	v7 =	vld [tilespmem:s22+$0xC000];
	[tilespmem:s3+$0xC030] =	vst v0;
	v0 =	vadd.f32 v2, v1  }
0x387: {  	v1 =	vld [tilespmem:s22+$0x12000]  }
0x388: {  	v2 =	vld [tilespmem:s0+$0xC000];
	[tilespmem:s3+$0xC040] =	vst v0;
	v0 =	vadd.f32 v6, v3  }
0x389: {  	v3 =	vld [tilespmem:s0+$0x12000]  }
0x38a: {  	v6 =	vld [tilespmem:s0+$0xC010];
	[tilespmem:s3+$0xC050] =	vst v0;
	v0 =	vadd.f32 v5, v4  }
0x38b: {  	v5 =	vld [tilespmem:s0+$0x12010]  }
0x38c: {  	v8 =	vld [tilespmem:s0+$0xC020];
	v1 =	vadd.f32 v1, v7;
	[tilespmem:s3+$0xC060] =	vst v0;
	s3 =	smov.u32 s0  }
0x38d: {  	v7 =	vld [tilespmem:s3+$0x12020]  }
.Ltmp15:
0x38e: {  	v2 =	vadd.f32 v3, v2;
	v0 =	vld [tilespmem:s3+$0xC030];
	[tilespmem:s22+$0xC000] =	vst v1;
	(pc) =	sbr.rel @p1 .LBB2_29-.Ltmp15, $4  }
0x38f: {  	v4 =	vld [tilespmem:s3+$0x12030]  }
0x390: {  	[tilespmem:s3+$0xC000] =	vst v2;
	v3 =	vadd.f32 v5, v6;
	v1 =	vld [tilespmem:s3+$0xC040]  }
0x391: {  	v2 =	vld [tilespmem:s3+$0x12040]  }
0x392: {  	s17 =	sadd.s32 $0x400, s17;
	[tilespmem:s3+$0xC010] =	vst v3;
	v5 =	vadd.f32 v7, v8;
	v3 =	vld [tilespmem:s3+$0xC050]  }
0x393: {  	v6 =	vld [tilespmem:s3+$0x12050]  }
0x394: {  	v7 =	vld [tilespmem:s3+$0xC060]  }
0x395: {  	v8 =	vld [tilespmem:s3+$0x12060];
	_ =	sdelay $0x1  }
0x396: {  	v0 =	vadd.f32 v4, v0  }
0x397: {  	[tilespmem:s3+$0xC020] =	vst v5;
	v1 =	vadd.f32 v2, v1  }
0x398: {  	[tilespmem:s3+$0xC030] =	vst v0;
	v0 =	vadd.f32 v6, v3  }
0x399: {  	[tilespmem:s3+$0xC040] =	vst v1;
	v1 =	vadd.f32 v8, v7  }
0x39a: {  	[tilespmem:s3+$0xC050] =	vst v0  }
0x39b: {  	s0 =	sadd.s32 s31, s14;
	s6 =	simm.s32 $0xC200;
	[tilespmem:s3+$0xC060] =	vst v1;
	s3 =	simm.s32 $0x0  }
0x39c: {  	[hbm4b:s0+s3] =	stream.linear.scatter [tilespmem:s6], [sflag:$0xF], $0x200, $0x38;
	[tilespmem:$0x14000] =	vst v63  }
0x39d: {  	s15 =	simm.s32 $0xC600;
	s22 =	sadd.s32 $0x80, s0  }
0x39e: {  	[hbm4b:s22+s3] =	stream.linear.scatter [tilespmem:s15], [sflag:$0xF], $0x200, $0x38;
	[tilespmem:$0x14000] =	vst v63  }
0x39f: {  	s26 =	simm.s32 $0xCA00;
	s24 =	sadd.s32 $0x100, s0  }
0x3a0: {  	[hbm4b:s24+s3] =	stream.linear.scatter [tilespmem:s26], [sflag:$0xF], $0x200, $0x38;
	[tilespmem:$0x14000] =	vst v63  }
0x3a1: {  	s17 =	sadd.s32 $0x180, s0;
	s22 =	simm.s32 $0xCE00  }
0x3a2: {  	[hbm4b:s17+s3] =	stream.linear.scatter [tilespmem:s22], [sflag:$0xF], $0x200, $0x38;
	[tilespmem:$0x14000] =	vst v63  }
0x3a3: {  	s24 =	sadd.s32 $0x200, s0;
	s26 =	simm.s32 $0xD200  }
0x3a4: {  	[hbm4b:s24+s3] =	stream.linear.scatter [tilespmem:s26], [sflag:$0xF], $0x200, $0x38;
	[tilespmem:$0x14000] =	vst v63  }
0x3a5: {  	s17 =	sadd.s32 $0x280, s0;
	s22 =	simm.s32 $0xD600  }
0x3a6: {  	[hbm4b:s17+s3] =	stream.linear.scatter [tilespmem:s22], [sflag:$0xF], $0x200, $0x38;
	[tilespmem:$0x14000] =	vst v63  }
0x3a7: {  	s24 =	sadd.s32 $0x300, s0;
	s26 =	simm.s32 $0xDA00  }
0x3a8: {  	[hbm4b:s24+s3] =	stream.linear.scatter [tilespmem:s26], [sflag:$0xF], $0x200, $0x38;
	[tilespmem:$0x14000] =	vst v63  }
0x3a9: {  	s15 =	simm.s32 $0xDE00;
	s0 =	sadd.s32 $0x380, s0  }
0x3aa: {  	[hbm4b:s0+s3] =	stream.linear.scatter [tilespmem:s15], [sflag:$0xF], $0x200, $0x38;
	[tilespmem:$0x14000] =	vst v63  }
0x3ab: {  	s17 =	sand.u32 $0x1C00, s3;
	_ =	swait.ge [sflag:s8], $0x2000  }
0x3ac: {  	s22 =	sor.u32 s17, s3;
	[sflag:s8] =	ssyncset.done $0x0  }
0x3ad: {  	s24 =	sor.u32 $0x70, s22;
	[sflag:s8] =	ssyncadd.s32 $0xFFFFE000  }
0x3ae: {  	s26 =	sand.u32 $0x180, s3;
	v0 =	vld [tilespmem:s24+$0xE000]  }
0x3af: {  	s6 =	sor.u32 s26, s17;
	v1 =	vld [tilespmem:s24+$0x12000]  }
0x3b0: {  	v2 =	vld [tilespmem:s6+$0xE000]  }
0x3b1: {  	v3 =	vld [tilespmem:s6+$0x12000]  }
0x3b2: {  	v5 =	vld [tilespmem:s6+$0xE010]  }
0x3b3: {  	v6 =	vld [tilespmem:s6+$0x12010]  }
0x3b4: {  	v7 =	vld [tilespmem:s6+$0xE020]  }
0x3b5: {  	v63 =	vld [tilespmem:s6+$0x12020]  }
0x3b6: {  	v4 =	vld [tilespmem:s6+$0x12030];
	v1 =	vadd.f32 v1, v0  }
0x3b7: {  	v0 =	vld [tilespmem:s6+$0xE030];
	v2 =	vadd.f32 v3, v2  }
0x3b8: {  	v3 =	vadd.f32 v6, v5;
	[tilespmem:s24+$0xE000] =	vst v1;
	v1 =	vld [tilespmem:s6+$0xE040]  }
0x3b9: {  	[tilespmem:s6+$0xE000] =	vst v2;
	v2 =	vld [tilespmem:s6+$0x12040]  }
0x3ba: {  	s17 =	simm.s32 $0x400;
	s15 =	simm.s32 $0x0;
	v5 =	vadd.f32 v63, v7;
	[tilespmem:s6+$0xE010] =	vst v3;
	v3 =	vld [tilespmem:s6+$0xE050]  }
.LBB2_31:
0x3bb: {  	s0 =	sand.u32 $0x1C00, s17;
	v6 =	vld [tilespmem:s6+$0x12050];
	s3 =	sadd.s32 $0x10, s3  }
0x3bc: {  	s15 =	sadd.s32 $0x8, s15;
	s22 =	sand.u32 $0x180, s3;
	s24 =	sor.u32 s0, s3;
	[tilespmem:s6+$0xE020] =	vst v5;
	v0 =	vadd.f32 v4, v0;
	v4 =	vld [tilespmem:s6+$0xE060]  }
0x3bd: {  	p1 =	slt.u32 s15, $0xF8;
	s0 =	sor.u32 s22, s0;
	s22 =	sor.u32 $0x70, s24;
	v5 =	vld [tilespmem:s6+$0x12060]  }
0x3be: {  	v7 =	vld [tilespmem:s22+$0xE000];
	[tilespmem:s6+$0xE030] =	vst v0;
	v0 =	vadd.f32 v2, v1  }
0x3bf: {  	v1 =	vld [tilespmem:s22+$0x12000]  }
0x3c0: {  	v2 =	vld [tilespmem:s0+$0xE000];
	[tilespmem:s6+$0xE040] =	vst v0;
	v0 =	vadd.f32 v6, v3  }
0x3c1: {  	v3 =	vld [tilespmem:s0+$0x12000]  }
0x3c2: {  	v6 =	vld [tilespmem:s0+$0xE010];
	[tilespmem:s6+$0xE050] =	vst v0;
	v0 =	vadd.f32 v5, v4  }
0x3c3: {  	v5 =	vld [tilespmem:s0+$0x12010]  }
0x3c4: {  	v8 =	vld [tilespmem:s0+$0xE020];
	v1 =	vadd.f32 v1, v7;
	[tilespmem:s6+$0xE060] =	vst v0;
	s6 =	smov.u32 s0  }
0x3c5: {  	v7 =	vld [tilespmem:s6+$0x12020]  }
.Ltmp16:
0x3c6: {  	v2 =	vadd.f32 v3, v2;
	v0 =	vld [tilespmem:s6+$0xE030];
	[tilespmem:s22+$0xE000] =	vst v1;
	(pc) =	sbr.rel @p1 .LBB2_31-.Ltmp16, $4  }
0x3c7: {  	v4 =	vld [tilespmem:s6+$0x12030]  }
0x3c8: {  	[tilespmem:s6+$0xE000] =	vst v2;
	v3 =	vadd.f32 v5, v6;
	v1 =	vld [tilespmem:s6+$0xE040]  }
0x3c9: {  	v2 =	vld [tilespmem:s6+$0x12040]  }
0x3ca: {  	s17 =	sadd.s32 $0x400, s17;
	[tilespmem:s6+$0xE010] =	vst v3;
	v5 =	vadd.f32 v7, v8;
	v3 =	vld [tilespmem:s6+$0xE050]  }
0x3cb: {  	v6 =	vld [tilespmem:s6+$0x12050]  }
0x3cc: {  	v7 =	vld [tilespmem:s6+$0xE060]  }
0x3cd: {  	v8 =	vld [tilespmem:s6+$0x12060];
	_ =	sdelay $0x1  }
0x3ce: {  	v0 =	vadd.f32 v4, v0  }
0x3cf: {  	[tilespmem:s6+$0xE020] =	vst v5;
	v1 =	vadd.f32 v2, v1  }
0x3d0: {  	[tilespmem:s6+$0xE030] =	vst v0;
	v0 =	vadd.f32 v6, v3  }
0x3d1: {  	[tilespmem:s6+$0xE040] =	vst v1;
	v1 =	vadd.f32 v8, v7  }
0x3d2: {  	[tilespmem:s6+$0xE050] =	vst v0  }
0x3d3: {  	s0 =	sadd.s32 s4, s18;
	s24 =	simm.s32 $0xE000;
	[tilespmem:s6+$0xE060] =	vst v1  }
0x3d4: {  	[hbm4b:s0+s5] =	stream.linear.scatter [tilespmem:s24], [sflag:$0x10], $0x200, $0x38;
	[tilespmem:$0x14000] =	vst v63  }
0x3d5: {  	s18 =	simm.s32 $0xE400;
	s3 =	sadd.s32 $0x80, s0  }
0x3d6: {  	[hbm4b:s3+s5] =	stream.linear.scatter [tilespmem:s18], [sflag:$0x10], $0x200, $0x38;
	[tilespmem:$0x14000] =	vst v63  }
0x3d7: {  	s26 =	simm.s32 $0xE800;
	s22 =	sadd.s32 $0x100, s0  }
0x3d8: {  	[hbm4b:s22+s5] =	stream.linear.scatter [tilespmem:s26], [sflag:$0x10], $0x200, $0x38;
	[tilespmem:$0x14000] =	vst v63  }
0x3d9: {  	s15 =	simm.s32 $0xEC00;
	s6 =	sadd.s32 $0x180, s0  }
0x3da: {  	[hbm4b:s6+s5] =	stream.linear.scatter [tilespmem:s15], [sflag:$0x10], $0x200, $0x38;
	[tilespmem:$0x14000] =	vst v63  }
0x3db: {  	s17 =	sadd.s32 $0x200, s0;
	s18 =	simm.s32 $0xF000  }
0x3dc: {  	[hbm4b:s17+s5] =	stream.linear.scatter [tilespmem:s18], [sflag:$0x10], $0x200, $0x38;
	[tilespmem:$0x14000] =	vst v63  }
0x3dd: {  	s22 =	sadd.s32 $0x280, s0;
	s26 =	simm.s32 $0xF400  }
0x3de: {  	[hbm4b:s22+s5] =	stream.linear.scatter [tilespmem:s26], [sflag:$0x10], $0x200, $0x38;
	[tilespmem:$0x14000] =	vst v63  }
0x3df: {  	s6 =	sadd.s32 $0x300, s0;
	s15 =	simm.s32 $0xF800;
	s0 =	sadd.s32 $0x380, s0  }
0x3e0: {  	[hbm4b:s6+s5] =	stream.linear.scatter [tilespmem:s15], [sflag:$0x10], $0x200, $0x38;
	[tilespmem:$0x14000] =	vst v63  }
0x3e1: {  	s17 =	simm.s32 $0xFC00;
	s18 =	simm.s32 $0x8000;
	s6 =	simm.s32 $0x200  }
0x3e2: {  	[hbm4b:s0+s5] =	stream.linear.scatter [tilespmem:s17], [sflag:$0x10], $0x200, $0x38;
	[tilespmem:$0x14000] =	vst v63  }
0x3e3: {  	s26 =	sand.u32 $0x380, s6;
	s0 =	sand.u32 $0x1C00, s18  }
0x3e4: {  	s3 =	sor.u32 s26, s0  }
0x3e5: {  	v2 =	vld [tilespmem:s3+$0xE000]  }
0x3e6: {  	s22 =	sor.u32 s0, s6;
	v3 =	vld [tilespmem:s3+$0x12000]  }
0x3e7: {  	s15 =	sor.u32 $0x70, s22;
	v5 =	vld [tilespmem:s3+$0xE010]  }
0x3e8: {  	v0 =	vld [tilespmem:s15+$0xE000]  }
0x3e9: {  	v1 =	vld [tilespmem:s15+$0x12000]  }
0x3ea: {  	v6 =	vld [tilespmem:s3+$0x12010]  }
0x3eb: {  	v7 =	vld [tilespmem:s3+$0xE020]  }
0x3ec: {  	v63 =	vld [tilespmem:s3+$0x12020]  }
0x3ed: {  	v4 =	vld [tilespmem:s3+$0x12030];
	v2 =	vadd.f32 v3, v2  }
0x3ee: {  	v1 =	vadd.f32 v1, v0;
	v0 =	vld [tilespmem:s3+$0xE030]  }
0x3ef: {  	v3 =	vadd.f32 v6, v5;
	[tilespmem:s3+$0xE000] =	vst v2;
	v2 =	vld [tilespmem:s3+$0x12040]  }
0x3f0: {  	[tilespmem:s15+$0xE000] =	vst v1;
	v1 =	vld [tilespmem:s3+$0xE040]  }
0x3f1: {  	s17 =	simm.s32 $0x8400;
	v5 =	vadd.f32 v63, v7;
	[tilespmem:s3+$0xE010] =	vst v3;
	v3 =	vld [tilespmem:s3+$0xE050];
	s15 =	simm.s32 $0x100  }
.LBB2_33:
0x3f2: {  	s0 =	sand.u32 $0x1C00, s17;
	v6 =	vld [tilespmem:s3+$0x12050];
	s6 =	sadd.s32 $0x10, s6  }
0x3f3: {  	s15 =	sadd.s32 $0x8, s15;
	s18 =	sand.u32 $0x380, s6;
	s22 =	sor.u32 s0, s6;
	[tilespmem:s3+$0xE020] =	vst v5;
	v0 =	vadd.f32 v4, v0;
	v4 =	vld [tilespmem:s3+$0xE060]  }
0x3f4: {  	p1 =	slt.u32 s15, $0x1F8;
	s0 =	sor.u32 s18, s0;
	s18 =	sor.u32 $0x70, s22;
	v5 =	vld [tilespmem:s3+$0x12060]  }
0x3f5: {  	v7 =	vld [tilespmem:s18+$0xE000];
	[tilespmem:s3+$0xE030] =	vst v0;
	v0 =	vadd.f32 v2, v1  }
0x3f6: {  	v1 =	vld [tilespmem:s18+$0x12000]  }
0x3f7: {  	v2 =	vld [tilespmem:s0+$0xE000];
	[tilespmem:s3+$0xE040] =	vst v0;
	v0 =	vadd.f32 v6, v3  }
0x3f8: {  	v3 =	vld [tilespmem:s0+$0x12000]  }
0x3f9: {  	v6 =	vld [tilespmem:s0+$0xE010];
	[tilespmem:s3+$0xE050] =	vst v0;
	v0 =	vadd.f32 v5, v4  }
0x3fa: {  	v5 =	vld [tilespmem:s0+$0x12010]  }
0x3fb: {  	v8 =	vld [tilespmem:s0+$0xE020];
	v1 =	vadd.f32 v1, v7;
	[tilespmem:s3+$0xE060] =	vst v0;
	s3 =	smov.u32 s0  }
0x3fc: {  	v7 =	vld [tilespmem:s3+$0x12020]  }
.Ltmp17:
0x3fd: {  	v2 =	vadd.f32 v3, v2;
	v0 =	vld [tilespmem:s3+$0xE030];
	[tilespmem:s18+$0xE000] =	vst v1;
	(pc) =	sbr.rel @p1 .LBB2_33-.Ltmp17, $4  }
0x3fe: {  	v4 =	vld [tilespmem:s3+$0x12030]  }
0x3ff: {  	[tilespmem:s3+$0xE000] =	vst v2;
	v3 =	vadd.f32 v5, v6;
	v1 =	vld [tilespmem:s3+$0xE040]  }
0x400: {  	v2 =	vld [tilespmem:s3+$0x12040]  }
0x401: {  	s17 =	sadd.s32 $0x400, s17;
	[tilespmem:s3+$0xE010] =	vst v3;
	v5 =	vadd.f32 v7, v8;
	v3 =	vld [tilespmem:s3+$0xE050]  }
0x402: {  	v6 =	vld [tilespmem:s3+$0x12050]  }
0x403: {  	v7 =	vld [tilespmem:s3+$0xE060]  }
0x404: {  	v8 =	vld [tilespmem:s3+$0x12060];
	_ =	sdelay $0x1  }
0x405: {  	v0 =	vadd.f32 v4, v0  }
0x406: {  	[tilespmem:s3+$0xE020] =	vst v5;
	v1 =	vadd.f32 v2, v1  }
0x407: {  	[tilespmem:s3+$0xE030] =	vst v0;
	v62 =	vadd.f32 v6, v3  }
0x408: {  	[tilespmem:s3+$0xE040] =	vst v1;
	v63 =	vadd.f32 v8, v7  }
0x409: {  	[tilespmem:s3+$0xE050] =	vst v62  }
0x40a: {  	s0 =	sadd.s32 s31, s16;
	s15 =	simm.s32 $0xE200;
	[tilespmem:s3+$0xE060] =	vst v63  }
0x40b: {  	[hbm4b:s0+s5] =	stream.linear.scatter [tilespmem:s15], [sflag:$0x10], $0x200, $0x38;
	[tilespmem:$0x14000] =	vst v63  }
0x40c: {  	s6 =	simm.s32 $0xE600;
	s17 =	sadd.s32 $0x80, s0  }
0x40d: {  	[hbm4b:s17+s5] =	stream.linear.scatter [tilespmem:s6], [sflag:$0x10], $0x200, $0x38;
	[tilespmem:$0x14000] =	vst v63  }
0x40e: {  	s22 =	simm.s32 $0xEA00;
	s18 =	sadd.s32 $0x100, s0  }
0x40f: {  	[hbm4b:s18+s5] =	stream.linear.scatter [tilespmem:s22], [sflag:$0x10], $0x200, $0x38;
	[tilespmem:$0x14000] =	vst v63  }
0x410: {  	s31 =	simm.s32 $0xEE00;
	s26 =	sadd.s32 $0x180, s0  }
0x411: {  	[hbm4b:s26+s5] =	stream.linear.scatter [tilespmem:s31], [sflag:$0x10], $0x200, $0x38;
	[tilespmem:$0x14000] =	vst v63  }
0x412: {  	s15 =	simm.s32 $0xF200;
	s6 =	sadd.s32 $0x200, s0  }
0x413: {  	[hbm4b:s6+s5] =	stream.linear.scatter [tilespmem:s15], [sflag:$0x10], $0x200, $0x38;
	[tilespmem:$0x14000] =	vst v63  }
0x414: {  	s17 =	sadd.s32 $0x280, s0;
	s18 =	simm.s32 $0xF600  }
0x415: {  	[hbm4b:s17+s5] =	stream.linear.scatter [tilespmem:s18], [sflag:$0x10], $0x200, $0x38;
	[tilespmem:$0x14000] =	vst v63  }
.Ltmp18:
0x416: {  	_ = 	snop;
	(pc) =	sbr.rel @p0 .LBB2_36-.Ltmp18, $4  }
0x417: {  	s22 =	sadd.s32 $0x300, s0;
	s26 =	simm.s32 $0xFA00  }
0x418: {  	[hbm4b:s22+s5] =	stream.linear.scatter [tilespmem:s26], [sflag:$0x10], $0x200, $0x38;
	[tilespmem:$0x14000] =	vst v63  }
0x419: {  	s0 =	sadd.s32 $0x380, s0;
	s31 =	simm.s32 $0xFE00  }
0x41a: {  	[hbm4b:s0+s5] =	stream.linear.scatter [tilespmem:s31], [sflag:$0x10], $0x200, $0x38;
	[tilespmem:$0x14000] =	vst v63  }
.Ltmp19:
0x41b: {  	s0 =	rddreg [dreg:$0x9];
	(pc) =	sbr.rel .LBB2_2-.Ltmp19, $4  }
0x41c: {  	s0 =	sadd.s32 s2, s0  }
0x41d: {  	s26 =	rddreg [dreg:$0x1];
	s0 =	sshll.u32 s0, $0xA  }
0x41e: {  	s31 =	simm.s32 $0x12000;
	s30 =	sadd.s32 $0x1, s30;
	s0 =	sadd.s32 s26, s0  }
0x41f: {  	[tilespmem:s31], [sflag:$0x12] =	stream.linear.gather [hbm4b:s0+s5], $0x2000, $0x38;
	[tilespmem:$0x14000] =	vst v63  }
.LBB2_37:
0x420: {  	_ =	sfence.sel $0x180000  }
0x421: {  	[bflag:$0x0] =	sbarrier.arrive $0xFFFF  }
0x422: {  	_ =	strace $0x90000047  }
0x423: {  	s0 =	stileid.u32;
	[bflag:$0x2] =	sbarrier.arrive $0xFFFF  }
0x424: {  	p0 =	sne.s32 s0, $0x0;
	s0 =	rddreg [dreg:$0x3]  }
0x425: {  	s0 =	sadd.s32 @!p0 $0x100000, s0  }
0x426: {  	[sflag:s0] =	ssyncadd.tile.s32 @!p0 $0x1;
	_ =	shalt  }
.Lfunc_end2:
_tile_overlayer_lowered:
.L_overlay_start_2:
0x427: {  	(tag) =	ssettag $0x2  }
0x428: {  	s0 =	rddreg [dreg:$0x0];
	s2 =	stileid.u32  }
0x429: {  	s1 =	rddreg [dreg:$0x1];
	p0 =	sne.s32 s2, $0x0  }
0x42a: {  	s3 =	rddreg [dreg:$0x2];
	[bflag:$0x3] =	sbarrier.arrive $0xFFFF;
	s2 =	simm.s32 @!p0 $0x1C13  }
0x42b: {  	[timem:s3], [sflag:s2] =	dma.local @!p0 [hbm:s0], s1  }
0x42c: {  	s0 =	simm.s32 @!p0 $0x13  }
0x42d: {  	_ =	swait.ge @!p0 [sflag:s0], s1  }
0x42e: {  	s1 =	ssub.s32 @!p0 $0x0, s1;
	[sflag:s0] =	ssyncset.done @!p0 $0x0  }
0x42f: {  	[sflag:s0] =	ssyncadd.s32 @!p0 s1  }
0x430: {  	[bflag:$0x3] =	sbarrier.arrive $0xFFFF  }
0x431: {  	_ =	shalt  }

</sc_bundles>
